<compile_context>
chip_gen: v7x
topology: tpu7x:2x2x1
jax: 0.10.2.dev20260603
libtpu: 0.0.44.dev20260713+nightly
codegen_flags: <defaults>
</compile_context>

<pallas_src>
import functools

import jax
import jax.numpy as jnp
from jax import lax
from jax.experimental import pallas as pl
from jax.experimental.pallas import tpu as pltpu
from jax.experimental.pallas import tpu_sc as plsc

N = 10000
E = 320000
D = 128

NC = 2
NS = 16
NW = NC * NS

E_PER_TILE = E // NW
CHUNK = 80
NCHUNKS = E_PER_TILE // CHUNK

N_PAD = 10240
ROWS_PER_TILE = N_PAD // NS
ZROWS = 128


_GATHER_DNUMS = lax.GatherDimensionNumbers(
    offset_dims=(), collapsed_slice_dims=(0,), start_index_map=(0,))


def _bcast_lane(vec16, lane):
    idx = jnp.full((16, 1), lane, jnp.int32)
    return lax.gather(vec16, idx, _GATHER_DNUMS, (1,),
                      mode=lax.GatherScatterMode.PROMISE_IN_BOUNDS)


def _mm_body(x_ref, w_ref, o_ref):
    o_ref[...] = jnp.dot(x_ref[...], w_ref[...], preferred_element_type=jnp.float32)


def _fin_body(a_ref, b_ref, o_ref):
    o_ref[...] = jnp.maximum(a_ref[0] + b_ref[0], 0.0)


def _sc_body(support, src, dst, w, out, src_v, dst_v, w_v, rows_v, zbuf, acc, sem):
    c = lax.axis_index("c")
    s = lax.axis_index("s")
    wid = s * NC + c

    def zrow(i, _):
        for j in range(D // 16):
            zbuf[i, pl.ds(16 * j, 16)] = jnp.zeros((16,), jnp.float32)
        return _
    lax.fori_loop(0, ZROWS, zrow, 0)
    row_base = s * ROWS_PER_TILE
    for k in range(ROWS_PER_TILE // ZROWS):
        pltpu.sync_copy(zbuf, acc.at[pl.ds(row_base + k * ZROWS, ZROWS)])
    plsc.subcore_barrier()

    def chunk_body(g, _):
        base = wid * E_PER_TILE + g * CHUNK
        pltpu.sync_copy(src.at[pl.ds(base, CHUNK)], src_v)
        pltpu.sync_copy(dst.at[pl.ds(base, CHUNK)], dst_v)
        pltpu.sync_copy(w.at[pl.ds(base, CHUNK)], w_v)
        pltpu.async_copy(support.at[src_v], rows_v, sem).wait()

        def group_body(g2, _):
            e0 = g2 * 16
            wv16 = w_v[pl.ds(e0, 16)]
            for l in range(16):
                wb = _bcast_lane(wv16, l)
                e = e0 + l
                for j in range(D // 16):
                    rows_v[e, pl.ds(16 * j, 16)] = rows_v[e, pl.ds(16 * j, 16)] * wb
            return _
        lax.fori_loop(0, CHUNK // 16, group_body, 0)

        pltpu.sync_copy(rows_v, acc.at[dst_v], add=True)
        return _
    lax.fori_loop(0, NCHUNKS, chunk_body, 0)
    plsc.subcore_barrier()

    for k in range(ROWS_PER_TILE // ZROWS):
        r0 = row_base + k * ZROWS
        pltpu.sync_copy(acc.at[pl.ds(r0, ZROWS)], out.at[c, pl.ds(r0, ZROWS)])


@functools.partial(
    pl.kernel,
    out_type=jax.ShapeDtypeStruct((NC, N_PAD, D), jnp.float32),
    mesh=plsc.VectorSubcoreMesh(core_axis_name="c", subcore_axis_name="s"),
    scratch_types=[
        pltpu.VMEM((CHUNK,), jnp.int32),
        pltpu.VMEM((CHUNK,), jnp.int32),
        pltpu.VMEM((CHUNK,), jnp.float32),
        pltpu.VMEM((CHUNK, D), jnp.float32),
        pltpu.VMEM((ZROWS, D), jnp.float32),
        pltpu.VMEM_SHARED((N_PAD, D), jnp.float32),
        pltpu.SemaphoreType.DMA,
    ],
)
def _sc_aggregate(support, src, dst, w, out, *scratch):
    _sc_body(support, src, dst, w, out, *scratch)


_BLK = 1000


def kernel(features, edge_index, edge_weight, W):
    support = pl.pallas_call(
        _mm_body,
        grid=(N // _BLK,),
        in_specs=[
            pl.BlockSpec((_BLK, D), lambda i: (i, 0)),
            pl.BlockSpec((D, D), lambda i: (0, 0)),
        ],
        out_specs=pl.BlockSpec((_BLK, D), lambda i: (i, 0)),
        out_shape=jax.ShapeDtypeStruct((N, D), jnp.float32),
    )(features, W)

    parts = _sc_aggregate(support, edge_index[0], edge_index[1], edge_weight)

    out = pl.pallas_call(
        _fin_body,
        grid=(N // _BLK,),
        in_specs=[
            pl.BlockSpec((1, _BLK, D), lambda i: (0, i, 0)),
            pl.BlockSpec((1, _BLK, D), lambda i: (1, i, 0)),
        ],
        out_specs=pl.BlockSpec((_BLK, D), lambda i: (i, 0)),
        out_shape=jax.ShapeDtypeStruct((N, D), jnp.float32),
    )(parts, parts)
    return out

# --- scband reference (transcript-rebuilt; emitter-appended) ---
"""Pipeline reference for scband-graph-conv-21792664060532 (READ-ONLY COPY).

The authoritative reference and input builder live on the scoring server;
editing this copy changes nothing except your own understanding.
"""

import jax, jax.numpy as jnp
import numpy as np

N = 10000
E = 320000
D_IN = 128
D_OUT = 128


def setup_inputs(seed: int = 0) -> dict:
    key = jax.random.key(seed)
    k1, k2, k3, k4 = jax.random.split(key, 4)
    features = jax.random.normal(k1, (N, D_IN), dtype=jnp.float32)
    # 'pre' sparse adjacency represented in COO form: edge_index [2, E] (src, dst) + edge_weight [E]
    edge_index = jax.random.randint(k2, (2, E), 0, N, dtype=jnp.int32)
    edge_weight = jax.random.uniform(k3, (E,), dtype=jnp.float32)
    # learned parameters per init_kwargs (bias exists in module but is unused in forward)
    W = jax.random.normal(k4, (D_IN, D_OUT), dtype=jnp.float32)
    return {"features": features, "edge_index": edge_index, "edge_weight": edge_weight, "W": W}


def reference(features, edge_index, edge_weight, W):
    # support = torch.spmm(features, self.weight)  (features is dense here -> plain matmul)
    support = features @ W
    # output = torch.spmm(self.pre, support): sparse [N,N] x dense [N,D] == gather + weighted scatter-add
    src = edge_index[0]
    dst = edge_index[1]
    msgs = support[src] * edge_weight[:, None]
    output = jax.ops.segment_sum(msgs, dst, num_segments=N)
    # act == 'relu'
    output = jax.nn.relu(output)
    # dropout p=0.0 (eval) -> identity
    return output

if __name__ == "__main__":
    import jax
    _d = setup_inputs()
    print(jax.jit(kernel)(*tuple(_d.values())))

</pallas_src>

<mosaic_0001>
#map = affine_map<(d0, d1) -> (0, 0)>
#map1 = affine_map<(d0, d1) -> (0)>
#map2 = affine_map<(d0, d1) -> (0, 0, 0)>
module attributes {stable_mosaic.version = 14 : i64} {
  func.func @_sc_aggregate(%arg0: i32, %arg1: i32, %arg2: memref<10000x128xf32, #tpu.memory_space<hbm>>, %arg3: memref<320000xi32, #tpu.memory_space<hbm>>, %arg4: memref<320000xi32, #tpu.memory_space<hbm>>, %arg5: memref<320000xf32, #tpu.memory_space<hbm>>, %arg6: memref<2x10240x128xf32, #tpu.memory_space<hbm>>, %arg7: memref<80xi32, #tpu.memory_space<vmem>>, %arg8: memref<80xi32, #tpu.memory_space<vmem>>, %arg9: memref<80xf32, #tpu.memory_space<vmem>>, %arg10: memref<80x128xf32, #tpu.memory_space<vmem>>, %arg11: memref<128x128xf32, #tpu.memory_space<vmem>>, %arg12: memref<10240x128xf32, #tpu.memory_space<vmem_shared>>, %arg13: memref<!tpu.dma_semaphore, #tpu.memory_space<semaphore_mem>>) attributes {dimension_semantics = [#tpu.dimension_semantics<core_parallel>, #tpu.dimension_semantics<subcore_parallel>], iteration_bounds = array<i64: 2, 16>, scalar_prefetch = 0 : i64, scratch_operands = 7 : i64, tpu.core_type = #tpu.core_type<sc_vector_subcore>, window_params = [{transform_indices = #map}, {transform_indices = #map1}, {transform_indices = #map1}, {transform_indices = #map1}, {transform_indices = #map2}]} {
    %mul3A = arith.constant 2 : i32
    %mul3A_0 = arith.muli %arg1, %mul3A : i32
    %add3A = arith.addi %mul3A_0, %arg0 : i32
    %scan3A = arith.constant 0 : i32
    %scan3A_1 = arith.constant 0 : i32
    %scan3A_2 = arith.constant 128 : i32
    %scan3A_3 = arith.addi %scan3A_1, %scan3A_2 : i32
    %scan3A_4 = arith.constant 1 : i32
    scf.for %scan3A_35 = %scan3A_1 to %scan3A_3 step %scan3A_4  : i32 {
      %broadcast_in_dim3A = arith.constant 0.000000e+00 : f32
      %broadcast_in_dim3A_36 = vector.broadcast %broadcast_in_dim3A : f32 to vector<16xf32>
      %swap3A = arith.index_cast %scan3A_35 : i32 to index
      %swap3A_37 = arith.constant 0 : index
      %swap3A_38 = tpu.vector_load %arg11[%swap3A, %swap3A_37] {strides = array<i32>} : memref<128x128xf32, #tpu.memory_space<vmem>>, vector<1x16xf32>,
      %swap3A_39 = vector.shape_cast %swap3A_38 : vector<1x16xf32> to vector<16xf32>
      %swap3A_40 = vector.shape_cast %broadcast_in_dim3A_36 : vector<16xf32> to vector<1x16xf32>
      tpu.vector_store %arg11[%swap3A, %swap3A_37], %swap3A_40 {strides = array<i32>} : memref<128x128xf32, #tpu.memory_space<vmem>>, vector<1x16xf32>,
      %broadcast_in_dim3A_41 = arith.constant 0.000000e+00 : f32
      %broadcast_in_dim3A_42 = vector.broadcast %broadcast_in_dim3A_41 : f32 to vector<16xf32>
      %swap3A_43 = arith.index_cast %scan3A_35 : i32 to index
      %swap3A_44 = arith.constant 16 : index
      %swap3A_45 = tpu.vector_load %arg11[%swap3A_43, %swap3A_44] {strides = array<i32>} : memref<128x128xf32, #tpu.memory_space<vmem>>, vector<1x16xf32>,
      %swap3A_46 = vector.shape_cast %swap3A_45 : vector<1x16xf32> to vector<16xf32>
      %swap3A_47 = vector.shape_cast %broadcast_in_dim3A_42 : vector<16xf32> to vector<1x16xf32>
      tpu.vector_store %arg11[%swap3A_43, %swap3A_44], %swap3A_47 {strides = array<i32>} : memref<128x128xf32, #tpu.memory_space<vmem>>, vector<1x16xf32>,
      %broadcast_in_dim3A_48 = arith.constant 0.000000e+00 : f32
      %broadcast_in_dim3A_49 = vector.broadcast %broadcast_in_dim3A_48 : f32 to vector<16xf32>
      %swap3A_50 = arith.index_cast %scan3A_35 : i32 to index
      %swap3A_51 = arith.constant 32 : index
      %swap3A_52 = tpu.vector_load %arg11[%swap3A_50, %swap3A_51] {strides = array<i32>} : memref<128x128xf32, #tpu.memory_space<vmem>>, vector<1x16xf32>,
      %swap3A_53 = vector.shape_cast %swap3A_52 : vector<1x16xf32> to vector<16xf32>
      %swap3A_54 = vector.shape_cast %broadcast_in_dim3A_49 : vector<16xf32> to vector<1x16xf32>
      tpu.vector_store %arg11[%swap3A_50, %swap3A_51], %swap3A_54 {strides = array<i32>} : memref<128x128xf32, #tpu.memory_space<vmem>>, vector<1x16xf32>,
      %broadcast_in_dim3A_55 = arith.constant 0.000000e+00 : f32
      %broadcast_in_dim3A_56 = vector.broadcast %broadcast_in_dim3A_55 : f32 to vector<16xf32>
      %swap3A_57 = arith.index_cast %scan3A_35 : i32 to index
      %swap3A_58 = arith.constant 48 : index
      %swap3A_59 = tpu.vector_load %arg11[%swap3A_57, %swap3A_58] {strides = array<i32>} : memref<128x128xf32, #tpu.memory_space<vmem>>, vector<1x16xf32>,
      %swap3A_60 = vector.shape_cast %swap3A_59 : vector<1x16xf32> to vector<16xf32>
      %swap3A_61 = vector.shape_cast %broadcast_in_dim3A_56 : vector<16xf32> to vector<1x16xf32>
      tpu.vector_store %arg11[%swap3A_57, %swap3A_58], %swap3A_61 {strides = array<i32>} : memref<128x128xf32, #tpu.memory_space<vmem>>, vector<1x16xf32>,
      %broadcast_in_dim3A_62 = arith.constant 0.000000e+00 : f32
      %broadcast_in_dim3A_63 = vector.broadcast %broadcast_in_dim3A_62 : f32 to vector<16xf32>
      %swap3A_64 = arith.index_cast %scan3A_35 : i32 to index
      %swap3A_65 = arith.constant 64 : index
      %swap3A_66 = tpu.vector_load %arg11[%swap3A_64, %swap3A_65] {strides = array<i32>} : memref<128x128xf32, #tpu.memory_space<vmem>>, vector<1x16xf32>,
      %swap3A_67 = vector.shape_cast %swap3A_66 : vector<1x16xf32> to vector<16xf32>
      %swap3A_68 = vector.shape_cast %broadcast_in_dim3A_63 : vector<16xf32> to vector<1x16xf32>
      tpu.vector_store %arg11[%swap3A_64, %swap3A_65], %swap3A_68 {strides = array<i32>} : memref<128x128xf32, #tpu.memory_space<vmem>>, vector<1x16xf32>,
      %broadcast_in_dim3A_69 = arith.constant 0.000000e+00 : f32
      %broadcast_in_dim3A_70 = vector.broadcast %broadcast_in_dim3A_69 : f32 to vector<16xf32>
      %swap3A_71 = arith.index_cast %scan3A_35 : i32 to index
      %swap3A_72 = arith.constant 80 : index
      %swap3A_73 = tpu.vector_load %arg11[%swap3A_71, %swap3A_72] {strides = array<i32>} : memref<128x128xf32, #tpu.memory_space<vmem>>, vector<1x16xf32>,
      %swap3A_74 = vector.shape_cast %swap3A_73 : vector<1x16xf32> to vector<16xf32>
      %swap3A_75 = vector.shape_cast %broadcast_in_dim3A_70 : vector<16xf32> to vector<1x16xf32>
      tpu.vector_store %arg11[%swap3A_71, %swap3A_72], %swap3A_75 {strides = array<i32>} : memref<128x128xf32, #tpu.memory_space<vmem>>, vector<1x16xf32>,
      %broadcast_in_dim3A_76 = arith.constant 0.000000e+00 : f32
      %broadcast_in_dim3A_77 = vector.broadcast %broadcast_in_dim3A_76 : f32 to vector<16xf32>
      %swap3A_78 = arith.index_cast %scan3A_35 : i32 to index
      %swap3A_79 = arith.constant 96 : index
      %swap3A_80 = tpu.vector_load %arg11[%swap3A_78, %swap3A_79] {strides = array<i32>} : memref<128x128xf32, #tpu.memory_space<vmem>>, vector<1x16xf32>,
      %swap3A_81 = vector.shape_cast %swap3A_80 : vector<1x16xf32> to vector<16xf32>
      %swap3A_82 = vector.shape_cast %broadcast_in_dim3A_77 : vector<16xf32> to vector<1x16xf32>
      tpu.vector_store %arg11[%swap3A_78, %swap3A_79], %swap3A_82 {strides = array<i32>} : memref<128x128xf32, #tpu.memory_space<vmem>>, vector<1x16xf32>,
      %broadcast_in_dim3A_83 = arith.constant 0.000000e+00 : f32
      %broadcast_in_dim3A_84 = vector.broadcast %broadcast_in_dim3A_83 : f32 to vector<16xf32>
      %swap3A_85 = arith.index_cast %scan3A_35 : i32 to index
      %swap3A_86 = arith.constant 112 : index
      %swap3A_87 = tpu.vector_load %arg11[%swap3A_85, %swap3A_86] {strides = array<i32>} : memref<128x128xf32, #tpu.memory_space<vmem>>, vector<1x16xf32>,
      %swap3A_88 = vector.shape_cast %swap3A_87 : vector<1x16xf32> to vector<16xf32>
      %swap3A_89 = vector.shape_cast %broadcast_in_dim3A_84 : vector<16xf32> to vector<1x16xf32>
      tpu.vector_store %arg11[%swap3A_85, %swap3A_86], %swap3A_89 {strides = array<i32>} : memref<128x128xf32, #tpu.memory_space<vmem>>, vector<1x16xf32>,
    }
    %scan3A_5 = arith.constant 128 : i32
    %mul3A_6 = arith.constant 640 : i32
    %mul3A_7 = arith.muli %arg1, %mul3A_6 : i32
    %add3A_8 = arith.constant 0 : i32
    %add3A_9 = arith.addi %mul3A_7, %add3A_8 : i32
    "tpu.region"() ({
      %run_scoped3A = tpu.sem_alloc : memref<!tpu.dma_semaphore, #tpu.memory_space<semaphore_mem>>
      %dma_start3A = arith.constant 0 : i32
      %dma_start3A_35 = tpu.memref_slice %arg12[%add3A_9, %dma_start3A] : memref<10240x128xf32, #tpu.memory_space<vmem_shared>> -> memref<128x128xf32, #tpu.memory_space<vmem_shared>>
      %dma_start3A_36 = arith.constant 0 : i32
      %dma_start3A_37 = tpu.memref_slice %arg12[%add3A_9, %dma_start3A_36] : memref<10240x128xf32, #tpu.memory_space<vmem_shared>> -> memref<128x128xf32, #tpu.memory_space<vmem_shared>>
      tpu.enqueue_dma source(%arg11 : memref<128x128xf32, #tpu.memory_space<vmem>>) target(%dma_start3A_37 : memref<128x128xf32, #tpu.memory_space<vmem_shared>>) target_semaphore(%run_scoped3A : memref<!tpu.dma_semaphore, #tpu.memory_space<semaphore_mem>>)
      %dma_wait3A = arith.constant 0 : i32
      %dma_wait3A_38 = tpu.memref_slice %arg12[%add3A_9, %dma_wait3A] : memref<10240x128xf32, #tpu.memory_space<vmem_shared>> -> memref<128x128xf32, #tpu.memory_space<vmem_shared>>
      %dma_wait3A_39 = arith.constant 0 : i32
      %dma_wait3A_40 = tpu.memref_slice %arg12[%add3A_9, %dma_wait3A_39] : memref<10240x128xf32, #tpu.memory_space<vmem_shared>> -> memref<128x128xf32, #tpu.memory_space<vmem_shared>>
      tpu.wait_dma2 semaphore(%run_scoped3A : memref<!tpu.dma_semaphore, #tpu.memory_space<semaphore_mem>>) src(%arg11 : memref<128x128xf32, #tpu.memory_space<vmem>>) dst(%dma_wait3A_40 : memref<128x128xf32, #tpu.memory_space<vmem_shared>>)
      tpu.yield
    }) : () -> ()
    %add3A_10 = arith.constant 128 : i32
    %add3A_11 = arith.addi %mul3A_7, %add3A_10 : i32
    "tpu.region"() ({
      %run_scoped3A = tpu.sem_alloc : memref<!tpu.dma_semaphore, #tpu.memory_space<semaphore_mem>>
      %dma_start3A = arith.constant 0 : i32
      %dma_start3A_35 = tpu.memref_slice %arg12[%add3A_11, %dma_start3A] : memref<10240x128xf32, #tpu.memory_space<vmem_shared>> -> memref<128x128xf32, #tpu.memory_space<vmem_shared>>
      %dma_start3A_36 = arith.constant 0 : i32
      %dma_start3A_37 = tpu.memref_slice %arg12[%add3A_11, %dma_start3A_36] : memref<10240x128xf32, #tpu.memory_space<vmem_shared>> -> memref<128x128xf32, #tpu.memory_space<vmem_shared>>
      tpu.enqueue_dma source(%arg11 : memref<128x128xf32, #tpu.memory_space<vmem>>) target(%dma_start3A_37 : memref<128x128xf32, #tpu.memory_space<vmem_shared>>) target_semaphore(%run_scoped3A : memref<!tpu.dma_semaphore, #tpu.memory_space<semaphore_mem>>)
      %dma_wait3A = arith.constant 0 : i32
      %dma_wait3A_38 = tpu.memref_slice %arg12[%add3A_11, %dma_wait3A] : memref<10240x128xf32, #tpu.memory_space<vmem_shared>> -> memref<128x128xf32, #tpu.memory_space<vmem_shared>>
      %dma_wait3A_39 = arith.constant 0 : i32
      %dma_wait3A_40 = tpu.memref_slice %arg12[%add3A_11, %dma_wait3A_39] : memref<10240x128xf32, #tpu.memory_space<vmem_shared>> -> memref<128x128xf32, #tpu.memory_space<vmem_shared>>
      tpu.wait_dma2 semaphore(%run_scoped3A : memref<!tpu.dma_semaphore, #tpu.memory_space<semaphore_mem>>) src(%arg11 : memref<128x128xf32, #tpu.memory_space<vmem>>) dst(%dma_wait3A_40 : memref<128x128xf32, #tpu.memory_space<vmem_shared>>)
      tpu.yield
    }) : () -> ()
    %add3A_12 = arith.constant 256 : i32
    %add3A_13 = arith.addi %mul3A_7, %add3A_12 : i32
    "tpu.region"() ({
      %run_scoped3A = tpu.sem_alloc : memref<!tpu.dma_semaphore, #tpu.memory_space<semaphore_mem>>
      %dma_start3A = arith.constant 0 : i32
      %dma_start3A_35 = tpu.memref_slice %arg12[%add3A_13, %dma_start3A] : memref<10240x128xf32, #tpu.memory_space<vmem_shared>> -> memref<128x128xf32, #tpu.memory_space<vmem_shared>>
      %dma_start3A_36 = arith.constant 0 : i32
      %dma_start3A_37 = tpu.memref_slice %arg12[%add3A_13, %dma_start3A_36] : memref<10240x128xf32, #tpu.memory_space<vmem_shared>> -> memref<128x128xf32, #tpu.memory_space<vmem_shared>>
      tpu.enqueue_dma source(%arg11 : memref<128x128xf32, #tpu.memory_space<vmem>>) target(%dma_start3A_37 : memref<128x128xf32, #tpu.memory_space<vmem_shared>>) target_semaphore(%run_scoped3A : memref<!tpu.dma_semaphore, #tpu.memory_space<semaphore_mem>>)
      %dma_wait3A = arith.constant 0 : i32
      %dma_wait3A_38 = tpu.memref_slice %arg12[%add3A_13, %dma_wait3A] : memref<10240x128xf32, #tpu.memory_space<vmem_shared>> -> memref<128x128xf32, #tpu.memory_space<vmem_shared>>
      %dma_wait3A_39 = arith.constant 0 : i32
      %dma_wait3A_40 = tpu.memref_slice %arg12[%add3A_13, %dma_wait3A_39] : memref<10240x128xf32, #tpu.memory_space<vmem_shared>> -> memref<128x128xf32, #tpu.memory_space<vmem_shared>>
      tpu.wait_dma2 semaphore(%run_scoped3A : memref<!tpu.dma_semaphore, #tpu.memory_space<semaphore_mem>>) src(%arg11 : memref<128x128xf32, #tpu.memory_space<vmem>>) dst(%dma_wait3A_40 : memref<128x128xf32, #tpu.memory_space<vmem_shared>>)
      tpu.yield
    }) : () -> ()
    %add3A_14 = arith.constant 384 : i32
    %add3A_15 = arith.addi %mul3A_7, %add3A_14 : i32
    "tpu.region"() ({
      %run_scoped3A = tpu.sem_alloc : memref<!tpu.dma_semaphore, #tpu.memory_space<semaphore_mem>>
      %dma_start3A = arith.constant 0 : i32
      %dma_start3A_35 = tpu.memref_slice %arg12[%add3A_15, %dma_start3A] : memref<10240x128xf32, #tpu.memory_space<vmem_shared>> -> memref<128x128xf32, #tpu.memory_space<vmem_shared>>
      %dma_start3A_36 = arith.constant 0 : i32
      %dma_start3A_37 = tpu.memref_slice %arg12[%add3A_15, %dma_start3A_36] : memref<10240x128xf32, #tpu.memory_space<vmem_shared>> -> memref<128x128xf32, #tpu.memory_space<vmem_shared>>
      tpu.enqueue_dma source(%arg11 : memref<128x128xf32, #tpu.memory_space<vmem>>) target(%dma_start3A_37 : memref<128x128xf32, #tpu.memory_space<vmem_shared>>) target_semaphore(%run_scoped3A : memref<!tpu.dma_semaphore, #tpu.memory_space<semaphore_mem>>)
      %dma_wait3A = arith.constant 0 : i32
      %dma_wait3A_38 = tpu.memref_slice %arg12[%add3A_15, %dma_wait3A] : memref<10240x128xf32, #tpu.memory_space<vmem_shared>> -> memref<128x128xf32, #tpu.memory_space<vmem_shared>>
      %dma_wait3A_39 = arith.constant 0 : i32
      %dma_wait3A_40 = tpu.memref_slice %arg12[%add3A_15, %dma_wait3A_39] : memref<10240x128xf32, #tpu.memory_space<vmem_shared>> -> memref<128x128xf32, #tpu.memory_space<vmem_shared>>
      tpu.wait_dma2 semaphore(%run_scoped3A : memref<!tpu.dma_semaphore, #tpu.memory_space<semaphore_mem>>) src(%arg11 : memref<128x128xf32, #tpu.memory_space<vmem>>) dst(%dma_wait3A_40 : memref<128x128xf32, #tpu.memory_space<vmem_shared>>)
      tpu.yield
    }) : () -> ()
    %add3A_16 = arith.constant 512 : i32
    %add3A_17 = arith.addi %mul3A_7, %add3A_16 : i32
    "tpu.region"() ({
      %run_scoped3A = tpu.sem_alloc : memref<!tpu.dma_semaphore, #tpu.memory_space<semaphore_mem>>
      %dma_start3A = arith.constant 0 : i32
      %dma_start3A_35 = tpu.memref_slice %arg12[%add3A_17, %dma_start3A] : memref<10240x128xf32, #tpu.memory_space<vmem_shared>> -> memref<128x128xf32, #tpu.memory_space<vmem_shared>>
      %dma_start3A_36 = arith.constant 0 : i32
      %dma_start3A_37 = tpu.memref_slice %arg12[%add3A_17, %dma_start3A_36] : memref<10240x128xf32, #tpu.memory_space<vmem_shared>> -> memref<128x128xf32, #tpu.memory_space<vmem_shared>>
      tpu.enqueue_dma source(%arg11 : memref<128x128xf32, #tpu.memory_space<vmem>>) target(%dma_start3A_37 : memref<128x128xf32, #tpu.memory_space<vmem_shared>>) target_semaphore(%run_scoped3A : memref<!tpu.dma_semaphore, #tpu.memory_space<semaphore_mem>>)
      %dma_wait3A = arith.constant 0 : i32
      %dma_wait3A_38 = tpu.memref_slice %arg12[%add3A_17, %dma_wait3A] : memref<10240x128xf32, #tpu.memory_space<vmem_shared>> -> memref<128x128xf32, #tpu.memory_space<vmem_shared>>
      %dma_wait3A_39 = arith.constant 0 : i32
      %dma_wait3A_40 = tpu.memref_slice %arg12[%add3A_17, %dma_wait3A_39] : memref<10240x128xf32, #tpu.memory_space<vmem_shared>> -> memref<128x128xf32, #tpu.memory_space<vmem_shared>>
      tpu.wait_dma2 semaphore(%run_scoped3A : memref<!tpu.dma_semaphore, #tpu.memory_space<semaphore_mem>>) src(%arg11 : memref<128x128xf32, #tpu.memory_space<vmem>>) dst(%dma_wait3A_40 : memref<128x128xf32, #tpu.memory_space<vmem_shared>>)
      tpu.yield
    }) : () -> ()
    %barrier3A = arith.constant 0 : index
    tpu.barrier barrier_id(%barrier3A)
    %scan3A_18 = arith.constant 0 : i32
    %scan3A_19 = arith.constant 0 : i32
    %scan3A_20 = arith.constant 125 : i32
    %scan3A_21 = arith.addi %scan3A_19, %scan3A_20 : i32
    %scan3A_22 = arith.constant 1 : i32
    scf.for %scan3A_35 = %scan3A_19 to %scan3A_21 step %scan3A_22  : i32 {
      %mul3A_36 = arith.constant 10000 : i32
      %mul3A_37 = arith.muli %add3A, %mul3A_36 : i32
      %mul3A_38 = arith.constant 80 : i32
      %mul3A_39 = arith.muli %scan3A_35, %mul3A_38 : i32
      %add3A_40 = arith.addi %mul3A_37, %mul3A_39 : i32
      "tpu.region"() ({
        %run_scoped3A = tpu.sem_alloc : memref<!tpu.dma_semaphore, #tpu.memory_space<semaphore_mem>>
        %dma_start3A_51 = tpu.memref_slice %arg3[%add3A_40] : memref<320000xi32, #tpu.memory_space<hbm>> -> memref<80xi32, #tpu.memory_space<hbm>>
        %dma_start3A_52 = tpu.memref_slice %arg3[%add3A_40] : memref<320000xi32, #tpu.memory_space<hbm>> -> memref<80xi32, #tpu.memory_space<hbm>>
        tpu.enqueue_dma source(%dma_start3A_52 : memref<80xi32, #tpu.memory_space<hbm>>) target(%arg7 : memref<80xi32, #tpu.memory_space<vmem>>) target_semaphore(%run_scoped3A : memref<!tpu.dma_semaphore, #tpu.memory_space<semaphore_mem>>)
        %dma_wait3A_53 = tpu.memref_slice %arg3[%add3A_40] : memref<320000xi32, #tpu.memory_space<hbm>> -> memref<80xi32, #tpu.memory_space<hbm>>
        %dma_wait3A_54 = tpu.memref_slice %arg3[%add3A_40] : memref<320000xi32, #tpu.memory_space<hbm>> -> memref<80xi32, #tpu.memory_space<hbm>>
        tpu.wait_dma2 semaphore(%run_scoped3A : memref<!tpu.dma_semaphore, #tpu.memory_space<semaphore_mem>>) src(%dma_wait3A_54 : memref<80xi32, #tpu.memory_space<hbm>>) dst(%arg7 : memref<80xi32, #tpu.memory_space<vmem>>)
        tpu.yield
      }) : () -> ()
      "tpu.region"() ({
        %run_scoped3A = tpu.sem_alloc : memref<!tpu.dma_semaphore, #tpu.memory_space<semaphore_mem>>
        %dma_start3A_51 = tpu.memref_slice %arg4[%add3A_40] : memref<320000xi32, #tpu.memory_space<hbm>> -> memref<80xi32, #tpu.memory_space<hbm>>
        %dma_start3A_52 = tpu.memref_slice %arg4[%add3A_40] : memref<320000xi32, #tpu.memory_space<hbm>> -> memref<80xi32, #tpu.memory_space<hbm>>
        tpu.enqueue_dma source(%dma_start3A_52 : memref<80xi32, #tpu.memory_space<hbm>>) target(%arg8 : memref<80xi32, #tpu.memory_space<vmem>>) target_semaphore(%run_scoped3A : memref<!tpu.dma_semaphore, #tpu.memory_space<semaphore_mem>>)
        %dma_wait3A_53 = tpu.memref_slice %arg4[%add3A_40] : memref<320000xi32, #tpu.memory_space<hbm>> -> memref<80xi32, #tpu.memory_space<hbm>>
        %dma_wait3A_54 = tpu.memref_slice %arg4[%add3A_40] : memref<320000xi32, #tpu.memory_space<hbm>> -> memref<80xi32, #tpu.memory_space<hbm>>
        tpu.wait_dma2 semaphore(%run_scoped3A : memref<!tpu.dma_semaphore, #tpu.memory_space<semaphore_mem>>) src(%dma_wait3A_54 : memref<80xi32, #tpu.memory_space<hbm>>) dst(%arg8 : memref<80xi32, #tpu.memory_space<vmem>>)
        tpu.yield
      }) : () -> ()
      "tpu.region"() ({
        %run_scoped3A = tpu.sem_alloc : memref<!tpu.dma_semaphore, #tpu.memory_space<semaphore_mem>>
        %dma_start3A_51 = tpu.memref_slice %arg5[%add3A_40] : memref<320000xf32, #tpu.memory_space<hbm>> -> memref<80xf32, #tpu.memory_space<hbm>>
        %dma_start3A_52 = tpu.memref_slice %arg5[%add3A_40] : memref<320000xf32, #tpu.memory_space<hbm>> -> memref<80xf32, #tpu.memory_space<hbm>>
        tpu.enqueue_dma source(%dma_start3A_52 : memref<80xf32, #tpu.memory_space<hbm>>) target(%arg9 : memref<80xf32, #tpu.memory_space<vmem>>) target_semaphore(%run_scoped3A : memref<!tpu.dma_semaphore, #tpu.memory_space<semaphore_mem>>)
        %dma_wait3A_53 = tpu.memref_slice %arg5[%add3A_40] : memref<320000xf32, #tpu.memory_space<hbm>> -> memref<80xf32, #tpu.memory_space<hbm>>
        %dma_wait3A_54 = tpu.memref_slice %arg5[%add3A_40] : memref<320000xf32, #tpu.memory_space<hbm>> -> memref<80xf32, #tpu.memory_space<hbm>>
        tpu.wait_dma2 semaphore(%run_scoped3A : memref<!tpu.dma_semaphore, #tpu.memory_space<semaphore_mem>>) src(%dma_wait3A_54 : memref<80xf32, #tpu.memory_space<hbm>>) dst(%arg9 : memref<80xf32, #tpu.memory_space<vmem>>)
        tpu.yield
      }) : () -> ()
      %dma_start3A = arith.constant 0 : i32
      %dma_start3A_41 = arith.constant 0 : i32
      %dma_start3A_42 = tpu.memref_slice %arg2[%dma_start3A, %dma_start3A_41] : memref<10000x128xf32, #tpu.memory_space<hbm>> -> memref<10000x128xf32, #tpu.memory_space<hbm>>
      tpu.enqueue_indirect_dma source(%dma_start3A_42 : memref<10000x128xf32, #tpu.memory_space<hbm>>) target(%arg10 : memref<80x128xf32, #tpu.memory_space<vmem>>) offsets(%arg7 : memref<80xi32, #tpu.memory_space<vmem>>) semaphore(%arg13 : memref<!tpu.dma_semaphore, #tpu.memory_space<semaphore_mem>>)
      %dma_wait3A = arith.constant 0 : i32
      %dma_wait3A_43 = arith.constant 0 : i32
      %dma_wait3A_44 = tpu.memref_slice %arg2[%dma_wait3A, %dma_wait3A_43] : memref<10000x128xf32, #tpu.memory_space<hbm>> -> memref<10000x128xf32, #tpu.memory_space<hbm>>
      tpu.wait_indirect_dma semaphore(%arg13 : memref<!tpu.dma_semaphore, #tpu.memory_space<semaphore_mem>>) src(%dma_wait3A_44 : memref<10000x128xf32, #tpu.memory_space<hbm>>) dst(%arg10 : memref<80x128xf32, #tpu.memory_space<vmem>>)
      %scan3A_45 = arith.constant 0 : i32
      %scan3A_46 = arith.constant 0 : i32
      %scan3A_47 = arith.constant 5 : i32
      %scan3A_48 = arith.addi %scan3A_46, %scan3A_47 : i32
      %scan3A_49 = arith.constant 1 : i32
      scf.for %scan3A_51 = %scan3A_46 to %scan3A_48 step %scan3A_49  : i32 {
        %mul3A_52 = arith.constant 16 : i32
        %mul3A_53 = arith.muli %scan3A_51, %mul3A_52 : i32
        %get3A = arith.index_cast %mul3A_53 : i32 to index
        %get3A_54 = tpu.vector_load %arg9[%get3A] {strides = array<i32>} : memref<80xf32, #tpu.memory_space<vmem>>, vector<16xf32>,
        %get3A_55 = vector.shape_cast %get3A_54 : vector<16xf32> to vector<16xf32>
        %broadcast_in_dim3A = arith.constant 0 : i32
        %broadcast_in_dim3A_56 = vector.broadcast %broadcast_in_dim3A : i32 to vector<16x1xi32>
        %gather3A = vector.shape_cast %broadcast_in_dim3A_56 : vector<16x1xi32> to vector<16xi32>
        %gather3A_57 = tpu.dynamic_gather %get3A_55[%gather3A] in [0] : vector<16xf32>, vector<16xi32> -> vector<16xf32>
        %add3A_58 = arith.constant 0 : i32
        %add3A_59 = arith.addi %mul3A_53, %add3A_58 : i32
        %get3A_60 = arith.index_cast %add3A_59 : i32 to index
        %get3A_61 = arith.constant 0 : index
        %get3A_62 = tpu.vector_load %arg10[%get3A_60, %get3A_61] {strides = array<i32>} : memref<80x128xf32, #tpu.memory_space<vmem>>, vector<1x16xf32>,
        %get3A_63 = vector.shape_cast %get3A_62 : vector<1x16xf32> to vector<16xf32>
        %mul3A_64 = arith.mulf %get3A_63, %gather3A_57 : vector<16xf32>
        %swap3A = arith.index_cast %add3A_59 : i32 to index
        %swap3A_65 = arith.constant 0 : index
        %swap3A_66 = tpu.vector_load %arg10[%swap3A, %swap3A_65] {strides = array<i32>} : memref<80x128xf32, #tpu.memory_space<vmem>>, vector<1x16xf32>,
        %swap3A_67 = vector.shape_cast %swap3A_66 : vector<1x16xf32> to vector<16xf32>
        %swap3A_68 = vector.shape_cast %mul3A_64 : vector<16xf32> to vector<1x16xf32>
        tpu.vector_store %arg10[%swap3A, %swap3A_65], %swap3A_68 {strides = array<i32>} : memref<80x128xf32, #tpu.memory_space<vmem>>, vector<1x16xf32>,
        %get3A_69 = arith.index_cast %add3A_59 : i32 to index
        %get3A_70 = arith.constant 16 : index
        %get3A_71 = tpu.vector_load %arg10[%get3A_69, %get3A_70] {strides = array<i32>} : memref<80x128xf32, #tpu.memory_space<vmem>>, vector<1x16xf32>,
        %get3A_72 = vector.shape_cast %get3A_71 : vector<1x16xf32> to vector<16xf32>
        %mul3A_73 = arith.mulf %get3A_72, %gather3A_57 : vector<16xf32>
        %swap3A_74 = arith.index_cast %add3A_59 : i32 to index
        %swap3A_75 = arith.constant 16 : index
        %swap3A_76 = tpu.vector_load %arg10[%swap3A_74, %swap3A_75] {strides = array<i32>} : memref<80x128xf32, #tpu.memory_space<vmem>>, vector<1x16xf32>,
        %swap3A_77 = vector.shape_cast %swap3A_76 : vector<1x16xf32> to vector<16xf32>
        %swap3A_78 = vector.shape_cast %mul3A_73 : vector<16xf32> to vector<1x16xf32>
        tpu.vector_store %arg10[%swap3A_74, %swap3A_75], %swap3A_78 {strides = array<i32>} : memref<80x128xf32, #tpu.memory_space<vmem>>, vector<1x16xf32>,
        %get3A_79 = arith.index_cast %add3A_59 : i32 to index
        %get3A_80 = arith.constant 32 : index
        %get3A_81 = tpu.vector_load %arg10[%get3A_79, %get3A_80] {strides = array<i32>} : memref<80x128xf32, #tpu.memory_space<vmem>>, vector<1x16xf32>,
        %get3A_82 = vector.shape_cast %get3A_81 : vector<1x16xf32> to vector<16xf32>
        %mul3A_83 = arith.mulf %get3A_82, %gather3A_57 : vector<16xf32>
        %swap3A_84 = arith.index_cast %add3A_59 : i32 to index
        %swap3A_85 = arith.constant 32 : index
        %swap3A_86 = tpu.vector_load %arg10[%swap3A_84, %swap3A_85] {strides = array<i32>} : memref<80x128xf32, #tpu.memory_space<vmem>>, vector<1x16xf32>,
        %swap3A_87 = vector.shape_cast %swap3A_86 : vector<1x16xf32> to vector<16xf32>
        %swap3A_88 = vector.shape_cast %mul3A_83 : vector<16xf32> to vector<1x16xf32>
        tpu.vector_store %arg10[%swap3A_84, %swap3A_85], %swap3A_88 {strides = array<i32>} : memref<80x128xf32, #tpu.memory_space<vmem>>, vector<1x16xf32>,
        %get3A_89 = arith.index_cast %add3A_59 : i32 to index
        %get3A_90 = arith.constant 48 : index
        %get3A_91 = tpu.vector_load %arg10[%get3A_89, %get3A_90] {strides = array<i32>} : memref<80x128xf32, #tpu.memory_space<vmem>>, vector<1x16xf32>,
        %get3A_92 = vector.shape_cast %get3A_91 : vector<1x16xf32> to vector<16xf32>
        %mul3A_93 = arith.mulf %get3A_92, %gather3A_57 : vector<16xf32>
        %swap3A_94 = arith.index_cast %add3A_59 : i32 to index
        %swap3A_95 = arith.constant 48 : index
        %swap3A_96 = tpu.vector_load %arg10[%swap3A_94, %swap3A_95] {strides = array<i32>} : memref<80x128xf32, #tpu.memory_space<vmem>>, vector<1x16xf32>,
        %swap3A_97 = vector.shape_cast %swap3A_96 : vector<1x16xf32> to vector<16xf32>
        %swap3A_98 = vector.shape_cast %mul3A_93 : vector<16xf32> to vector<1x16xf32>
        tpu.vector_store %arg10[%swap3A_94, %swap3A_95], %swap3A_98 {strides = array<i32>} : memref<80x128xf32, #tpu.memory_space<vmem>>, vector<1x16xf32>,
        %get3A_99 = arith.index_cast %add3A_59 : i32 to index
        %get3A_100 = arith.constant 64 : index
        %get3A_101 = tpu.vector_load %arg10[%get3A_99, %get3A_100] {strides = array<i32>} : memref<80x128xf32, #tpu.memory_space<vmem>>, vector<1x16xf32>,
        %get3A_102 = vector.shape_cast %get3A_101 : vector<1x16xf32> to vector<16xf32>
        %mul3A_103 = arith.mulf %get3A_102, %gather3A_57 : vector<16xf32>
        %swap3A_104 = arith.index_cast %add3A_59 : i32 to index
        %swap3A_105 = arith.constant 64 : index
        %swap3A_106 = tpu.vector_load %arg10[%swap3A_104, %swap3A_105] {strides = array<i32>} : memref<80x128xf32, #tpu.memory_space<vmem>>, vector<1x16xf32>,
        %swap3A_107 = vector.shape_cast %swap3A_106 : vector<1x16xf32> to vector<16xf32>
        %swap3A_108 = vector.shape_cast %mul3A_103 : vector<16xf32> to vector<1x16xf32>
        tpu.vector_store %arg10[%swap3A_104, %swap3A_105], %swap3A_108 {strides = array<i32>} : memref<80x128xf32, #tpu.memory_space<vmem>>, vector<1x16xf32>,
        %get3A_109 = arith.index_cast %add3A_59 : i32 to index
        %get3A_110 = arith.constant 80 : index
        %get3A_111 = tpu.vector_load %arg10[%get3A_109, %get3A_110] {strides = array<i32>} : memref<80x128xf32, #tpu.memory_space<vmem>>, vector<1x16xf32>,
        %get3A_112 = vector.shape_cast %get3A_111 : vector<1x16xf32> to vector<16xf32>
        %mul3A_113 = arith.mulf %get3A_112, %gather3A_57 : vector<16xf32>
        %swap3A_114 = arith.index_cast %add3A_59 : i32 to index
        %swap3A_115 = arith.constant 80 : index
        %swap3A_116 = tpu.vector_load %arg10[%swap3A_114, %swap3A_115] {strides = array<i32>} : memref<80x128xf32, #tpu.memory_space<vmem>>, vector<1x16xf32>,
        %swap3A_117 = vector.shape_cast %swap3A_116 : vector<1x16xf32> to vector<16xf32>
        %swap3A_118 = vector.shape_cast %mul3A_113 : vector<16xf32> to vector<1x16xf32>
        tpu.vector_store %arg10[%swap3A_114, %swap3A_115], %swap3A_118 {strides = array<i32>} : memref<80x128xf32, #tpu.memory_space<vmem>>, vector<1x16xf32>,
        %get3A_119 = arith.index_cast %add3A_59 : i32 to index
        %get3A_120 = arith.constant 96 : index
        %get3A_121 = tpu.vector_load %arg10[%get3A_119, %get3A_120] {strides = array<i32>} : memref<80x128xf32, #tpu.memory_space<vmem>>, vector<1x16xf32>,
        %get3A_122 = vector.shape_cast %get3A_121 : vector<1x16xf32> to vector<16xf32>
        %mul3A_123 = arith.mulf %get3A_122, %gather3A_57 : vector<16xf32>
        %swap3A_124 = arith.index_cast %add3A_59 : i32 to index
        %swap3A_125 = arith.constant 96 : index
        %swap3A_126 = tpu.vector_load %arg10[%swap3A_124, %swap3A_125] {strides = array<i32>} : memref<80x128xf32, #tpu.memory_space<vmem>>, vector<1x16xf32>,
        %swap3A_127 = vector.shape_cast %swap3A_126 : vector<1x16xf32> to vector<16xf32>
        %swap3A_128 = vector.shape_cast %mul3A_123 : vector<16xf32> to vector<1x16xf32>
        tpu.vector_store %arg10[%swap3A_124, %swap3A_125], %swap3A_128 {strides = array<i32>} : memref<80x128xf32, #tpu.memory_space<vmem>>, vector<1x16xf32>,
        %get3A_129 = arith.index_cast %add3A_59 : i32 to index
        %get3A_130 = arith.constant 112 : index
        %get3A_131 = tpu.vector_load %arg10[%get3A_129, %get3A_130] {strides = array<i32>} : memref<80x128xf32, #tpu.memory_space<vmem>>, vector<1x16xf32>,
        %get3A_132 = vector.shape_cast %get3A_131 : vector<1x16xf32> to vector<16xf32>
        %mul3A_133 = arith.mulf %get3A_132, %gather3A_57 : vector<16xf32>
        %swap3A_134 = arith.index_cast %add3A_59 : i32 to index
        %swap3A_135 = arith.constant 112 : index
        %swap3A_136 = tpu.vector_load %arg10[%swap3A_134, %swap3A_135] {strides = array<i32>} : memref<80x128xf32, #tpu.memory_space<vmem>>, vector<1x16xf32>,
        %swap3A_137 = vector.shape_cast %swap3A_136 : vector<1x16xf32> to vector<16xf32>
        %swap3A_138 = vector.shape_cast %mul3A_133 : vector<16xf32> to vector<1x16xf32>
        tpu.vector_store %arg10[%swap3A_134, %swap3A_135], %swap3A_138 {strides = array<i32>} : memref<80x128xf32, #tpu.memory_space<vmem>>, vector<1x16xf32>,
        %broadcast_in_dim3A_139 = arith.constant 1 : i32
        %broadcast_in_dim3A_140 = vector.broadcast %broadcast_in_dim3A_139 : i32 to vector<16x1xi32>
        %gather3A_141 = vector.shape_cast %broadcast_in_dim3A_140 : vector<16x1xi32> to vector<16xi32>
        %gather3A_142 = tpu.dynamic_gather %get3A_55[%gather3A_141] in [0] : vector<16xf32>, vector<16xi32> -> vector<16xf32>
        %add3A_143 = arith.constant 1 : i32
        %add3A_144 = arith.addi %mul3A_53, %add3A_143 : i32
        %get3A_145 = arith.index_cast %add3A_144 : i32 to index
        %get3A_146 = arith.constant 0 : index
        %get3A_147 = tpu.vector_load %arg10[%get3A_145, %get3A_146] {strides = array<i32>} : memref<80x128xf32, #tpu.memory_space<vmem>>, vector<1x16xf32>,
        %get3A_148 = vector.shape_cast %get3A_147 : vector<1x16xf32> to vector<16xf32>
        %mul3A_149 = arith.mulf %get3A_148, %gather3A_142 : vector<16xf32>
        %swap3A_150 = arith.index_cast %add3A_144 : i32 to index
        %swap3A_151 = arith.constant 0 : index
        %swap3A_152 = tpu.vector_load %arg10[%swap3A_150, %swap3A_151] {strides = array<i32>} : memref<80x128xf32, #tpu.memory_space<vmem>>, vector<1x16xf32>,
        %swap3A_153 = vector.shape_cast %swap3A_152 : vector<1x16xf32> to vector<16xf32>
        %swap3A_154 = vector.shape_cast %mul3A_149 : vector<16xf32> to vector<1x16xf32>
        tpu.vector_store %arg10[%swap3A_150, %swap3A_151], %swap3A_154 {strides = array<i32>} : memref<80x128xf32, #tpu.memory_space<vmem>>, vector<1x16xf32>,
        %get3A_155 = arith.index_cast %add3A_144 : i32 to index
        %get3A_156 = arith.constant 16 : index
        %get3A_157 = tpu.vector_load %arg10[%get3A_155, %get3A_156] {strides = array<i32>} : memref<80x128xf32, #tpu.memory_space<vmem>>, vector<1x16xf32>,
        %get3A_158 = vector.shape_cast %get3A_157 : vector<1x16xf32> to vector<16xf32>
        %mul3A_159 = arith.mulf %get3A_158, %gather3A_142 : vector<16xf32>
        %swap3A_160 = arith.index_cast %add3A_144 : i32 to index
        %swap3A_161 = arith.constant 16 : index
        %swap3A_162 = tpu.vector_load %arg10[%swap3A_160, %swap3A_161] {strides = array<i32>} : memref<80x128xf32, #tpu.memory_space<vmem>>, vector<1x16xf32>,
        %swap3A_163 = vector.shape_cast %swap3A_162 : vector<1x16xf32> to vector<16xf32>
        %swap3A_164 = vector.shape_cast %mul3A_159 : vector<16xf32> to vector<1x16xf32>
        tpu.vector_store %arg10[%swap3A_160, %swap3A_161], %swap3A_164 {strides = array<i32>} : memref<80x128xf32, #tpu.memory_space<vmem>>, vector<1x16xf32>,
        %get3A_165 = arith.index_cast %add3A_144 : i32 to index
        %get3A_166 = arith.constant 32 : index
        %get3A_167 = tpu.vector_load %arg10[%get3A_165, %get3A_166] {strides = array<i32>} : memref<80x128xf32, #tpu.memory_space<vmem>>, vector<1x16xf32>,
        %get3A_168 = vector.shape_cast %get3A_167 : vector<1x16xf32> to vector<16xf32>
        %mul3A_169 = arith.mulf %get3A_168, %gather3A_142 : vector<16xf32>
        %swap3A_170 = arith.index_cast %add3A_144 : i32 to index
        %swap3A_171 = arith.constant 32 : index
        %swap3A_172 = tpu.vector_load %arg10[%swap3A_170, %swap3A_171] {strides = array<i32>} : memref<80x128xf32, #tpu.memory_space<vmem>>, vector<1x16xf32>,
        %swap3A_173 = vector.shape_cast %swap3A_172 : vector<1x16xf32> to vector<16xf32>
        %swap3A_174 = vector.shape_cast %mul3A_169 : vector<16xf32> to vector<1x16xf32>
        tpu.vector_store %arg10[%swap3A_170, %swap3A_171], %swap3A_174 {strides = array<i32>} : memref<80x128xf32, #tpu.memory_space<vmem>>, vector<1x16xf32>,
        %get3A_175 = arith.index_cast %add3A_144 : i32 to index
        %get3A_176 = arith.constant 48 : index
        %get3A_177 = tpu.vector_load %arg10[%get3A_175, %get3A_176] {strides = array<i32>} : memref<80x128xf32, #tpu.memory_space<vmem>>, vector<1x16xf32>,
        %get3A_178 = vector.shape_cast %get3A_177 : vector<1x16xf32> to vector<16xf32>
        %mul3A_179 = arith.mulf %get3A_178, %gather3A_142 : vector<16xf32>
        %swap3A_180 = arith.index_cast %add3A_144 : i32 to index
        %swap3A_181 = arith.constant 48 : index
        %swap3A_182 = tpu.vector_load %arg10[%swap3A_180, %swap3A_181] {strides = array<i32>} : memref<80x128xf32, #tpu.memory_space<vmem>>, vector<1x16xf32>,
        %swap3A_183 = vector.shape_cast %swap3A_182 : vector<1x16xf32> to vector<16xf32>
        %swap3A_184 = vector.shape_cast %mul3A_179 : vector<16xf32> to vector<1x16xf32>
        tpu.vector_store %arg10[%swap3A_180, %swap3A_181], %swap3A_184 {strides = array<i32>} : memref<80x128xf32, #tpu.memory_space<vmem>>, vector<1x16xf32>,
        %get3A_185 = arith.index_cast %add3A_144 : i32 to index
        %get3A_186 = arith.constant 64 : index
        %get3A_187 = tpu.vector_load %arg10[%get3A_185, %get3A_186] {strides = array<i32>} : memref<80x128xf32, #tpu.memory_space<vmem>>, vector<1x16xf32>,
        %get3A_188 = vector.shape_cast %get3A_187 : vector<1x16xf32> to vector<16xf32>
        %mul3A_189 = arith.mulf %get3A_188, %gather3A_142 : vector<16xf32>
        %swap3A_190 = arith.index_cast %add3A_144 : i32 to index
        %swap3A_191 = arith.constant 64 : index
        %swap3A_192 = tpu.vector_load %arg10[%swap3A_190, %swap3A_191] {strides = array<i32>} : memref<80x128xf32, #tpu.memory_space<vmem>>, vector<1x16xf32>,
        %swap3A_193 = vector.shape_cast %swap3A_192 : vector<1x16xf32> to vector<16xf32>
        %swap3A_194 = vector.shape_cast %mul3A_189 : vector<16xf32> to vector<1x16xf32>
        tpu.vector_store %arg10[%swap3A_190, %swap3A_191], %swap3A_194 {strides = array<i32>} : memref<80x128xf32, #tpu.memory_space<vmem>>, vector<1x16xf32>,
        %get3A_195 = arith.index_cast %add3A_144 : i32 to index
        %get3A_196 = arith.constant 80 : index
        %get3A_197 = tpu.vector_load %arg10[%get3A_195, %get3A_196] {strides = array<i32>} : memref<80x128xf32, #tpu.memory_space<vmem>>, vector<1x16xf32>,
        %get3A_198 = vector.shape_cast %get3A_197 : vector<1x16xf32> to vector<16xf32>
        %mul3A_199 = arith.mulf %get3A_198, %gather3A_142 : vector<16xf32>
        %swap3A_200 = arith.index_cast %add3A_144 : i32 to index
        %swap3A_201 = arith.constant 80 : index
        %swap3A_202 = tpu.vector_load %arg10[%swap3A_200, %swap3A_201] {strides = array<i32>} : memref<80x128xf32, #tpu.memory_space<vmem>>, vector<1x16xf32>,
        %swap3A_203 = vector.shape_cast %swap3A_202 : vector<1x16xf32> to vector<16xf32>
        %swap3A_204 = vector.shape_cast %mul3A_199 : vector<16xf32> to vector<1x16xf32>
        tpu.vector_store %arg10[%swap3A_200, %swap3A_201], %swap3A_204 {strides = array<i32>} : memref<80x128xf32, #tpu.memory_space<vmem>>, vector<1x16xf32>,
        %get3A_205 = arith.index_cast %add3A_144 : i32 to index
        %get3A_206 = arith.constant 96 : index
        %get3A_207 = tpu.vector_load %arg10[%get3A_205, %get3A_206] {strides = array<i32>} : memref<80x128xf32, #tpu.memory_space<vmem>>, vector<1x16xf32>,
        %get3A_208 = vector.shape_cast %get3A_207 : vector<1x16xf32> to vector<16xf32>
        %mul3A_209 = arith.mulf %get3A_208, %gather3A_142 : vector<16xf32>
        %swap3A_210 = arith.index_cast %add3A_144 : i32 to index
        %swap3A_211 = arith.constant 96 : index
        %swap3A_212 = tpu.vector_load %arg10[%swap3A_210, %swap3A_211] {strides = array<i32>} : memref<80x128xf32, #tpu.memory_space<vmem>>, vector<1x16xf32>,
        %swap3A_213 = vector.shape_cast %swap3A_212 : vector<1x16xf32> to vector<16xf32>
        %swap3A_214 = vector.shape_cast %mul3A_209 : vector<16xf32> to vector<1x16xf32>
        tpu.vector_store %arg10[%swap3A_210, %swap3A_211], %swap3A_214 {strides = array<i32>} : memref<80x128xf32, #tpu.memory_space<vmem>>, vector<1x16xf32>,
        %get3A_215 = arith.index_cast %add3A_144 : i32 to index
        %get3A_216 = arith.constant 112 : index
        %get3A_217 = tpu.vector_load %arg10[%get3A_215, %get3A_216] {strides = array<i32>} : memref<80x128xf32, #tpu.memory_space<vmem>>, vector<1x16xf32>,
        %get3A_218 = vector.shape_cast %get3A_217 : vector<1x16xf32> to vector<16xf32>
        %mul3A_219 = arith.mulf %get3A_218, %gather3A_142 : vector<16xf32>
        %swap3A_220 = arith.index_cast %add3A_144 : i32 to index
        %swap3A_221 = arith.constant 112 : index
        %swap3A_222 = tpu.vector_load %arg10[%swap3A_220, %swap3A_221] {strides = array<i32>} : memref<80x128xf32, #tpu.memory_space<vmem>>, vector<1x16xf32>,
        %swap3A_223 = vector.shape_cast %swap3A_222 : vector<1x16xf32> to vector<16xf32>
        %swap3A_224 = vector.shape_cast %mul3A_219 : vector<16xf32> to vector<1x16xf32>
        tpu.vector_store %arg10[%swap3A_220, %swap3A_221], %swap3A_224 {strides = array<i32>} : memref<80x128xf32, #tpu.memory_space<vmem>>, vector<1x16xf32>,
        %broadcast_in_dim3A_225 = arith.constant 2 : i32
        %broadcast_in_dim3A_226 = vector.broadcast %broadcast_in_dim3A_225 : i32 to vector<16x1xi32>
        %gather3A_227 = vector.shape_cast %broadcast_in_dim3A_226 : vector<16x1xi32> to vector<16xi32>
        %gather3A_228 = tpu.dynamic_gather %get3A_55[%gather3A_227] in [0] : vector<16xf32>, vector<16xi32> -> vector<16xf32>
        %add3A_229 = arith.constant 2 : i32
        %add3A_230 = arith.addi %mul3A_53, %add3A_229 : i32
        %get3A_231 = arith.index_cast %add3A_230 : i32 to index
        %get3A_232 = arith.constant 0 : index
        %get3A_233 = tpu.vector_load %arg10[%get3A_231, %get3A_232] {strides = array<i32>} : memref<80x128xf32, #tpu.memory_space<vmem>>, vector<1x16xf32>,
        %get3A_234 = vector.shape_cast %get3A_233 : vector<1x16xf32> to vector<16xf32>
        %mul3A_235 = arith.mulf %get3A_234, %gather3A_228 : vector<16xf32>
        %swap3A_236 = arith.index_cast %add3A_230 : i32 to index
        %swap3A_237 = arith.constant 0 : index
        %swap3A_238 = tpu.vector_load %arg10[%swap3A_236, %swap3A_237] {strides = array<i32>} : memref<80x128xf32, #tpu.memory_space<vmem>>, vector<1x16xf32>,
        %swap3A_239 = vector.shape_cast %swap3A_238 : vector<1x16xf32> to vector<16xf32>
        %swap3A_240 = vector.shape_cast %mul3A_235 : vector<16xf32> to vector<1x16xf32>
        tpu.vector_store %arg10[%swap3A_236, %swap3A_237], %swap3A_240 {strides = array<i32>} : memref<80x128xf32, #tpu.memory_space<vmem>>, vector<1x16xf32>,
        %get3A_241 = arith.index_cast %add3A_230 : i32 to index
        %get3A_242 = arith.constant 16 : index
        %get3A_243 = tpu.vector_load %arg10[%get3A_241, %get3A_242] {strides = array<i32>} : memref<80x128xf32, #tpu.memory_space<vmem>>, vector<1x16xf32>,
        %get3A_244 = vector.shape_cast %get3A_243 : vector<1x16xf32> to vector<16xf32>
        %mul3A_245 = arith.mulf %get3A_244, %gather3A_228 : vector<16xf32>
        %swap3A_246 = arith.index_cast %add3A_230 : i32 to index
        %swap3A_247 = arith.constant 16 : index
        %swap3A_248 = tpu.vector_load %arg10[%swap3A_246, %swap3A_247] {strides = array<i32>} : memref<80x128xf32, #tpu.memory_space<vmem>>, vector<1x16xf32>,
        %swap3A_249 = vector.shape_cast %swap3A_248 : vector<1x16xf32> to vector<16xf32>
        %swap3A_250 = vector.shape_cast %mul3A_245 : vector<16xf32> to vector<1x16xf32>
        tpu.vector_store %arg10[%swap3A_246, %swap3A_247], %swap3A_250 {strides = array<i32>} : memref<80x128xf32, #tpu.memory_space<vmem>>, vector<1x16xf32>,
        %get3A_251 = arith.index_cast %add3A_230 : i32 to index
        %get3A_252 = arith.constant 32 : index
        %get3A_253 = tpu.vector_load %arg10[%get3A_251, %get3A_252] {strides = array<i32>} : memref<80x128xf32, #tpu.memory_space<vmem>>, vector<1x16xf32>,
        %get3A_254 = vector.shape_cast %get3A_253 : vector<1x16xf32> to vector<16xf32>
        %mul3A_255 = arith.mulf %get3A_254, %gather3A_228 : vector<16xf32>
        %swap3A_256 = arith.index_cast %add3A_230 : i32 to index
        %swap3A_257 = arith.constant 32 : index
        %swap3A_258 = tpu.vector_load %arg10[%swap3A_256, %swap3A_257] {strides = array<i32>} : memref<80x128xf32, #tpu.memory_space<vmem>>, vector<1x16xf32>,
        %swap3A_259 = vector.shape_cast %swap3A_258 : vector<1x16xf32> to vector<16xf32>
        %swap3A_260 = vector.shape_cast %mul3A_255 : vector<16xf32> to vector<1x16xf32>
        tpu.vector_store %arg10[%swap3A_256, %swap3A_257], %swap3A_260 {strides = array<i32>} : memref<80x128xf32, #tpu.memory_space<vmem>>, vector<1x16xf32>,
        %get3A_261 = arith.index_cast %add3A_230 : i32 to index
        %get3A_262 = arith.constant 48 : index
        %get3A_263 = tpu.vector_load %arg10[%get3A_261, %get3A_262] {strides = array<i32>} : memref<80x128xf32, #tpu.memory_space<vmem>>, vector<1x16xf32>,
        %get3A_264 = vector.shape_cast %get3A_263 : vector<1x16xf32> to vector<16xf32>
        %mul3A_265 = arith.mulf %get3A_264, %gather3A_228 : vector<16xf32>
        %swap3A_266 = arith.index_cast %add3A_230 : i32 to index
        %swap3A_267 = arith.constant 48 : index
        %swap3A_268 = tpu.vector_load %arg10[%swap3A_266, %swap3A_267] {strides = array<i32>} : memref<80x128xf32, #tpu.memory_space<vmem>>, vector<1x16xf32>,
        %swap3A_269 = vector.shape_cast %swap3A_268 : vector<1x16xf32> to vector<16xf32>
        %swap3A_270 = vector.shape_cast %mul3A_265 : vector<16xf32> to vector<1x16xf32>
        tpu.vector_store %arg10[%swap3A_266, %swap3A_267], %swap3A_270 {strides = array<i32>} : memref<80x128xf32, #tpu.memory_space<vmem>>, vector<1x16xf32>,
        %get3A_271 = arith.index_cast %add3A_230 : i32 to index
        %get3A_272 = arith.constant 64 : index
        %get3A_273 = tpu.vector_load %arg10[%get3A_271, %get3A_272] {strides = array<i32>} : memref<80x128xf32, #tpu.memory_space<vmem>>, vector<1x16xf32>,
        %get3A_274 = vector.shape_cast %get3A_273 : vector<1x16xf32> to vector<16xf32>
        %mul3A_275 = arith.mulf %get3A_274, %gather3A_228 : vector<16xf32>
        %swap3A_276 = arith.index_cast %add3A_230 : i32 to index
        %swap3A_277 = arith.constant 64 : index
        %swap3A_278 = tpu.vector_load %arg10[%swap3A_276, %swap3A_277] {strides = array<i32>} : memref<80x128xf32, #tpu.memory_space<vmem>>, vector<1x16xf32>,
        %swap3A_279 = vector.shape_cast %swap3A_278 : vector<1x16xf32> to vector<16xf32>
        %swap3A_280 = vector.shape_cast %mul3A_275 : vector<16xf32> to vector<1x16xf32>
        tpu.vector_store %arg10[%swap3A_276, %swap3A_277], %swap3A_280 {strides = array<i32>} : memref<80x128xf32, #tpu.memory_space<vmem>>, vector<1x16xf32>,
        %get3A_281 = arith.index_cast %add3A_230 : i32 to index
        %get3A_282 = arith.constant 80 : index
        %get3A_283 = tpu.vector_load %arg10[%get3A_281, %get3A_282] {strides = array<i32>} : memref<80x128xf32, #tpu.memory_space<vmem>>, vector<1x16xf32>,
        %get3A_284 = vector.shape_cast %get3A_283 : vector<1x16xf32> to vector<16xf32>
        %mul3A_285 = arith.mulf %get3A_284, %gather3A_228 : vector<16xf32>
        %swap3A_286 = arith.index_cast %add3A_230 : i32 to index
        %swap3A_287 = arith.constant 80 : index
        %swap3A_288 = tpu.vector_load %arg10[%swap3A_286, %swap3A_287] {strides = array<i32>} : memref<80x128xf32, #tpu.memory_space<vmem>>, vector<1x16xf32>,
        %swap3A_289 = vector.shape_cast %swap3A_288 : vector<1x16xf32> to vector<16xf32>
        %swap3A_290 = vector.shape_cast %mul3A_285 : vector<16xf32> to vector<1x16xf32>
        tpu.vector_store %arg10[%swap3A_286, %swap3A_287], %swap3A_290 {strides = array<i32>} : memref<80x128xf32, #tpu.memory_space<vmem>>, vector<1x16xf32>,
        %get3A_291 = arith.index_cast %add3A_230 : i32 to index
        %get3A_292 = arith.constant 96 : index
        %get3A_293 = tpu.vector_load %arg10[%get3A_291, %get3A_292] {strides = array<i32>} : memref<80x128xf32, #tpu.memory_space<vmem>>, vector<1x16xf32>,
        %get3A_294 = vector.shape_cast %get3A_293 : vector<1x16xf32> to vector<16xf32>
        %mul3A_295 = arith.mulf %get3A_294, %gather3A_228 : vector<16xf32>
        %swap3A_296 = arith.index_cast %add3A_230 : i32 to index
        %swap3A_297 = arith.constant 96 : index
        %swap3A_298 = tpu.vector_load %arg10[%swap3A_296, %swap3A_297] {strides = array<i32>} : memref<80x128xf32, #tpu.memory_space<vmem>>, vector<1x16xf32>,
        %swap3A_299 = vector.shape_cast %swap3A_298 : vector<1x16xf32> to vector<16xf32>
        %swap3A_300 = vector.shape_cast %mul3A_295 : vector<16xf32> to vector<1x16xf32>
        tpu.vector_store %arg10[%swap3A_296, %swap3A_297], %swap3A_300 {strides = array<i32>} : memref<80x128xf32, #tpu.memory_space<vmem>>, vector<1x16xf32>,
        %get3A_301 = arith.index_cast %add3A_230 : i32 to index
        %get3A_302 = arith.constant 112 : index
        %get3A_303 = tpu.vector_load %arg10[%get3A_301, %get3A_302] {strides = array<i32>} : memref<80x128xf32, #tpu.memory_space<vmem>>, vector<1x16xf32>,
        %get3A_304 = vector.shape_cast %get3A_303 : vector<1x16xf32> to vector<16xf32>
        %mul3A_305 = arith.mulf %get3A_304, %gather3A_228 : vector<16xf32>
        %swap3A_306 = arith.index_cast %add3A_230 : i32 to index
        %swap3A_307 = arith.constant 112 : index
        %swap3A_308 = tpu.vector_load %arg10[%swap3A_306, %swap3A_307] {strides = array<i32>} : memref<80x128xf32, #tpu.memory_space<vmem>>, vector<1x16xf32>,
        %swap3A_309 = vector.shape_cast %swap3A_308 : vector<1x16xf32> to vector<16xf32>
        %swap3A_310 = vector.shape_cast %mul3A_305 : vector<16xf32> to vector<1x16xf32>
        tpu.vector_store %arg10[%swap3A_306, %swap3A_307], %swap3A_310 {strides = array<i32>} : memref<80x128xf32, #tpu.memory_space<vmem>>, vector<1x16xf32>,
        %broadcast_in_dim3A_311 = arith.constant 3 : i32
        %broadcast_in_dim3A_312 = vector.broadcast %broadcast_in_dim3A_311 : i32 to vector<16x1xi32>
        %gather3A_313 = vector.shape_cast %broadcast_in_dim3A_312 : vector<16x1xi32> to vector<16xi32>
        %gather3A_314 = tpu.dynamic_gather %get3A_55[%gather3A_313] in [0] : vector<16xf32>, vector<16xi32> -> vector<16xf32>
        %add3A_315 = arith.constant 3 : i32
        %add3A_316 = arith.addi %mul3A_53, %add3A_315 : i32
        %get3A_317 = arith.index_cast %add3A_316 : i32 to index
        %get3A_318 = arith.constant 0 : index
        %get3A_319 = tpu.vector_load %arg10[%get3A_317, %get3A_318] {strides = array<i32>} : memref<80x128xf32, #tpu.memory_space<vmem>>, vector<1x16xf32>,
        %get3A_320 = vector.shape_cast %get3A_319 : vector<1x16xf32> to vector<16xf32>
        %mul3A_321 = arith.mulf %get3A_320, %gather3A_314 : vector<16xf32>
        %swap3A_322 = arith.index_cast %add3A_316 : i32 to index
        %swap3A_323 = arith.constant 0 : index
        %swap3A_324 = tpu.vector_load %arg10[%swap3A_322, %swap3A_323] {strides = array<i32>} : memref<80x128xf32, #tpu.memory_space<vmem>>, vector<1x16xf32>,
        %swap3A_325 = vector.shape_cast %swap3A_324 : vector<1x16xf32> to vector<16xf32>
        %swap3A_326 = vector.shape_cast %mul3A_321 : vector<16xf32> to vector<1x16xf32>
        tpu.vector_store %arg10[%swap3A_322, %swap3A_323], %swap3A_326 {strides = array<i32>} : memref<80x128xf32, #tpu.memory_space<vmem>>, vector<1x16xf32>,
        %get3A_327 = arith.index_cast %add3A_316 : i32 to index
        %get3A_328 = arith.constant 16 : index
        %get3A_329 = tpu.vector_load %arg10[%get3A_327, %get3A_328] {strides = array<i32>} : memref<80x128xf32, #tpu.memory_space<vmem>>, vector<1x16xf32>,
        %get3A_330 = vector.shape_cast %get3A_329 : vector<1x16xf32> to vector<16xf32>
        %mul3A_331 = arith.mulf %get3A_330, %gather3A_314 : vector<16xf32>
        %swap3A_332 = arith.index_cast %add3A_316 : i32 to index
        %swap3A_333 = arith.constant 16 : index
        %swap3A_334 = tpu.vector_load %arg10[%swap3A_332, %swap3A_333] {strides = array<i32>} : memref<80x128xf32, #tpu.memory_space<vmem>>, vector<1x16xf32>,
        %swap3A_335 = vector.shape_cast %swap3A_334 : vector<1x16xf32> to vector<16xf32>
        %swap3A_336 = vector.shape_cast %mul3A_331 : vector<16xf32> to vector<1x16xf32>
        tpu.vector_store %arg10[%swap3A_332, %swap3A_333], %swap3A_336 {strides = array<i32>} : memref<80x128xf32, #tpu.memory_space<vmem>>, vector<1x16xf32>,
        %get3A_337 = arith.index_cast %add3A_316 : i32 to index
        %get3A_338 = arith.constant 32 : index
        %get3A_339 = tpu.vector_load %arg10[%get3A_337, %get3A_338] {strides = array<i32>} : memref<80x128xf32, #tpu.memory_space<vmem>>, vector<1x16xf32>,
        %get3A_340 = vector.shape_cast %get3A_339 : vector<1x16xf32> to vector<16xf32>
        %mul3A_341 = arith.mulf %get3A_340, %gather3A_314 : vector<16xf32>
        %swap3A_342 = arith.index_cast %add3A_316 : i32 to index
        %swap3A_343 = arith.constant 32 : index
        %swap3A_344 = tpu.vector_load %arg10[%swap3A_342, %swap3A_343] {strides = array<i32>} : memref<80x128xf32, #tpu.memory_space<vmem>>, vector<1x16xf32>,
        %swap3A_345 = vector.shape_cast %swap3A_344 : vector<1x16xf32> to vector<16xf32>
        %swap3A_346 = vector.shape_cast %mul3A_341 : vector<16xf32> to vector<1x16xf32>
        tpu.vector_store %arg10[%swap3A_342, %swap3A_343], %swap3A_346 {strides = array<i32>} : memref<80x128xf32, #tpu.memory_space<vmem>>, vector<1x16xf32>,
        %get3A_347 = arith.index_cast %add3A_316 : i32 to index
        %get3A_348 = arith.constant 48 : index
        %get3A_349 = tpu.vector_load %arg10[%get3A_347, %get3A_348] {strides = array<i32>} : memref<80x128xf32, #tpu.memory_space<vmem>>, vector<1x16xf32>,
        %get3A_350 = vector.shape_cast %get3A_349 : vector<1x16xf32> to vector<16xf32>
        %mul3A_351 = arith.mulf %get3A_350, %gather3A_314 : vector<16xf32>
        %swap3A_352 = arith.index_cast %add3A_316 : i32 to index
        %swap3A_353 = arith.constant 48 : index
        %swap3A_354 = tpu.vector_load %arg10[%swap3A_352, %swap3A_353] {strides = array<i32>} : memref<80x128xf32, #tpu.memory_space<vmem>>, vector<1x16xf32>,
        %swap3A_355 = vector.shape_cast %swap3A_354 : vector<1x16xf32> to vector<16xf32>
        %swap3A_356 = vector.shape_cast %mul3A_351 : vector<16xf32> to vector<1x16xf32>
        tpu.vector_store %arg10[%swap3A_352, %swap3A_353], %swap3A_356 {strides = array<i32>} : memref<80x128xf32, #tpu.memory_space<vmem>>, vector<1x16xf32>,
        %get3A_357 = arith.index_cast %add3A_316 : i32 to index
        %get3A_358 = arith.constant 64 : index
        %get3A_359 = tpu.vector_load %arg10[%get3A_357, %get3A_358] {strides = array<i32>} : memref<80x128xf32, #tpu.memory_space<vmem>>, vector<1x16xf32>,
        %get3A_360 = vector.shape_cast %get3A_359 : vector<1x16xf32> to vector<16xf32>
        %mul3A_361 = arith.mulf %get3A_360, %gather3A_314 : vector<16xf32>
        %swap3A_362 = arith.index_cast %add3A_316 : i32 to index
        %swap3A_363 = arith.constant 64 : index
        %swap3A_364 = tpu.vector_load %arg10[%swap3A_362, %swap3A_363] {strides = array<i32>} : memref<80x128xf32, #tpu.memory_space<vmem>>, vector<1x16xf32>,
        %swap3A_365 = vector.shape_cast %swap3A_364 : vector<1x16xf32> to vector<16xf32>
        %swap3A_366 = vector.shape_cast %mul3A_361 : vector<16xf32> to vector<1x16xf32>
        tpu.vector_store %arg10[%swap3A_362, %swap3A_363], %swap3A_366 {strides = array<i32>} : memref<80x128xf32, #tpu.memory_space<vmem>>, vector<1x16xf32>,
        %get3A_367 = arith.index_cast %add3A_316 : i32 to index
        %get3A_368 = arith.constant 80 : index
        %get3A_369 = tpu.vector_load %arg10[%get3A_367, %get3A_368] {strides = array<i32>} : memref<80x128xf32, #tpu.memory_space<vmem>>, vector<1x16xf32>,
        %get3A_370 = vector.shape_cast %get3A_369 : vector<1x16xf32> to vector<16xf32>
        %mul3A_371 = arith.mulf %get3A_370, %gather3A_314 : vector<16xf32>
        %swap3A_372 = arith.index_cast %add3A_316 : i32 to index
        %swap3A_373 = arith.constant 80 : index
        %swap3A_374 = tpu.vector_load %arg10[%swap3A_372, %swap3A_373] {strides = array<i32>} : memref<80x128xf32, #tpu.memory_space<vmem>>, vector<1x16xf32>,
        %swap3A_375 = vector.shape_cast %swap3A_374 : vector<1x16xf32> to vector<16xf32>
        %swap3A_376 = vector.shape_cast %mul3A_371 : vector<16xf32> to vector<1x16xf32>
        tpu.vector_store %arg10[%swap3A_372, %swap3A_373], %swap3A_376 {strides = array<i32>} : memref<80x128xf32, #tpu.memory_space<vmem>>, vector<1x16xf32>,
        %get3A_377 = arith.index_cast %add3A_316 : i32 to index
        %get3A_378 = arith.constant 96 : index
        %get3A_379 = tpu.vector_load %arg10[%get3A_377, %get3A_378] {strides = array<i32>} : memref<80x128xf32, #tpu.memory_space<vmem>>, vector<1x16xf32>,
        %get3A_380 = vector.shape_cast %get3A_379 : vector<1x16xf32> to vector<16xf32>
        %mul3A_381 = arith.mulf %get3A_380, %gather3A_314 : vector<16xf32>
        %swap3A_382 = arith.index_cast %add3A_316 : i32 to index
        %swap3A_383 = arith.constant 96 : index
        %swap3A_384 = tpu.vector_load %arg10[%swap3A_382, %swap3A_383] {strides = array<i32>} : memref<80x128xf32, #tpu.memory_space<vmem>>, vector<1x16xf32>,
        %swap3A_385 = vector.shape_cast %swap3A_384 : vector<1x16xf32> to vector<16xf32>
        %swap3A_386 = vector.shape_cast %mul3A_381 : vector<16xf32> to vector<1x16xf32>
        tpu.vector_store %arg10[%swap3A_382, %swap3A_383], %swap3A_386 {strides = array<i32>} : memref<80x128xf32, #tpu.memory_space<vmem>>, vector<1x16xf32>,
        %get3A_387 = arith.index_cast %add3A_316 : i32 to index
        %get3A_388 = arith.constant 112 : index
        %get3A_389 = tpu.vector_load %arg10[%get3A_387, %get3A_388] {strides = array<i32>} : memref<80x128xf32, #tpu.memory_space<vmem>>, vector<1x16xf32>,
        %get3A_390 = vector.shape_cast %get3A_389 : vector<1x16xf32> to vector<16xf32>
        %mul3A_391 = arith.mulf %get3A_390, %gather3A_314 : vector<16xf32>
        %swap3A_392 = arith.index_cast %add3A_316 : i32 to index
        %swap3A_393 = arith.constant 112 : index
        %swap3A_394 = tpu.vector_load %arg10[%swap3A_392, %swap3A_393] {strides = array<i32>} : memref<80x128xf32, #tpu.memory_space<vmem>>, vector<1x16xf32>,
        %swap3A_395 = vector.shape_cast %swap3A_394 : vector<1x16xf32> to vector<16xf32>
        %swap3A_396 = vector.shape_cast %mul3A_391 : vector<16xf32> to vector<1x16xf32>
        tpu.vector_store %arg10[%swap3A_392, %swap3A_393], %swap3A_396 {strides = array<i32>} : memref<80x128xf32, #tpu.memory_space<vmem>>, vector<1x16xf32>,
        %broadcast_in_dim3A_397 = arith.constant 4 : i32
        %broadcast_in_dim3A_398 = vector.broadcast %broadcast_in_dim3A_397 : i32 to vector<16x1xi32>
        %gather3A_399 = vector.shape_cast %broadcast_in_dim3A_398 : vector<16x1xi32> to vector<16xi32>
        %gather3A_400 = tpu.dynamic_gather %get3A_55[%gather3A_399] in [0] : vector<16xf32>, vector<16xi32> -> vector<16xf32>
        %add3A_401 = arith.constant 4 : i32
        %add3A_402 = arith.addi %mul3A_53, %add3A_401 : i32
        %get3A_403 = arith.index_cast %add3A_402 : i32 to index
        %get3A_404 = arith.constant 0 : index
        %get3A_405 = tpu.vector_load %arg10[%get3A_403, %get3A_404] {strides = array<i32>} : memref<80x128xf32, #tpu.memory_space<vmem>>, vector<1x16xf32>,
        %get3A_406 = vector.shape_cast %get3A_405 : vector<1x16xf32> to vector<16xf32>
        %mul3A_407 = arith.mulf %get3A_406, %gather3A_400 : vector<16xf32>
        %swap3A_408 = arith.index_cast %add3A_402 : i32 to index
        %swap3A_409 = arith.constant 0 : index
        %swap3A_410 = tpu.vector_load %arg10[%swap3A_408, %swap3A_409] {strides = array<i32>} : memref<80x128xf32, #tpu.memory_space<vmem>>, vector<1x16xf32>,
        %swap3A_411 = vector.shape_cast %swap3A_410 : vector<1x16xf32> to vector<16xf32>
        %swap3A_412 = vector.shape_cast %mul3A_407 : vector<16xf32> to vector<1x16xf32>
        tpu.vector_store %arg10[%swap3A_408, %swap3A_409], %swap3A_412 {strides = array<i32>} : memref<80x128xf32, #tpu.memory_space<vmem>>, vector<1x16xf32>,
        %get3A_413 = arith.index_cast %add3A_402 : i32 to index
        %get3A_414 = arith.constant 16 : index
        %get3A_415 = tpu.vector_load %arg10[%get3A_413, %get3A_414] {strides = array<i32>} : memref<80x128xf32, #tpu.memory_space<vmem>>, vector<1x16xf32>,
        %get3A_416 = vector.shape_cast %get3A_415 : vector<1x16xf32> to vector<16xf32>
        %mul3A_417 = arith.mulf %get3A_416, %gather3A_400 : vector<16xf32>
        %swap3A_418 = arith.index_cast %add3A_402 : i32 to index
        %swap3A_419 = arith.constant 16 : index
        %swap3A_420 = tpu.vector_load %arg10[%swap3A_418, %swap3A_419] {strides = array<i32>} : memref<80x128xf32, #tpu.memory_space<vmem>>, vector<1x16xf32>,
        %swap3A_421 = vector.shape_cast %swap3A_420 : vector<1x16xf32> to vector<16xf32>
        %swap3A_422 = vector.shape_cast %mul3A_417 : vector<16xf32> to vector<1x16xf32>
        tpu.vector_store %arg10[%swap3A_418, %swap3A_419], %swap3A_422 {strides = array<i32>} : memref<80x128xf32, #tpu.memory_space<vmem>>, vector<1x16xf32>,
        %get3A_423 = arith.index_cast %add3A_402 : i32 to index
        %get3A_424 = arith.constant 32 : index
        %get3A_425 = tpu.vector_load %arg10[%get3A_423, %get3A_424] {strides = array<i32>} : memref<80x128xf32, #tpu.memory_space<vmem>>, vector<1x16xf32>,
        %get3A_426 = vector.shape_cast %get3A_425 : vector<1x16xf32> to vector<16xf32>
        %mul3A_427 = arith.mulf %get3A_426, %gather3A_400 : vector<16xf32>
        %swap3A_428 = arith.index_cast %add3A_402 : i32 to index
        %swap3A_429 = arith.constant 32 : index
        %swap3A_430 = tpu.vector_load %arg10[%swap3A_428, %swap3A_429] {strides = array<i32>} : memref<80x128xf32, #tpu.memory_space<vmem>>, vector<1x16xf32>,
        %swap3A_431 = vector.shape_cast %swap3A_430 : vector<1x16xf32> to vector<16xf32>
        %swap3A_432 = vector.shape_cast %mul3A_427 : vector<16xf32> to vector<1x16xf32>
        tpu.vector_store %arg10[%swap3A_428, %swap3A_429], %swap3A_432 {strides = array<i32>} : memref<80x128xf32, #tpu.memory_space<vmem>>, vector<1x16xf32>,
        %get3A_433 = arith.index_cast %add3A_402 : i32 to index
        %get3A_434 = arith.constant 48 : index
        %get3A_435 = tpu.vector_load %arg10[%get3A_433, %get3A_434] {strides = array<i32>} : memref<80x128xf32, #tpu.memory_space<vmem>>, vector<1x16xf32>,
        %get3A_436 = vector.shape_cast %get3A_435 : vector<1x16xf32> to vector<16xf32>
        %mul3A_437 = arith.mulf %get3A_436, %gather3A_400 : vector<16xf32>
        %swap3A_438 = arith.index_cast %add3A_402 : i32 to index
        %swap3A_439 = arith.constant 48 : index
        %swap3A_440 = tpu.vector_load %arg10[%swap3A_438, %swap3A_439] {strides = array<i32>} : memref<80x128xf32, #tpu.memory_space<vmem>>, vector<1x16xf32>,
        %swap3A_441 = vector.shape_cast %swap3A_440 : vector<1x16xf32> to vector<16xf32>
        %swap3A_442 = vector.shape_cast %mul3A_437 : vector<16xf32> to vector<1x16xf32>
        tpu.vector_store %arg10[%swap3A_438, %swap3A_439], %swap3A_442 {strides = array<i32>} : memref<80x128xf32, #tpu.memory_space<vmem>>, vector<1x16xf32>,
        %get3A_443 = arith.index_cast %add3A_402 : i32 to index
        %get3A_444 = arith.constant 64 : index
        %get3A_445 = tpu.vector_load %arg10[%get3A_443, %get3A_444] {strides = array<i32>} : memref<80x128xf32, #tpu.memory_space<vmem>>, vector<1x16xf32>,
        %get3A_446 = vector.shape_cast %get3A_445 : vector<1x16xf32> to vector<16xf32>
        %mul3A_447 = arith.mulf %get3A_446, %gather3A_400 : vector<16xf32>
        %swap3A_448 = arith.index_cast %add3A_402 : i32 to index
        %swap3A_449 = arith.constant 64 : index
        %swap3A_450 = tpu.vector_load %arg10[%swap3A_448, %swap3A_449] {strides = array<i32>} : memref<80x128xf32, #tpu.memory_space<vmem>>, vector<1x16xf32>,
        %swap3A_451 = vector.shape_cast %swap3A_450 : vector<1x16xf32> to vector<16xf32>
        %swap3A_452 = vector.shape_cast %mul3A_447 : vector<16xf32> to vector<1x16xf32>
        tpu.vector_store %arg10[%swap3A_448, %swap3A_449], %swap3A_452 {strides = array<i32>} : memref<80x128xf32, #tpu.memory_space<vmem>>, vector<1x16xf32>,
        %get3A_453 = arith.index_cast %add3A_402 : i32 to index
        %get3A_454 = arith.constant 80 : index
        %get3A_455 = tpu.vector_load %arg10[%get3A_453, %get3A_454] {strides = array<i32>} : memref<80x128xf32, #tpu.memory_space<vmem>>, vector<1x16xf32>,
        %get3A_456 = vector.shape_cast %get3A_455 : vector<1x16xf32> to vector<16xf32>
        %mul3A_457 = arith.mulf %get3A_456, %gather3A_400 : vector<16xf32>
        %swap3A_458 = arith.index_cast %add3A_402 : i32 to index
        %swap3A_459 = arith.constant 80 : index
        %swap3A_460 = tpu.vector_load %arg10[%swap3A_458, %swap3A_459] {strides = array<i32>} : memref<80x128xf32, #tpu.memory_space<vmem>>, vector<1x16xf32>,
        %swap3A_461 = vector.shape_cast %swap3A_460 : vector<1x16xf32> to vector<16xf32>
        %swap3A_462 = vector.shape_cast %mul3A_457 : vector<16xf32> to vector<1x16xf32>
        tpu.vector_store %arg10[%swap3A_458, %swap3A_459], %swap3A_462 {strides = array<i32>} : memref<80x128xf32, #tpu.memory_space<vmem>>, vector<1x16xf32>,
        %get3A_463 = arith.index_cast %add3A_402 : i32 to index
        %get3A_464 = arith.constant 96 : index
        %get3A_465 = tpu.vector_load %arg10[%get3A_463, %get3A_464] {strides = array<i32>} : memref<80x128xf32, #tpu.memory_space<vmem>>, vector<1x16xf32>,
        %get3A_466 = vector.shape_cast %get3A_465 : vector<1x16xf32> to vector<16xf32>
        %mul3A_467 = arith.mulf %get3A_466, %gather3A_400 : vector<16xf32>
        %swap3A_468 = arith.index_cast %add3A_402 : i32 to index
        %swap3A_469 = arith.constant 96 : index
        %swap3A_470 = tpu.vector_load %arg10[%swap3A_468, %swap3A_469] {strides = array<i32>} : memref<80x128xf32, #tpu.memory_space<vmem>>, vector<1x16xf32>,
        %swap3A_471 = vector.shape_cast %swap3A_470 : vector<1x16xf32> to vector<16xf32>
        %swap3A_472 = vector.shape_cast %mul3A_467 : vector<16xf32> to vector<1x16xf32>
        tpu.vector_store %arg10[%swap3A_468, %swap3A_469], %swap3A_472 {strides = array<i32>} : memref<80x128xf32, #tpu.memory_space<vmem>>, vector<1x16xf32>,
        %get3A_473 = arith.index_cast %add3A_402 : i32 to index
        %get3A_474 = arith.constant 112 : index
        %get3A_475 = tpu.vector_load %arg10[%get3A_473, %get3A_474] {strides = array<i32>} : memref<80x128xf32, #tpu.memory_space<vmem>>, vector<1x16xf32>,
        %get3A_476 = vector.shape_cast %get3A_475 : vector<1x16xf32> to vector<16xf32>
        %mul3A_477 = arith.mulf %get3A_476, %gather3A_400 : vector<16xf32>
        %swap3A_478 = arith.index_cast %add3A_402 : i32 to index
        %swap3A_479 = arith.constant 112 : index
        %swap3A_480 = tpu.vector_load %arg10[%swap3A_478, %swap3A_479] {strides = array<i32>} : memref<80x128xf32, #tpu.memory_space<vmem>>, vector<1x16xf32>,
        %swap3A_481 = vector.shape_cast %swap3A_480 : vector<1x16xf32> to vector<16xf32>
        %swap3A_482 = vector.shape_cast %mul3A_477 : vector<16xf32> to vector<1x16xf32>
        tpu.vector_store %arg10[%swap3A_478, %swap3A_479], %swap3A_482 {strides = array<i32>} : memref<80x128xf32, #tpu.memory_space<vmem>>, vector<1x16xf32>,
        %broadcast_in_dim3A_483 = arith.constant 5 : i32
        %broadcast_in_dim3A_484 = vector.broadcast %broadcast_in_dim3A_483 : i32 to vector<16x1xi32>
        %gather3A_485 = vector.shape_cast %broadcast_in_dim3A_484 : vector<16x1xi32> to vector<16xi32>
        %gather3A_486 = tpu.dynamic_gather %get3A_55[%gather3A_485] in [0] : vector<16xf32>, vector<16xi32> -> vector<16xf32>
        %add3A_487 = arith.constant 5 : i32
        %add3A_488 = arith.addi %mul3A_53, %add3A_487 : i32
        %get3A_489 = arith.index_cast %add3A_488 : i32 to index
        %get3A_490 = arith.constant 0 : index
        %get3A_491 = tpu.vector_load %arg10[%get3A_489, %get3A_490] {strides = array<i32>} : memref<80x128xf32, #tpu.memory_space<vmem>>, vector<1x16xf32>,
        %get3A_492 = vector.shape_cast %get3A_491 : vector<1x16xf32> to vector<16xf32>
        %mul3A_493 = arith.mulf %get3A_492, %gather3A_486 : vector<16xf32>
        %swap3A_494 = arith.index_cast %add3A_488 : i32 to index
        %swap3A_495 = arith.constant 0 : index
        %swap3A_496 = tpu.vector_load %arg10[%swap3A_494, %swap3A_495] {strides = array<i32>} : memref<80x128xf32, #tpu.memory_space<vmem>>, vector<1x16xf32>,
        %swap3A_497 = vector.shape_cast %swap3A_496 : vector<1x16xf32> to vector<16xf32>
        %swap3A_498 = vector.shape_cast %mul3A_493 : vector<16xf32> to vector<1x16xf32>
        tpu.vector_store %arg10[%swap3A_494, %swap3A_495], %swap3A_498 {strides = array<i32>} : memref<80x128xf32, #tpu.memory_space<vmem>>, vector<1x16xf32>,
        %get3A_499 = arith.index_cast %add3A_488 : i32 to index
        %get3A_500 = arith.constant 16 : index
        %get3A_501 = tpu.vector_load %arg10[%get3A_499, %get3A_500] {strides = array<i32>} : memref<80x128xf32, #tpu.memory_space<vmem>>, vector<1x16xf32>,
        %get3A_502 = vector.shape_cast %get3A_501 : vector<1x16xf32> to vector<16xf32>
        %mul3A_503 = arith.mulf %get3A_502, %gather3A_486 : vector<16xf32>
        %swap3A_504 = arith.index_cast %add3A_488 : i32 to index
        %swap3A_505 = arith.constant 16 : index
        %swap3A_506 = tpu.vector_load %arg10[%swap3A_504, %swap3A_505] {strides = array<i32>} : memref<80x128xf32, #tpu.memory_space<vmem>>, vector<1x16xf32>,
        %swap3A_507 = vector.shape_cast %swap3A_506 : vector<1x16xf32> to vector<16xf32>
        %swap3A_508 = vector.shape_cast %mul3A_503 : vector<16xf32> to vector<1x16xf32>
        tpu.vector_store %arg10[%swap3A_504, %swap3A_505], %swap3A_508 {strides = array<i32>} : memref<80x128xf32, #tpu.memory_space<vmem>>, vector<1x16xf32>,
        %get3A_509 = arith.index_cast %add3A_488 : i32 to index
        %get3A_510 = arith.constant 32 : index
        %get3A_511 = tpu.vector_load %arg10[%get3A_509, %get3A_510] {strides = array<i32>} : memref<80x128xf32, #tpu.memory_space<vmem>>, vector<1x16xf32>,
        %get3A_512 = vector.shape_cast %get3A_511 : vector<1x16xf32> to vector<16xf32>
        %mul3A_513 = arith.mulf %get3A_512, %gather3A_486 : vector<16xf32>
        %swap3A_514 = arith.index_cast %add3A_488 : i32 to index
        %swap3A_515 = arith.constant 32 : index
        %swap3A_516 = tpu.vector_load %arg10[%swap3A_514, %swap3A_515] {strides = array<i32>} : memref<80x128xf32, #tpu.memory_space<vmem>>, vector<1x16xf32>,
        %swap3A_517 = vector.shape_cast %swap3A_516 : vector<1x16xf32> to vector<16xf32>
        %swap3A_518 = vector.shape_cast %mul3A_513 : vector<16xf32> to vector<1x16xf32>
        tpu.vector_store %arg10[%swap3A_514, %swap3A_515], %swap3A_518 {strides = array<i32>} : memref<80x128xf32, #tpu.memory_space<vmem>>, vector<1x16xf32>,
        %get3A_519 = arith.index_cast %add3A_488 : i32 to index
        %get3A_520 = arith.constant 48 : index
        %get3A_521 = tpu.vector_load %arg10[%get3A_519, %get3A_520] {strides = array<i32>} : memref<80x128xf32, #tpu.memory_space<vmem>>, vector<1x16xf32>,
        %get3A_522 = vector.shape_cast %get3A_521 : vector<1x16xf32> to vector<16xf32>
        %mul3A_523 = arith.mulf %get3A_522, %gather3A_486 : vector<16xf32>
        %swap3A_524 = arith.index_cast %add3A_488 : i32 to index
        %swap3A_525 = arith.constant 48 : index
        %swap3A_526 = tpu.vector_load %arg10[%swap3A_524, %swap3A_525] {strides = array<i32>} : memref<80x128xf32, #tpu.memory_space<vmem>>, vector<1x16xf32>,
        %swap3A_527 = vector.shape_cast %swap3A_526 : vector<1x16xf32> to vector<16xf32>
        %swap3A_528 = vector.shape_cast %mul3A_523 : vector<16xf32> to vector<1x16xf32>
        tpu.vector_store %arg10[%swap3A_524, %swap3A_525], %swap3A_528 {strides = array<i32>} : memref<80x128xf32, #tpu.memory_space<vmem>>, vector<1x16xf32>,
        %get3A_529 = arith.index_cast %add3A_488 : i32 to index
        %get3A_530 = arith.constant 64 : index
        %get3A_531 = tpu.vector_load %arg10[%get3A_529, %get3A_530] {strides = array<i32>} : memref<80x128xf32, #tpu.memory_space<vmem>>, vector<1x16xf32>,
        %get3A_532 = vector.shape_cast %get3A_531 : vector<1x16xf32> to vector<16xf32>
        %mul3A_533 = arith.mulf %get3A_532, %gather3A_486 : vector<16xf32>
        %swap3A_534 = arith.index_cast %add3A_488 : i32 to index
        %swap3A_535 = arith.constant 64 : index
        %swap3A_536 = tpu.vector_load %arg10[%swap3A_534, %swap3A_535] {strides = array<i32>} : memref<80x128xf32, #tpu.memory_space<vmem>>, vector<1x16xf32>,
        %swap3A_537 = vector.shape_cast %swap3A_536 : vector<1x16xf32> to vector<16xf32>
        %swap3A_538 = vector.shape_cast %mul3A_533 : vector<16xf32> to vector<1x16xf32>
        tpu.vector_store %arg10[%swap3A_534, %swap3A_535], %swap3A_538 {strides = array<i32>} : memref<80x128xf32, #tpu.memory_space<vmem>>, vector<1x16xf32>,
        %get3A_539 = arith.index_cast %add3A_488 : i32 to index
        %get3A_540 = arith.constant 80 : index
        %get3A_541 = tpu.vector_load %arg10[%get3A_539, %get3A_540] {strides = array<i32>} : memref<80x128xf32, #tpu.memory_space<vmem>>, vector<1x16xf32>,
        %get3A_542 = vector.shape_cast %get3A_541 : vector<1x16xf32> to vector<16xf32>
        %mul3A_543 = arith.mulf %get3A_542, %gather3A_486 : vector<16xf32>
        %swap3A_544 = arith.index_cast %add3A_488 : i32 to index
        %swap3A_545 = arith.constant 80 : index
        %swap3A_546 = tpu.vector_load %arg10[%swap3A_544, %swap3A_545] {strides = array<i32>} : memref<80x128xf32, #tpu.memory_space<vmem>>, vector<1x16xf32>,
        %swap3A_547 = vector.shape_cast %swap3A_546 : vector<1x16xf32> to vector<16xf32>
        %swap3A_548 = vector.shape_cast %mul3A_543 : vector<16xf32> to vector<1x16xf32>
        tpu.vector_store %arg10[%swap3A_544, %swap3A_545], %swap3A_548 {strides = array<i32>} : memref<80x128xf32, #tpu.memory_space<vmem>>, vector<1x16xf32>,
        %get3A_549 = arith.index_cast %add3A_488 : i32 to index
        %get3A_550 = arith.constant 96 : index
        %get3A_551 = tpu.vector_load %arg10[%get3A_549, %get3A_550] {strides = array<i32>} : memref<80x128xf32, #tpu.memory_space<vmem>>, vector<1x16xf32>,
        %get3A_552 = vector.shape_cast %get3A_551 : vector<1x16xf32> to vector<16xf32>
        %mul3A_553 = arith.mulf %get3A_552, %gather3A_486 : vector<16xf32>
        %swap3A_554 = arith.index_cast %add3A_488 : i32 to index
        %swap3A_555 = arith.constant 96 : index
        %swap3A_556 = tpu.vector_load %arg10[%swap3A_554, %swap3A_555] {strides = array<i32>} : memref<80x128xf32, #tpu.memory_space<vmem>>, vector<1x16xf32>,
        %swap3A_557 = vector.shape_cast %swap3A_556 : vector<1x16xf32> to vector<16xf32>
        %swap3A_558 = vector.shape_cast %mul3A_553 : vector<16xf32> to vector<1x16xf32>
        tpu.vector_store %arg10[%swap3A_554, %swap3A_555], %swap3A_558 {strides = array<i32>} : memref<80x128xf32, #tpu.memory_space<vmem>>, vector<1x16xf32>,
        %get3A_559 = arith.index_cast %add3A_488 : i32 to index
        %get3A_560 = arith.constant 112 : index
        %get3A_561 = tpu.vector_load %arg10[%get3A_559, %get3A_560] {strides = array<i32>} : memref<80x128xf32, #tpu.memory_space<vmem>>, vector<1x16xf32>,
        %get3A_562 = vector.shape_cast %get3A_561 : vector<1x16xf32> to vector<16xf32>
        %mul3A_563 = arith.mulf %get3A_562, %gather3A_486 : vector<16xf32>
        %swap3A_564 = arith.index_cast %add3A_488 : i32 to index
        %swap3A_565 = arith.constant 112 : index
        %swap3A_566 = tpu.vector_load %arg10[%swap3A_564, %swap3A_565] {strides = array<i32>} : memref<80x128xf32, #tpu.memory_space<vmem>>, vector<1x16xf32>,
        %swap3A_567 = vector.shape_cast %swap3A_566 : vector<1x16xf32> to vector<16xf32>
        %swap3A_568 = vector.shape_cast %mul3A_563 : vector<16xf32> to vector<1x16xf32>
        tpu.vector_store %arg10[%swap3A_564, %swap3A_565], %swap3A_568 {strides = array<i32>} : memref<80x128xf32, #tpu.memory_space<vmem>>, vector<1x16xf32>,
        %broadcast_in_dim3A_569 = arith.constant 6 : i32
        %broadcast_in_dim3A_570 = vector.broadcast %broadcast_in_dim3A_569 : i32 to vector<16x1xi32>
        %gather3A_571 = vector.shape_cast %broadcast_in_dim3A_570 : vector<16x1xi32> to vector<16xi32>
        %gather3A_572 = tpu.dynamic_gather %get3A_55[%gather3A_571] in [0] : vector<16xf32>, vector<16xi32> -> vector<16xf32>
        %add3A_573 = arith.constant 6 : i32
        %add3A_574 = arith.addi %mul3A_53, %add3A_573 : i32
        %get3A_575 = arith.index_cast %add3A_574 : i32 to index
        %get3A_576 = arith.constant 0 : index
        %get3A_577 = tpu.vector_load %arg10[%get3A_575, %get3A_576] {strides = array<i32>} : memref<80x128xf32, #tpu.memory_space<vmem>>, vector<1x16xf32>,
        %get3A_578 = vector.shape_cast %get3A_577 : vector<1x16xf32> to vector<16xf32>
        %mul3A_579 = arith.mulf %get3A_578, %gather3A_572 : vector<16xf32>
        %swap3A_580 = arith.index_cast %add3A_574 : i32 to index
        %swap3A_581 = arith.constant 0 : index
        %swap3A_582 = tpu.vector_load %arg10[%swap3A_580, %swap3A_581] {strides = array<i32>} : memref<80x128xf32, #tpu.memory_space<vmem>>, vector<1x16xf32>,
        %swap3A_583 = vector.shape_cast %swap3A_582 : vector<1x16xf32> to vector<16xf32>
        %swap3A_584 = vector.shape_cast %mul3A_579 : vector<16xf32> to vector<1x16xf32>
        tpu.vector_store %arg10[%swap3A_580, %swap3A_581], %swap3A_584 {strides = array<i32>} : memref<80x128xf32, #tpu.memory_space<vmem>>, vector<1x16xf32>,
        %get3A_585 = arith.index_cast %add3A_574 : i32 to index
        %get3A_586 = arith.constant 16 : index
        %get3A_587 = tpu.vector_load %arg10[%get3A_585, %get3A_586] {strides = array<i32>} : memref<80x128xf32, #tpu.memory_space<vmem>>, vector<1x16xf32>,
        %get3A_588 = vector.shape_cast %get3A_587 : vector<1x16xf32> to vector<16xf32>
        %mul3A_589 = arith.mulf %get3A_588, %gather3A_572 : vector<16xf32>
        %swap3A_590 = arith.index_cast %add3A_574 : i32 to index
        %swap3A_591 = arith.constant 16 : index
        %swap3A_592 = tpu.vector_load %arg10[%swap3A_590, %swap3A_591] {strides = array<i32>} : memref<80x128xf32, #tpu.memory_space<vmem>>, vector<1x16xf32>,
        %swap3A_593 = vector.shape_cast %swap3A_592 : vector<1x16xf32> to vector<16xf32>
        %swap3A_594 = vector.shape_cast %mul3A_589 : vector<16xf32> to vector<1x16xf32>
        tpu.vector_store %arg10[%swap3A_590, %swap3A_591], %swap3A_594 {strides = array<i32>} : memref<80x128xf32, #tpu.memory_space<vmem>>, vector<1x16xf32>,
        %get3A_595 = arith.index_cast %add3A_574 : i32 to index
        %get3A_596 = arith.constant 32 : index
        %get3A_597 = tpu.vector_load %arg10[%get3A_595, %get3A_596] {strides = array<i32>} : memref<80x128xf32, #tpu.memory_space<vmem>>, vector<1x16xf32>,
        %get3A_598 = vector.shape_cast %get3A_597 : vector<1x16xf32> to vector<16xf32>
        %mul3A_599 = arith.mulf %get3A_598, %gather3A_572 : vector<16xf32>
        %swap3A_600 = arith.index_cast %add3A_574 : i32 to index
        %swap3A_601 = arith.constant 32 : index
        %swap3A_602 = tpu.vector_load %arg10[%swap3A_600, %swap3A_601] {strides = array<i32>} : memref<80x128xf32, #tpu.memory_space<vmem>>, vector<1x16xf32>,
        %swap3A_603 = vector.shape_cast %swap3A_602 : vector<1x16xf32> to vector<16xf32>
        %swap3A_604 = vector.shape_cast %mul3A_599 : vector<16xf32> to vector<1x16xf32>
        tpu.vector_store %arg10[%swap3A_600, %swap3A_601], %swap3A_604 {strides = array<i32>} : memref<80x128xf32, #tpu.memory_space<vmem>>, vector<1x16xf32>,
        %get3A_605 = arith.index_cast %add3A_574 : i32 to index
        %get3A_606 = arith.constant 48 : index
        %get3A_607 = tpu.vector_load %arg10[%get3A_605, %get3A_606] {strides = array<i32>} : memref<80x128xf32, #tpu.memory_space<vmem>>, vector<1x16xf32>,
        %get3A_608 = vector.shape_cast %get3A_607 : vector<1x16xf32> to vector<16xf32>
        %mul3A_609 = arith.mulf %get3A_608, %gather3A_572 : vector<16xf32>
        %swap3A_610 = arith.index_cast %add3A_574 : i32 to index
        %swap3A_611 = arith.constant 48 : index
        %swap3A_612 = tpu.vector_load %arg10[%swap3A_610, %swap3A_611] {strides = array<i32>} : memref<80x128xf32, #tpu.memory_space<vmem>>, vector<1x16xf32>,
        %swap3A_613 = vector.shape_cast %swap3A_612 : vector<1x16xf32> to vector<16xf32>
        %swap3A_614 = vector.shape_cast %mul3A_609 : vector<16xf32> to vector<1x16xf32>
        tpu.vector_store %arg10[%swap3A_610, %swap3A_611], %swap3A_614 {strides = array<i32>} : memref<80x128xf32, #tpu.memory_space<vmem>>, vector<1x16xf32>,
        %get3A_615 = arith.index_cast %add3A_574 : i32 to index
        %get3A_616 = arith.constant 64 : index
        %get3A_617 = tpu.vector_load %arg10[%get3A_615, %get3A_616] {strides = array<i32>} : memref<80x128xf32, #tpu.memory_space<vmem>>, vector<1x16xf32>,
        %get3A_618 = vector.shape_cast %get3A_617 : vector<1x16xf32> to vector<16xf32>
        %mul3A_619 = arith.mulf %get3A_618, %gather3A_572 : vector<16xf32>
        %swap3A_620 = arith.index_cast %add3A_574 : i32 to index
        %swap3A_621 = arith.constant 64 : index
        %swap3A_622 = tpu.vector_load %arg10[%swap3A_620, %swap3A_621] {strides = array<i32>} : memref<80x128xf32, #tpu.memory_space<vmem>>, vector<1x16xf32>,
        %swap3A_623 = vector.shape_cast %swap3A_622 : vector<1x16xf32> to vector<16xf32>
        %swap3A_624 = vector.shape_cast %mul3A_619 : vector<16xf32> to vector<1x16xf32>
        tpu.vector_store %arg10[%swap3A_620, %swap3A_621], %swap3A_624 {strides = array<i32>} : memref<80x128xf32, #tpu.memory_space<vmem>>, vector<1x16xf32>,
        %get3A_625 = arith.index_cast %add3A_574 : i32 to index
        %get3A_626 = arith.constant 80 : index
        %get3A_627 = tpu.vector_load %arg10[%get3A_625, %get3A_626] {strides = array<i32>} : memref<80x128xf32, #tpu.memory_space<vmem>>, vector<1x16xf32>,
        %get3A_628 = vector.shape_cast %get3A_627 : vector<1x16xf32> to vector<16xf32>
        %mul3A_629 = arith.mulf %get3A_628, %gather3A_572 : vector<16xf32>
        %swap3A_630 = arith.index_cast %add3A_574 : i32 to index
        %swap3A_631 = arith.constant 80 : index
        %swap3A_632 = tpu.vector_load %arg10[%swap3A_630, %swap3A_631] {strides = array<i32>} : memref<80x128xf32, #tpu.memory_space<vmem>>, vector<1x16xf32>,
        %swap3A_633 = vector.shape_cast %swap3A_632 : vector<1x16xf32> to vector<16xf32>
        %swap3A_634 = vector.shape_cast %mul3A_629 : vector<16xf32> to vector<1x16xf32>
        tpu.vector_store %arg10[%swap3A_630, %swap3A_631], %swap3A_634 {strides = array<i32>} : memref<80x128xf32, #tpu.memory_space<vmem>>, vector<1x16xf32>,
        %get3A_635 = arith.index_cast %add3A_574 : i32 to index
        %get3A_636 = arith.constant 96 : index
        %get3A_637 = tpu.vector_load %arg10[%get3A_635, %get3A_636] {strides = array<i32>} : memref<80x128xf32, #tpu.memory_space<vmem>>, vector<1x16xf32>,
        %get3A_638 = vector.shape_cast %get3A_637 : vector<1x16xf32> to vector<16xf32>
        %mul3A_639 = arith.mulf %get3A_638, %gather3A_572 : vector<16xf32>
        %swap3A_640 = arith.index_cast %add3A_574 : i32 to index
        %swap3A_641 = arith.constant 96 : index
        %swap3A_642 = tpu.vector_load %arg10[%swap3A_640, %swap3A_641] {strides = array<i32>} : memref<80x128xf32, #tpu.memory_space<vmem>>, vector<1x16xf32>,
        %swap3A_643 = vector.shape_cast %swap3A_642 : vector<1x16xf32> to vector<16xf32>
        %swap3A_644 = vector.shape_cast %mul3A_639 : vector<16xf32> to vector<1x16xf32>
        tpu.vector_store %arg10[%swap3A_640, %swap3A_641], %swap3A_644 {strides = array<i32>} : memref<80x128xf32, #tpu.memory_space<vmem>>, vector<1x16xf32>,
        %get3A_645 = arith.index_cast %add3A_574 : i32 to index
        %get3A_646 = arith.constant 112 : index
        %get3A_647 = tpu.vector_load %arg10[%get3A_645, %get3A_646] {strides = array<i32>} : memref<80x128xf32, #tpu.memory_space<vmem>>, vector<1x16xf32>,
        %get3A_648 = vector.shape_cast %get3A_647 : vector<1x16xf32> to vector<16xf32>
        %mul3A_649 = arith.mulf %get3A_648, %gather3A_572 : vector<16xf32>
        %swap3A_650 = arith.index_cast %add3A_574 : i32 to index
        %swap3A_651 = arith.constant 112 : index
        %swap3A_652 = tpu.vector_load %arg10[%swap3A_650, %swap3A_651] {strides = array<i32>} : memref<80x128xf32, #tpu.memory_space<vmem>>, vector<1x16xf32>,
        %swap3A_653 = vector.shape_cast %swap3A_652 : vector<1x16xf32> to vector<16xf32>
        %swap3A_654 = vector.shape_cast %mul3A_649 : vector<16xf32> to vector<1x16xf32>
        tpu.vector_store %arg10[%swap3A_650, %swap3A_651], %swap3A_654 {strides = array<i32>} : memref<80x128xf32, #tpu.memory_space<vmem>>, vector<1x16xf32>,
        %broadcast_in_dim3A_655 = arith.constant 7 : i32
        %broadcast_in_dim3A_656 = vector.broadcast %broadcast_in_dim3A_655 : i32 to vector<16x1xi32>
        %gather3A_657 = vector.shape_cast %broadcast_in_dim3A_656 : vector<16x1xi32> to vector<16xi32>
        %gather3A_658 = tpu.dynamic_gather %get3A_55[%gather3A_657] in [0] : vector<16xf32>, vector<16xi32> -> vector<16xf32>
        %add3A_659 = arith.constant 7 : i32
        %add3A_660 = arith.addi %mul3A_53, %add3A_659 : i32
        %get3A_661 = arith.index_cast %add3A_660 : i32 to index
        %get3A_662 = arith.constant 0 : index
        %get3A_663 = tpu.vector_load %arg10[%get3A_661, %get3A_662] {strides = array<i32>} : memref<80x128xf32, #tpu.memory_space<vmem>>, vector<1x16xf32>,
        %get3A_664 = vector.shape_cast %get3A_663 : vector<1x16xf32> to vector<16xf32>
        %mul3A_665 = arith.mulf %get3A_664, %gather3A_658 : vector<16xf32>
        %swap3A_666 = arith.index_cast %add3A_660 : i32 to index
        %swap3A_667 = arith.constant 0 : index
        %swap3A_668 = tpu.vector_load %arg10[%swap3A_666, %swap3A_667] {strides = array<i32>} : memref<80x128xf32, #tpu.memory_space<vmem>>, vector<1x16xf32>,
        %swap3A_669 = vector.shape_cast %swap3A_668 : vector<1x16xf32> to vector<16xf32>
        %swap3A_670 = vector.shape_cast %mul3A_665 : vector<16xf32> to vector<1x16xf32>
        tpu.vector_store %arg10[%swap3A_666, %swap3A_667], %swap3A_670 {strides = array<i32>} : memref<80x128xf32, #tpu.memory_space<vmem>>, vector<1x16xf32>,
        %get3A_671 = arith.index_cast %add3A_660 : i32 to index
        %get3A_672 = arith.constant 16 : index
        %get3A_673 = tpu.vector_load %arg10[%get3A_671, %get3A_672] {strides = array<i32>} : memref<80x128xf32, #tpu.memory_space<vmem>>, vector<1x16xf32>,
        %get3A_674 = vector.shape_cast %get3A_673 : vector<1x16xf32> to vector<16xf32>
        %mul3A_675 = arith.mulf %get3A_674, %gather3A_658 : vector<16xf32>
        %swap3A_676 = arith.index_cast %add3A_660 : i32 to index
        %swap3A_677 = arith.constant 16 : index
        %swap3A_678 = tpu.vector_load %arg10[%swap3A_676, %swap3A_677] {strides = array<i32>} : memref<80x128xf32, #tpu.memory_space<vmem>>, vector<1x16xf32>,
        %swap3A_679 = vector.shape_cast %swap3A_678 : vector<1x16xf32> to vector<16xf32>
        %swap3A_680 = vector.shape_cast %mul3A_675 : vector<16xf32> to vector<1x16xf32>
        tpu.vector_store %arg10[%swap3A_676, %swap3A_677], %swap3A_680 {strides = array<i32>} : memref<80x128xf32, #tpu.memory_space<vmem>>, vector<1x16xf32>,
        %get3A_681 = arith.index_cast %add3A_660 : i32 to index
        %get3A_682 = arith.constant 32 : index
        %get3A_683 = tpu.vector_load %arg10[%get3A_681, %get3A_682] {strides = array<i32>} : memref<80x128xf32, #tpu.memory_space<vmem>>, vector<1x16xf32>,
        %get3A_684 = vector.shape_cast %get3A_683 : vector<1x16xf32> to vector<16xf32>
        %mul3A_685 = arith.mulf %get3A_684, %gather3A_658 : vector<16xf32>
        %swap3A_686 = arith.index_cast %add3A_660 : i32 to index
        %swap3A_687 = arith.constant 32 : index
        %swap3A_688 = tpu.vector_load %arg10[%swap3A_686, %swap3A_687] {strides = array<i32>} : memref<80x128xf32, #tpu.memory_space<vmem>>, vector<1x16xf32>,
        %swap3A_689 = vector.shape_cast %swap3A_688 : vector<1x16xf32> to vector<16xf32>
        %swap3A_690 = vector.shape_cast %mul3A_685 : vector<16xf32> to vector<1x16xf32>
        tpu.vector_store %arg10[%swap3A_686, %swap3A_687], %swap3A_690 {strides = array<i32>} : memref<80x128xf32, #tpu.memory_space<vmem>>, vector<1x16xf32>,
        %get3A_691 = arith.index_cast %add3A_660 : i32 to index
        %get3A_692 = arith.constant 48 : index
        %get3A_693 = tpu.vector_load %arg10[%get3A_691, %get3A_692] {strides = array<i32>} : memref<80x128xf32, #tpu.memory_space<vmem>>, vector<1x16xf32>,
        %get3A_694 = vector.shape_cast %get3A_693 : vector<1x16xf32> to vector<16xf32>
        %mul3A_695 = arith.mulf %get3A_694, %gather3A_658 : vector<16xf32>
        %swap3A_696 = arith.index_cast %add3A_660 : i32 to index
        %swap3A_697 = arith.constant 48 : index
        %swap3A_698 = tpu.vector_load %arg10[%swap3A_696, %swap3A_697] {strides = array<i32>} : memref<80x128xf32, #tpu.memory_space<vmem>>, vector<1x16xf32>,
        %swap3A_699 = vector.shape_cast %swap3A_698 : vector<1x16xf32> to vector<16xf32>
        %swap3A_700 = vector.shape_cast %mul3A_695 : vector<16xf32> to vector<1x16xf32>
        tpu.vector_store %arg10[%swap3A_696, %swap3A_697], %swap3A_700 {strides = array<i32>} : memref<80x128xf32, #tpu.memory_space<vmem>>, vector<1x16xf32>,
        %get3A_701 = arith.index_cast %add3A_660 : i32 to index
        %get3A_702 = arith.constant 64 : index
        %get3A_703 = tpu.vector_load %arg10[%get3A_701, %get3A_702] {strides = array<i32>} : memref<80x128xf32, #tpu.memory_space<vmem>>, vector<1x16xf32>,
        %get3A_704 = vector.shape_cast %get3A_703 : vector<1x16xf32> to vector<16xf32>
        %mul3A_705 = arith.mulf %get3A_704, %gather3A_658 : vector<16xf32>
        %swap3A_706 = arith.index_cast %add3A_660 : i32 to index
        %swap3A_707 = arith.constant 64 : index
        %swap3A_708 = tpu.vector_load %arg10[%swap3A_706, %swap3A_707] {strides = array<i32>} : memref<80x128xf32, #tpu.memory_space<vmem>>, vector<1x16xf32>,
        %swap3A_709 = vector.shape_cast %swap3A_708 : vector<1x16xf32> to vector<16xf32>
        %swap3A_710 = vector.shape_cast %mul3A_705 : vector<16xf32> to vector<1x16xf32>
        tpu.vector_store %arg10[%swap3A_706, %swap3A_707], %swap3A_710 {strides = array<i32>} : memref<80x128xf32, #tpu.memory_space<vmem>>, vector<1x16xf32>,
        %get3A_711 = arith.index_cast %add3A_660 : i32 to index
        %get3A_712 = arith.constant 80 : index
        %get3A_713 = tpu.vector_load %arg10[%get3A_711, %get3A_712] {strides = array<i32>} : memref<80x128xf32, #tpu.memory_space<vmem>>, vector<1x16xf32>,
        %get3A_714 = vector.shape_cast %get3A_713 : vector<1x16xf32> to vector<16xf32>
        %mul3A_715 = arith.mulf %get3A_714, %gather3A_658 : vector<16xf32>
        %swap3A_716 = arith.index_cast %add3A_660 : i32 to index
        %swap3A_717 = arith.constant 80 : index
        %swap3A_718 = tpu.vector_load %arg10[%swap3A_716, %swap3A_717] {strides = array<i32>} : memref<80x128xf32, #tpu.memory_space<vmem>>, vector<1x16xf32>,
        %swap3A_719 = vector.shape_cast %swap3A_718 : vector<1x16xf32> to vector<16xf32>
        %swap3A_720 = vector.shape_cast %mul3A_715 : vector<16xf32> to vector<1x16xf32>
        tpu.vector_store %arg10[%swap3A_716, %swap3A_717], %swap3A_720 {strides = array<i32>} : memref<80x128xf32, #tpu.memory_space<vmem>>, vector<1x16xf32>,
        %get3A_721 = arith.index_cast %add3A_660 : i32 to index
        %get3A_722 = arith.constant 96 : index
        %get3A_723 = tpu.vector_load %arg10[%get3A_721, %get3A_722] {strides = array<i32>} : memref<80x128xf32, #tpu.memory_space<vmem>>, vector<1x16xf32>,
        %get3A_724 = vector.shape_cast %get3A_723 : vector<1x16xf32> to vector<16xf32>
        %mul3A_725 = arith.mulf %get3A_724, %gather3A_658 : vector<16xf32>
        %swap3A_726 = arith.index_cast %add3A_660 : i32 to index
        %swap3A_727 = arith.constant 96 : index
        %swap3A_728 = tpu.vector_load %arg10[%swap3A_726, %swap3A_727] {strides = array<i32>} : memref<80x128xf32, #tpu.memory_space<vmem>>, vector<1x16xf32>,
        %swap3A_729 = vector.shape_cast %swap3A_728 : vector<1x16xf32> to vector<16xf32>
        %swap3A_730 = vector.shape_cast %mul3A_725 : vector<16xf32> to vector<1x16xf32>
        tpu.vector_store %arg10[%swap3A_726, %swap3A_727], %swap3A_730 {strides = array<i32>} : memref<80x128xf32, #tpu.memory_space<vmem>>, vector<1x16xf32>,
        %get3A_731 = arith.index_cast %add3A_660 : i32 to index
        %get3A_732 = arith.constant 112 : index
        %get3A_733 = tpu.vector_load %arg10[%get3A_731, %get3A_732] {strides = array<i32>} : memref<80x128xf32, #tpu.memory_space<vmem>>, vector<1x16xf32>,
        %get3A_734 = vector.shape_cast %get3A_733 : vector<1x16xf32> to vector<16xf32>
        %mul3A_735 = arith.mulf %get3A_734, %gather3A_658 : vector<16xf32>
        %swap3A_736 = arith.index_cast %add3A_660 : i32 to index
        %swap3A_737 = arith.constant 112 : index
        %swap3A_738 = tpu.vector_load %arg10[%swap3A_736, %swap3A_737] {strides = array<i32>} : memref<80x128xf32, #tpu.memory_space<vmem>>, vector<1x16xf32>,
        %swap3A_739 = vector.shape_cast %swap3A_738 : vector<1x16xf32> to vector<16xf32>
        %swap3A_740 = vector.shape_cast %mul3A_735 : vector<16xf32> to vector<1x16xf32>
        tpu.vector_store %arg10[%swap3A_736, %swap3A_737], %swap3A_740 {strides = array<i32>} : memref<80x128xf32, #tpu.memory_space<vmem>>, vector<1x16xf32>,
        %broadcast_in_dim3A_741 = arith.constant 8 : i32
        %broadcast_in_dim3A_742 = vector.broadcast %broadcast_in_dim3A_741 : i32 to vector<16x1xi32>
        %gather3A_743 = vector.shape_cast %broadcast_in_dim3A_742 : vector<16x1xi32> to vector<16xi32>
        %gather3A_744 = tpu.dynamic_gather %get3A_55[%gather3A_743] in [0] : vector<16xf32>, vector<16xi32> -> vector<16xf32>
        %add3A_745 = arith.constant 8 : i32
        %add3A_746 = arith.addi %mul3A_53, %add3A_745 : i32
        %get3A_747 = arith.index_cast %add3A_746 : i32 to index
        %get3A_748 = arith.constant 0 : index
        %get3A_749 = tpu.vector_load %arg10[%get3A_747, %get3A_748] {strides = array<i32>} : memref<80x128xf32, #tpu.memory_space<vmem>>, vector<1x16xf32>,
        %get3A_750 = vector.shape_cast %get3A_749 : vector<1x16xf32> to vector<16xf32>
        %mul3A_751 = arith.mulf %get3A_750, %gather3A_744 : vector<16xf32>
        %swap3A_752 = arith.index_cast %add3A_746 : i32 to index
        %swap3A_753 = arith.constant 0 : index
        %swap3A_754 = tpu.vector_load %arg10[%swap3A_752, %swap3A_753] {strides = array<i32>} : memref<80x128xf32, #tpu.memory_space<vmem>>, vector<1x16xf32>,
        %swap3A_755 = vector.shape_cast %swap3A_754 : vector<1x16xf32> to vector<16xf32>
        %swap3A_756 = vector.shape_cast %mul3A_751 : vector<16xf32> to vector<1x16xf32>
        tpu.vector_store %arg10[%swap3A_752, %swap3A_753], %swap3A_756 {strides = array<i32>} : memref<80x128xf32, #tpu.memory_space<vmem>>, vector<1x16xf32>,
        %get3A_757 = arith.index_cast %add3A_746 : i32 to index
        %get3A_758 = arith.constant 16 : index
        %get3A_759 = tpu.vector_load %arg10[%get3A_757, %get3A_758] {strides = array<i32>} : memref<80x128xf32, #tpu.memory_space<vmem>>, vector<1x16xf32>,
        %get3A_760 = vector.shape_cast %get3A_759 : vector<1x16xf32> to vector<16xf32>
        %mul3A_761 = arith.mulf %get3A_760, %gather3A_744 : vector<16xf32>
        %swap3A_762 = arith.index_cast %add3A_746 : i32 to index
        %swap3A_763 = arith.constant 16 : index
        %swap3A_764 = tpu.vector_load %arg10[%swap3A_762, %swap3A_763] {strides = array<i32>} : memref<80x128xf32, #tpu.memory_space<vmem>>, vector<1x16xf32>,
        %swap3A_765 = vector.shape_cast %swap3A_764 : vector<1x16xf32> to vector<16xf32>
        %swap3A_766 = vector.shape_cast %mul3A_761 : vector<16xf32> to vector<1x16xf32>
        tpu.vector_store %arg10[%swap3A_762, %swap3A_763], %swap3A_766 {strides = array<i32>} : memref<80x128xf32, #tpu.memory_space<vmem>>, vector<1x16xf32>,
        %get3A_767 = arith.index_cast %add3A_746 : i32 to index
        %get3A_768 = arith.constant 32 : index
        %get3A_769 = tpu.vector_load %arg10[%get3A_767, %get3A_768] {strides = array<i32>} : memref<80x128xf32, #tpu.memory_space<vmem>>, vector<1x16xf32>,
        %get3A_770 = vector.shape_cast %get3A_769 : vector<1x16xf32> to vector<16xf32>
        %mul3A_771 = arith.mulf %get3A_770, %gather3A_744 : vector<16xf32>
        %swap3A_772 = arith.index_cast %add3A_746 : i32 to index
        %swap3A_773 = arith.constant 32 : index
        %swap3A_774 = tpu.vector_load %arg10[%swap3A_772, %swap3A_773] {strides = array<i32>} : memref<80x128xf32, #tpu.memory_space<vmem>>, vector<1x16xf32>,
        %swap3A_775 = vector.shape_cast %swap3A_774 : vector<1x16xf32> to vector<16xf32>
        %swap3A_776 = vector.shape_cast %mul3A_771 : vector<16xf32> to vector<1x16xf32>
        tpu.vector_store %arg10[%swap3A_772, %swap3A_773], %swap3A_776 {strides = array<i32>} : memref<80x128xf32, #tpu.memory_space<vmem>>, vector<1x16xf32>,
        %get3A_777 = arith.index_cast %add3A_746 : i32 to index
        %get3A_778 = arith.constant 48 : index
        %get3A_779 = tpu.vector_load %arg10[%get3A_777, %get3A_778] {strides = array<i32>} : memref<80x128xf32, #tpu.memory_space<vmem>>, vector<1x16xf32>,
        %get3A_780 = vector.shape_cast %get3A_779 : vector<1x16xf32> to vector<16xf32>
        %mul3A_781 = arith.mulf %get3A_780, %gather3A_744 : vector<16xf32>
        %swap3A_782 = arith.index_cast %add3A_746 : i32 to index
        %swap3A_783 = arith.constant 48 : index
        %swap3A_784 = tpu.vector_load %arg10[%swap3A_782, %swap3A_783] {strides = array<i32>} : memref<80x128xf32, #tpu.memory_space<vmem>>, vector<1x16xf32>,
        %swap3A_785 = vector.shape_cast %swap3A_784 : vector<1x16xf32> to vector<16xf32>
        %swap3A_786 = vector.shape_cast %mul3A_781 : vector<16xf32> to vector<1x16xf32>
        tpu.vector_store %arg10[%swap3A_782, %swap3A_783], %swap3A_786 {strides = array<i32>} : memref<80x128xf32, #tpu.memory_space<vmem>>, vector<1x16xf32>,
        %get3A_787 = arith.index_cast %add3A_746 : i32 to index
        %get3A_788 = arith.constant 64 : index
        %get3A_789 = tpu.vector_load %arg10[%get3A_787, %get3A_788] {strides = array<i32>} : memref<80x128xf32, #tpu.memory_space<vmem>>, vector<1x16xf32>,
        %get3A_790 = vector.shape_cast %get3A_789 : vector<1x16xf32> to vector<16xf32>
        %mul3A_791 = arith.mulf %get3A_790, %gather3A_744 : vector<16xf32>
        %swap3A_792 = arith.index_cast %add3A_746 : i32 to index
        %swap3A_793 = arith.constant 64 : index
        %swap3A_794 = tpu.vector_load %arg10[%swap3A_792, %swap3A_793] {strides = array<i32>} : memref<80x128xf32, #tpu.memory_space<vmem>>, vector<1x16xf32>,
        %swap3A_795 = vector.shape_cast %swap3A_794 : vector<1x16xf32> to vector<16xf32>
        %swap3A_796 = vector.shape_cast %mul3A_791 : vector<16xf32> to vector<1x16xf32>
        tpu.vector_store %arg10[%swap3A_792, %swap3A_793], %swap3A_796 {strides = array<i32>} : memref<80x128xf32, #tpu.memory_space<vmem>>, vector<1x16xf32>,
        %get3A_797 = arith.index_cast %add3A_746 : i32 to index
        %get3A_798 = arith.constant 80 : index
        %get3A_799 = tpu.vector_load %arg10[%get3A_797, %get3A_798] {strides = array<i32>} : memref<80x128xf32, #tpu.memory_space<vmem>>, vector<1x16xf32>,
        %get3A_800 = vector.shape_cast %get3A_799 : vector<1x16xf32> to vector<16xf32>
        %mul3A_801 = arith.mulf %get3A_800, %gather3A_744 : vector<16xf32>
        %swap3A_802 = arith.index_cast %add3A_746 : i32 to index
        %swap3A_803 = arith.constant 80 : index
        %swap3A_804 = tpu.vector_load %arg10[%swap3A_802, %swap3A_803] {strides = array<i32>} : memref<80x128xf32, #tpu.memory_space<vmem>>, vector<1x16xf32>,
        %swap3A_805 = vector.shape_cast %swap3A_804 : vector<1x16xf32> to vector<16xf32>
        %swap3A_806 = vector.shape_cast %mul3A_801 : vector<16xf32> to vector<1x16xf32>
        tpu.vector_store %arg10[%swap3A_802, %swap3A_803], %swap3A_806 {strides = array<i32>} : memref<80x128xf32, #tpu.memory_space<vmem>>, vector<1x16xf32>,
        %get3A_807 = arith.index_cast %add3A_746 : i32 to index
        %get3A_808 = arith.constant 96 : index
        %get3A_809 = tpu.vector_load %arg10[%get3A_807, %get3A_808] {strides = array<i32>} : memref<80x128xf32, #tpu.memory_space<vmem>>, vector<1x16xf32>,
        %get3A_810 = vector.shape_cast %get3A_809 : vector<1x16xf32> to vector<16xf32>
        %mul3A_811 = arith.mulf %get3A_810, %gather3A_744 : vector<16xf32>
        %swap3A_812 = arith.index_cast %add3A_746 : i32 to index
        %swap3A_813 = arith.constant 96 : index
        %swap3A_814 = tpu.vector_load %arg10[%swap3A_812, %swap3A_813] {strides = array<i32>} : memref<80x128xf32, #tpu.memory_space<vmem>>, vector<1x16xf32>,
        %swap3A_815 = vector.shape_cast %swap3A_814 : vector<1x16xf32> to vector<16xf32>
        %swap3A_816 = vector.shape_cast %mul3A_811 : vector<16xf32> to vector<1x16xf32>
        tpu.vector_store %arg10[%swap3A_812, %swap3A_813], %swap3A_816 {strides = array<i32>} : memref<80x128xf32, #tpu.memory_space<vmem>>, vector<1x16xf32>,
        %get3A_817 = arith.index_cast %add3A_746 : i32 to index
        %get3A_818 = arith.constant 112 : index
        %get3A_819 = tpu.vector_load %arg10[%get3A_817, %get3A_818] {strides = array<i32>} : memref<80x128xf32, #tpu.memory_space<vmem>>, vector<1x16xf32>,
        %get3A_820 = vector.shape_cast %get3A_819 : vector<1x16xf32> to vector<16xf32>
        %mul3A_821 = arith.mulf %get3A_820, %gather3A_744 : vector<16xf32>
        %swap3A_822 = arith.index_cast %add3A_746 : i32 to index
        %swap3A_823 = arith.constant 112 : index
        %swap3A_824 = tpu.vector_load %arg10[%swap3A_822, %swap3A_823] {strides = array<i32>} : memref<80x128xf32, #tpu.memory_space<vmem>>, vector<1x16xf32>,
        %swap3A_825 = vector.shape_cast %swap3A_824 : vector<1x16xf32> to vector<16xf32>
        %swap3A_826 = vector.shape_cast %mul3A_821 : vector<16xf32> to vector<1x16xf32>
        tpu.vector_store %arg10[%swap3A_822, %swap3A_823], %swap3A_826 {strides = array<i32>} : memref<80x128xf32, #tpu.memory_space<vmem>>, vector<1x16xf32>,
        %broadcast_in_dim3A_827 = arith.constant 9 : i32
        %broadcast_in_dim3A_828 = vector.broadcast %broadcast_in_dim3A_827 : i32 to vector<16x1xi32>
        %gather3A_829 = vector.shape_cast %broadcast_in_dim3A_828 : vector<16x1xi32> to vector<16xi32>
        %gather3A_830 = tpu.dynamic_gather %get3A_55[%gather3A_829] in [0] : vector<16xf32>, vector<16xi32> -> vector<16xf32>
        %add3A_831 = arith.constant 9 : i32
        %add3A_832 = arith.addi %mul3A_53, %add3A_831 : i32
        %get3A_833 = arith.index_cast %add3A_832 : i32 to index
        %get3A_834 = arith.constant 0 : index
        %get3A_835 = tpu.vector_load %arg10[%get3A_833, %get3A_834] {strides = array<i32>} : memref<80x128xf32, #tpu.memory_space<vmem>>, vector<1x16xf32>,
        %get3A_836 = vector.shape_cast %get3A_835 : vector<1x16xf32> to vector<16xf32>
        %mul3A_837 = arith.mulf %get3A_836, %gather3A_830 : vector<16xf32>
        %swap3A_838 = arith.index_cast %add3A_832 : i32 to index
        %swap3A_839 = arith.constant 0 : index
        %swap3A_840 = tpu.vector_load %arg10[%swap3A_838, %swap3A_839] {strides = array<i32>} : memref<80x128xf32, #tpu.memory_space<vmem>>, vector<1x16xf32>,
        %swap3A_841 = vector.shape_cast %swap3A_840 : vector<1x16xf32> to vector<16xf32>
        %swap3A_842 = vector.shape_cast %mul3A_837 : vector<16xf32> to vector<1x16xf32>
        tpu.vector_store %arg10[%swap3A_838, %swap3A_839], %swap3A_842 {strides = array<i32>} : memref<80x128xf32, #tpu.memory_space<vmem>>, vector<1x16xf32>,
        %get3A_843 = arith.index_cast %add3A_832 : i32 to index
        %get3A_844 = arith.constant 16 : index
        %get3A_845 = tpu.vector_load %arg10[%get3A_843, %get3A_844] {strides = array<i32>} : memref<80x128xf32, #tpu.memory_space<vmem>>, vector<1x16xf32>,
        %get3A_846 = vector.shape_cast %get3A_845 : vector<1x16xf32> to vector<16xf32>
        %mul3A_847 = arith.mulf %get3A_846, %gather3A_830 : vector<16xf32>
        %swap3A_848 = arith.index_cast %add3A_832 : i32 to index
        %swap3A_849 = arith.constant 16 : index
        %swap3A_850 = tpu.vector_load %arg10[%swap3A_848, %swap3A_849] {strides = array<i32>} : memref<80x128xf32, #tpu.memory_space<vmem>>, vector<1x16xf32>,
        %swap3A_851 = vector.shape_cast %swap3A_850 : vector<1x16xf32> to vector<16xf32>
        %swap3A_852 = vector.shape_cast %mul3A_847 : vector<16xf32> to vector<1x16xf32>
        tpu.vector_store %arg10[%swap3A_848, %swap3A_849], %swap3A_852 {strides = array<i32>} : memref<80x128xf32, #tpu.memory_space<vmem>>, vector<1x16xf32>,
        %get3A_853 = arith.index_cast %add3A_832 : i32 to index
        %get3A_854 = arith.constant 32 : index
        %get3A_855 = tpu.vector_load %arg10[%get3A_853, %get3A_854] {strides = array<i32>} : memref<80x128xf32, #tpu.memory_space<vmem>>, vector<1x16xf32>,
        %get3A_856 = vector.shape_cast %get3A_855 : vector<1x16xf32> to vector<16xf32>
        %mul3A_857 = arith.mulf %get3A_856, %gather3A_830 : vector<16xf32>
        %swap3A_858 = arith.index_cast %add3A_832 : i32 to index
        %swap3A_859 = arith.constant 32 : index
        %swap3A_860 = tpu.vector_load %arg10[%swap3A_858, %swap3A_859] {strides = array<i32>} : memref<80x128xf32, #tpu.memory_space<vmem>>, vector<1x16xf32>,
        %swap3A_861 = vector.shape_cast %swap3A_860 : vector<1x16xf32> to vector<16xf32>
        %swap3A_862 = vector.shape_cast %mul3A_857 : vector<16xf32> to vector<1x16xf32>
        tpu.vector_store %arg10[%swap3A_858, %swap3A_859], %swap3A_862 {strides = array<i32>} : memref<80x128xf32, #tpu.memory_space<vmem>>, vector<1x16xf32>,
        %get3A_863 = arith.index_cast %add3A_832 : i32 to index
        %get3A_864 = arith.constant 48 : index
        %get3A_865 = tpu.vector_load %arg10[%get3A_863, %get3A_864] {strides = array<i32>} : memref<80x128xf32, #tpu.memory_space<vmem>>, vector<1x16xf32>,
        %get3A_866 = vector.shape_cast %get3A_865 : vector<1x16xf32> to vector<16xf32>
        %mul3A_867 = arith.mulf %get3A_866, %gather3A_830 : vector<16xf32>
        %swap3A_868 = arith.index_cast %add3A_832 : i32 to index
        %swap3A_869 = arith.constant 48 : index
        %swap3A_870 = tpu.vector_load %arg10[%swap3A_868, %swap3A_869] {strides = array<i32>} : memref<80x128xf32, #tpu.memory_space<vmem>>, vector<1x16xf32>,
        %swap3A_871 = vector.shape_cast %swap3A_870 : vector<1x16xf32> to vector<16xf32>
        %swap3A_872 = vector.shape_cast %mul3A_867 : vector<16xf32> to vector<1x16xf32>
        tpu.vector_store %arg10[%swap3A_868, %swap3A_869], %swap3A_872 {strides = array<i32>} : memref<80x128xf32, #tpu.memory_space<vmem>>, vector<1x16xf32>,
        %get3A_873 = arith.index_cast %add3A_832 : i32 to index
        %get3A_874 = arith.constant 64 : index
        %get3A_875 = tpu.vector_load %arg10[%get3A_873, %get3A_874] {strides = array<i32>} : memref<80x128xf32, #tpu.memory_space<vmem>>, vector<1x16xf32>,
        %get3A_876 = vector.shape_cast %get3A_875 : vector<1x16xf32> to vector<16xf32>
        %mul3A_877 = arith.mulf %get3A_876, %gather3A_830 : vector<16xf32>
        %swap3A_878 = arith.index_cast %add3A_832 : i32 to index
        %swap3A_879 = arith.constant 64 : index
        %swap3A_880 = tpu.vector_load %arg10[%swap3A_878, %swap3A_879] {strides = array<i32>} : memref<80x128xf32, #tpu.memory_space<vmem>>, vector<1x16xf32>,
        %swap3A_881 = vector.shape_cast %swap3A_880 : vector<1x16xf32> to vector<16xf32>
        %swap3A_882 = vector.shape_cast %mul3A_877 : vector<16xf32> to vector<1x16xf32>
        tpu.vector_store %arg10[%swap3A_878, %swap3A_879], %swap3A_882 {strides = array<i32>} : memref<80x128xf32, #tpu.memory_space<vmem>>, vector<1x16xf32>,
        %get3A_883 = arith.index_cast %add3A_832 : i32 to index
        %get3A_884 = arith.constant 80 : index
        %get3A_885 = tpu.vector_load %arg10[%get3A_883, %get3A_884] {strides = array<i32>} : memref<80x128xf32, #tpu.memory_space<vmem>>, vector<1x16xf32>,
        %get3A_886 = vector.shape_cast %get3A_885 : vector<1x16xf32> to vector<16xf32>
        %mul3A_887 = arith.mulf %get3A_886, %gather3A_830 : vector<16xf32>
        %swap3A_888 = arith.index_cast %add3A_832 : i32 to index
        %swap3A_889 = arith.constant 80 : index
        %swap3A_890 = tpu.vector_load %arg10[%swap3A_888, %swap3A_889] {strides = array<i32>} : memref<80x128xf32, #tpu.memory_space<vmem>>, vector<1x16xf32>,
        %swap3A_891 = vector.shape_cast %swap3A_890 : vector<1x16xf32> to vector<16xf32>
        %swap3A_892 = vector.shape_cast %mul3A_887 : vector<16xf32> to vector<1x16xf32>
        tpu.vector_store %arg10[%swap3A_888, %swap3A_889], %swap3A_892 {strides = array<i32>} : memref<80x128xf32, #tpu.memory_space<vmem>>, vector<1x16xf32>,
        %get3A_893 = arith.index_cast %add3A_832 : i32 to index
        %get3A_894 = arith.constant 96 : index
        %get3A_895 = tpu.vector_load %arg10[%get3A_893, %get3A_894] {strides = array<i32>} : memref<80x128xf32, #tpu.memory_space<vmem>>, vector<1x16xf32>,
        %get3A_896 = vector.shape_cast %get3A_895 : vector<1x16xf32> to vector<16xf32>
        %mul3A_897 = arith.mulf %get3A_896, %gather3A_830 : vector<16xf32>
        %swap3A_898 = arith.index_cast %add3A_832 : i32 to index
        %swap3A_899 = arith.constant 96 : index
        %swap3A_900 = tpu.vector_load %arg10[%swap3A_898, %swap3A_899] {strides = array<i32>} : memref<80x128xf32, #tpu.memory_space<vmem>>, vector<1x16xf32>,
        %swap3A_901 = vector.shape_cast %swap3A_900 : vector<1x16xf32> to vector<16xf32>
        %swap3A_902 = vector.shape_cast %mul3A_897 : vector<16xf32> to vector<1x16xf32>
        tpu.vector_store %arg10[%swap3A_898, %swap3A_899], %swap3A_902 {strides = array<i32>} : memref<80x128xf32, #tpu.memory_space<vmem>>, vector<1x16xf32>,
        %get3A_903 = arith.index_cast %add3A_832 : i32 to index
        %get3A_904 = arith.constant 112 : index
        %get3A_905 = tpu.vector_load %arg10[%get3A_903, %get3A_904] {strides = array<i32>} : memref<80x128xf32, #tpu.memory_space<vmem>>, vector<1x16xf32>,
        %get3A_906 = vector.shape_cast %get3A_905 : vector<1x16xf32> to vector<16xf32>
        %mul3A_907 = arith.mulf %get3A_906, %gather3A_830 : vector<16xf32>
        %swap3A_908 = arith.index_cast %add3A_832 : i32 to index
        %swap3A_909 = arith.constant 112 : index
        %swap3A_910 = tpu.vector_load %arg10[%swap3A_908, %swap3A_909] {strides = array<i32>} : memref<80x128xf32, #tpu.memory_space<vmem>>, vector<1x16xf32>,
        %swap3A_911 = vector.shape_cast %swap3A_910 : vector<1x16xf32> to vector<16xf32>
        %swap3A_912 = vector.shape_cast %mul3A_907 : vector<16xf32> to vector<1x16xf32>
        tpu.vector_store %arg10[%swap3A_908, %swap3A_909], %swap3A_912 {strides = array<i32>} : memref<80x128xf32, #tpu.memory_space<vmem>>, vector<1x16xf32>,
        %broadcast_in_dim3A_913 = arith.constant 10 : i32
        %broadcast_in_dim3A_914 = vector.broadcast %broadcast_in_dim3A_913 : i32 to vector<16x1xi32>
        %gather3A_915 = vector.shape_cast %broadcast_in_dim3A_914 : vector<16x1xi32> to vector<16xi32>
        %gather3A_916 = tpu.dynamic_gather %get3A_55[%gather3A_915] in [0] : vector<16xf32>, vector<16xi32> -> vector<16xf32>
        %add3A_917 = arith.constant 10 : i32
        %add3A_918 = arith.addi %mul3A_53, %add3A_917 : i32
        %get3A_919 = arith.index_cast %add3A_918 : i32 to index
        %get3A_920 = arith.constant 0 : index
        %get3A_921 = tpu.vector_load %arg10[%get3A_919, %get3A_920] {strides = array<i32>} : memref<80x128xf32, #tpu.memory_space<vmem>>, vector<1x16xf32>,
        %get3A_922 = vector.shape_cast %get3A_921 : vector<1x16xf32> to vector<16xf32>
        %mul3A_923 = arith.mulf %get3A_922, %gather3A_916 : vector<16xf32>
        %swap3A_924 = arith.index_cast %add3A_918 : i32 to index
        %swap3A_925 = arith.constant 0 : index
        %swap3A_926 = tpu.vector_load %arg10[%swap3A_924, %swap3A_925] {strides = array<i32>} : memref<80x128xf32, #tpu.memory_space<vmem>>, vector<1x16xf32>,
        %swap3A_927 = vector.shape_cast %swap3A_926 : vector<1x16xf32> to vector<16xf32>
        %swap3A_928 = vector.shape_cast %mul3A_923 : vector<16xf32> to vector<1x16xf32>
        tpu.vector_store %arg10[%swap3A_924, %swap3A_925], %swap3A_928 {strides = array<i32>} : memref<80x128xf32, #tpu.memory_space<vmem>>, vector<1x16xf32>,
        %get3A_929 = arith.index_cast %add3A_918 : i32 to index
        %get3A_930 = arith.constant 16 : index
        %get3A_931 = tpu.vector_load %arg10[%get3A_929, %get3A_930] {strides = array<i32>} : memref<80x128xf32, #tpu.memory_space<vmem>>, vector<1x16xf32>,
        %get3A_932 = vector.shape_cast %get3A_931 : vector<1x16xf32> to vector<16xf32>
        %mul3A_933 = arith.mulf %get3A_932, %gather3A_916 : vector<16xf32>
        %swap3A_934 = arith.index_cast %add3A_918 : i32 to index
        %swap3A_935 = arith.constant 16 : index
        %swap3A_936 = tpu.vector_load %arg10[%swap3A_934, %swap3A_935] {strides = array<i32>} : memref<80x128xf32, #tpu.memory_space<vmem>>, vector<1x16xf32>,
        %swap3A_937 = vector.shape_cast %swap3A_936 : vector<1x16xf32> to vector<16xf32>
        %swap3A_938 = vector.shape_cast %mul3A_933 : vector<16xf32> to vector<1x16xf32>
        tpu.vector_store %arg10[%swap3A_934, %swap3A_935], %swap3A_938 {strides = array<i32>} : memref<80x128xf32, #tpu.memory_space<vmem>>, vector<1x16xf32>,
        %get3A_939 = arith.index_cast %add3A_918 : i32 to index
        %get3A_940 = arith.constant 32 : index
        %get3A_941 = tpu.vector_load %arg10[%get3A_939, %get3A_940] {strides = array<i32>} : memref<80x128xf32, #tpu.memory_space<vmem>>, vector<1x16xf32>,
        %get3A_942 = vector.shape_cast %get3A_941 : vector<1x16xf32> to vector<16xf32>
        %mul3A_943 = arith.mulf %get3A_942, %gather3A_916 : vector<16xf32>
        %swap3A_944 = arith.index_cast %add3A_918 : i32 to index
        %swap3A_945 = arith.constant 32 : index
        %swap3A_946 = tpu.vector_load %arg10[%swap3A_944, %swap3A_945] {strides = array<i32>} : memref<80x128xf32, #tpu.memory_space<vmem>>, vector<1x16xf32>,
        %swap3A_947 = vector.shape_cast %swap3A_946 : vector<1x16xf32> to vector<16xf32>
        %swap3A_948 = vector.shape_cast %mul3A_943 : vector<16xf32> to vector<1x16xf32>
        tpu.vector_store %arg10[%swap3A_944, %swap3A_945], %swap3A_948 {strides = array<i32>} : memref<80x128xf32, #tpu.memory_space<vmem>>, vector<1x16xf32>,
        %get3A_949 = arith.index_cast %add3A_918 : i32 to index
        %get3A_950 = arith.constant 48 : index
        %get3A_951 = tpu.vector_load %arg10[%get3A_949, %get3A_950] {strides = array<i32>} : memref<80x128xf32, #tpu.memory_space<vmem>>, vector<1x16xf32>,
        %get3A_952 = vector.shape_cast %get3A_951 : vector<1x16xf32> to vector<16xf32>
        %mul3A_953 = arith.mulf %get3A_952, %gather3A_916 : vector<16xf32>
        %swap3A_954 = arith.index_cast %add3A_918 : i32 to index
        %swap3A_955 = arith.constant 48 : index
        %swap3A_956 = tpu.vector_load %arg10[%swap3A_954, %swap3A_955] {strides = array<i32>} : memref<80x128xf32, #tpu.memory_space<vmem>>, vector<1x16xf32>,
        %swap3A_957 = vector.shape_cast %swap3A_956 : vector<1x16xf32> to vector<16xf32>
        %swap3A_958 = vector.shape_cast %mul3A_953 : vector<16xf32> to vector<1x16xf32>
        tpu.vector_store %arg10[%swap3A_954, %swap3A_955], %swap3A_958 {strides = array<i32>} : memref<80x128xf32, #tpu.memory_space<vmem>>, vector<1x16xf32>,
        %get3A_959 = arith.index_cast %add3A_918 : i32 to index
        %get3A_960 = arith.constant 64 : index
        %get3A_961 = tpu.vector_load %arg10[%get3A_959, %get3A_960] {strides = array<i32>} : memref<80x128xf32, #tpu.memory_space<vmem>>, vector<1x16xf32>,
        %get3A_962 = vector.shape_cast %get3A_961 : vector<1x16xf32> to vector<16xf32>
        %mul3A_963 = arith.mulf %get3A_962, %gather3A_916 : vector<16xf32>
        %swap3A_964 = arith.index_cast %add3A_918 : i32 to index
        %swap3A_965 = arith.constant 64 : index
        %swap3A_966 = tpu.vector_load %arg10[%swap3A_964, %swap3A_965] {strides = array<i32>} : memref<80x128xf32, #tpu.memory_space<vmem>>, vector<1x16xf32>,
        %swap3A_967 = vector.shape_cast %swap3A_966 : vector<1x16xf32> to vector<16xf32>
        %swap3A_968 = vector.shape_cast %mul3A_963 : vector<16xf32> to vector<1x16xf32>
        tpu.vector_store %arg10[%swap3A_964, %swap3A_965], %swap3A_968 {strides = array<i32>} : memref<80x128xf32, #tpu.memory_space<vmem>>, vector<1x16xf32>,
        %get3A_969 = arith.index_cast %add3A_918 : i32 to index
        %get3A_970 = arith.constant 80 : index
        %get3A_971 = tpu.vector_load %arg10[%get3A_969, %get3A_970] {strides = array<i32>} : memref<80x128xf32, #tpu.memory_space<vmem>>, vector<1x16xf32>,
        %get3A_972 = vector.shape_cast %get3A_971 : vector<1x16xf32> to vector<16xf32>
        %mul3A_973 = arith.mulf %get3A_972, %gather3A_916 : vector<16xf32>
        %swap3A_974 = arith.index_cast %add3A_918 : i32 to index
        %swap3A_975 = arith.constant 80 : index
        %swap3A_976 = tpu.vector_load %arg10[%swap3A_974, %swap3A_975] {strides = array<i32>} : memref<80x128xf32, #tpu.memory_space<vmem>>, vector<1x16xf32>,
        %swap3A_977 = vector.shape_cast %swap3A_976 : vector<1x16xf32> to vector<16xf32>
        %swap3A_978 = vector.shape_cast %mul3A_973 : vector<16xf32> to vector<1x16xf32>
        tpu.vector_store %arg10[%swap3A_974, %swap3A_975], %swap3A_978 {strides = array<i32>} : memref<80x128xf32, #tpu.memory_space<vmem>>, vector<1x16xf32>,
        %get3A_979 = arith.index_cast %add3A_918 : i32 to index
        %get3A_980 = arith.constant 96 : index
        %get3A_981 = tpu.vector_load %arg10[%get3A_979, %get3A_980] {strides = array<i32>} : memref<80x128xf32, #tpu.memory_space<vmem>>, vector<1x16xf32>,
        %get3A_982 = vector.shape_cast %get3A_981 : vector<1x16xf32> to vector<16xf32>
        %mul3A_983 = arith.mulf %get3A_982, %gather3A_916 : vector<16xf32>
        %swap3A_984 = arith.index_cast %add3A_918 : i32 to index
        %swap3A_985 = arith.constant 96 : index
        %swap3A_986 = tpu.vector_load %arg10[%swap3A_984, %swap3A_985] {strides = array<i32>} : memref<80x128xf32, #tpu.memory_space<vmem>>, vector<1x16xf32>,
        %swap3A_987 = vector.shape_cast %swap3A_986 : vector<1x16xf32> to vector<16xf32>
        %swap3A_988 = vector.shape_cast %mul3A_983 : vector<16xf32> to vector<1x16xf32>
        tpu.vector_store %arg10[%swap3A_984, %swap3A_985], %swap3A_988 {strides = array<i32>} : memref<80x128xf32, #tpu.memory_space<vmem>>, vector<1x16xf32>,
        %get3A_989 = arith.index_cast %add3A_918 : i32 to index
        %get3A_990 = arith.constant 112 : index
        %get3A_991 = tpu.vector_load %arg10[%get3A_989, %get3A_990] {strides = array<i32>} : memref<80x128xf32, #tpu.memory_space<vmem>>, vector<1x16xf32>,
        %get3A_992 = vector.shape_cast %get3A_991 : vector<1x16xf32> to vector<16xf32>
        %mul3A_993 = arith.mulf %get3A_992, %gather3A_916 : vector<16xf32>
        %swap3A_994 = arith.index_cast %add3A_918 : i32 to index
        %swap3A_995 = arith.constant 112 : index
        %swap3A_996 = tpu.vector_load %arg10[%swap3A_994, %swap3A_995] {strides = array<i32>} : memref<80x128xf32, #tpu.memory_space<vmem>>, vector<1x16xf32>,
        %swap3A_997 = vector.shape_cast %swap3A_996 : vector<1x16xf32> to vector<16xf32>
        %swap3A_998 = vector.shape_cast %mul3A_993 : vector<16xf32> to vector<1x16xf32>
        tpu.vector_store %arg10[%swap3A_994, %swap3A_995], %swap3A_998 {strides = array<i32>} : memref<80x128xf32, #tpu.memory_space<vmem>>, vector<1x16xf32>,
        %broadcast_in_dim3A_999 = arith.constant 11 : i32
        %broadcast_in_dim3A_1000 = vector.broadcast %broadcast_in_dim3A_999 : i32 to vector<16x1xi32>
        %gather3A_1001 = vector.shape_cast %broadcast_in_dim3A_1000 : vector<16x1xi32> to vector<16xi32>
        %gather3A_1002 = tpu.dynamic_gather %get3A_55[%gather3A_1001] in [0] : vector<16xf32>, vector<16xi32> -> vector<16xf32>
        %add3A_1003 = arith.constant 11 : i32
        %add3A_1004 = arith.addi %mul3A_53, %add3A_1003 : i32
        %get3A_1005 = arith.index_cast %add3A_1004 : i32 to index
        %get3A_1006 = arith.constant 0 : index
        %get3A_1007 = tpu.vector_load %arg10[%get3A_1005, %get3A_1006] {strides = array<i32>} : memref<80x128xf32, #tpu.memory_space<vmem>>, vector<1x16xf32>,
        %get3A_1008 = vector.shape_cast %get3A_1007 : vector<1x16xf32> to vector<16xf32>
        %mul3A_1009 = arith.mulf %get3A_1008, %gather3A_1002 : vector<16xf32>
        %swap3A_1010 = arith.index_cast %add3A_1004 : i32 to index
        %swap3A_1011 = arith.constant 0 : index
        %swap3A_1012 = tpu.vector_load %arg10[%swap3A_1010, %swap3A_1011] {strides = array<i32>} : memref<80x128xf32, #tpu.memory_space<vmem>>, vector<1x16xf32>,
        %swap3A_1013 = vector.shape_cast %swap3A_1012 : vector<1x16xf32> to vector<16xf32>
        %swap3A_1014 = vector.shape_cast %mul3A_1009 : vector<16xf32> to vector<1x16xf32>
        tpu.vector_store %arg10[%swap3A_1010, %swap3A_1011], %swap3A_1014 {strides = array<i32>} : memref<80x128xf32, #tpu.memory_space<vmem>>, vector<1x16xf32>,
        %get3A_1015 = arith.index_cast %add3A_1004 : i32 to index
        %get3A_1016 = arith.constant 16 : index
        %get3A_1017 = tpu.vector_load %arg10[%get3A_1015, %get3A_1016] {strides = array<i32>} : memref<80x128xf32, #tpu.memory_space<vmem>>, vector<1x16xf32>,
        %get3A_1018 = vector.shape_cast %get3A_1017 : vector<1x16xf32> to vector<16xf32>
        %mul3A_1019 = arith.mulf %get3A_1018, %gather3A_1002 : vector<16xf32>
        %swap3A_1020 = arith.index_cast %add3A_1004 : i32 to index
        %swap3A_1021 = arith.constant 16 : index
        %swap3A_1022 = tpu.vector_load %arg10[%swap3A_1020, %swap3A_1021] {strides = array<i32>} : memref<80x128xf32, #tpu.memory_space<vmem>>, vector<1x16xf32>,
        %swap3A_1023 = vector.shape_cast %swap3A_1022 : vector<1x16xf32> to vector<16xf32>
        %swap3A_1024 = vector.shape_cast %mul3A_1019 : vector<16xf32> to vector<1x16xf32>
        tpu.vector_store %arg10[%swap3A_1020, %swap3A_1021], %swap3A_1024 {strides = array<i32>} : memref<80x128xf32, #tpu.memory_space<vmem>>, vector<1x16xf32>,
        %get3A_1025 = arith.index_cast %add3A_1004 : i32 to index
        %get3A_1026 = arith.constant 32 : index
        %get3A_1027 = tpu.vector_load %arg10[%get3A_1025, %get3A_1026] {strides = array<i32>} : memref<80x128xf32, #tpu.memory_space<vmem>>, vector<1x16xf32>,
        %get3A_1028 = vector.shape_cast %get3A_1027 : vector<1x16xf32> to vector<16xf32>
        %mul3A_1029 = arith.mulf %get3A_1028, %gather3A_1002 : vector<16xf32>
        %swap3A_1030 = arith.index_cast %add3A_1004 : i32 to index
        %swap3A_1031 = arith.constant 32 : index
        %swap3A_1032 = tpu.vector_load %arg10[%swap3A_1030, %swap3A_1031] {strides = array<i32>} : memref<80x128xf32, #tpu.memory_space<vmem>>, vector<1x16xf32>,
        %swap3A_1033 = vector.shape_cast %swap3A_1032 : vector<1x16xf32> to vector<16xf32>
        %swap3A_1034 = vector.shape_cast %mul3A_1029 : vector<16xf32> to vector<1x16xf32>
        tpu.vector_store %arg10[%swap3A_1030, %swap3A_1031], %swap3A_1034 {strides = array<i32>} : memref<80x128xf32, #tpu.memory_space<vmem>>, vector<1x16xf32>,
        %get3A_1035 = arith.index_cast %add3A_1004 : i32 to index
        %get3A_1036 = arith.constant 48 : index
        %get3A_1037 = tpu.vector_load %arg10[%get3A_1035, %get3A_1036] {strides = array<i32>} : memref<80x128xf32, #tpu.memory_space<vmem>>, vector<1x16xf32>,
        %get3A_1038 = vector.shape_cast %get3A_1037 : vector<1x16xf32> to vector<16xf32>
        %mul3A_1039 = arith.mulf %get3A_1038, %gather3A_1002 : vector<16xf32>
        %swap3A_1040 = arith.index_cast %add3A_1004 : i32 to index
        %swap3A_1041 = arith.constant 48 : index
        %swap3A_1042 = tpu.vector_load %arg10[%swap3A_1040, %swap3A_1041] {strides = array<i32>} : memref<80x128xf32, #tpu.memory_space<vmem>>, vector<1x16xf32>,
        %swap3A_1043 = vector.shape_cast %swap3A_1042 : vector<1x16xf32> to vector<16xf32>
        %swap3A_1044 = vector.shape_cast %mul3A_1039 : vector<16xf32> to vector<1x16xf32>
        tpu.vector_store %arg10[%swap3A_1040, %swap3A_1041], %swap3A_1044 {strides = array<i32>} : memref<80x128xf32, #tpu.memory_space<vmem>>, vector<1x16xf32>,
        %get3A_1045 = arith.index_cast %add3A_1004 : i32 to index
        %get3A_1046 = arith.constant 64 : index
        %get3A_1047 = tpu.vector_load %arg10[%get3A_1045, %get3A_1046] {strides = array<i32>} : memref<80x128xf32, #tpu.memory_space<vmem>>, vector<1x16xf32>,
        %get3A_1048 = vector.shape_cast %get3A_1047 : vector<1x16xf32> to vector<16xf32>
        %mul3A_1049 = arith.mulf %get3A_1048, %gather3A_1002 : vector<16xf32>
        %swap3A_1050 = arith.index_cast %add3A_1004 : i32 to index
        %swap3A_1051 = arith.constant 64 : index
        %swap3A_1052 = tpu.vector_load %arg10[%swap3A_1050, %swap3A_1051] {strides = array<i32>} : memref<80x128xf32, #tpu.memory_space<vmem>>, vector<1x16xf32>,
        %swap3A_1053 = vector.shape_cast %swap3A_1052 : vector<1x16xf32> to vector<16xf32>
        %swap3A_1054 = vector.shape_cast %mul3A_1049 : vector<16xf32> to vector<1x16xf32>
        tpu.vector_store %arg10[%swap3A_1050, %swap3A_1051], %swap3A_1054 {strides = array<i32>} : memref<80x128xf32, #tpu.memory_space<vmem>>, vector<1x16xf32>,
        %get3A_1055 = arith.index_cast %add3A_1004 : i32 to index
        %get3A_1056 = arith.constant 80 : index
        %get3A_1057 = tpu.vector_load %arg10[%get3A_1055, %get3A_1056] {strides = array<i32>} : memref<80x128xf32, #tpu.memory_space<vmem>>, vector<1x16xf32>,
        %get3A_1058 = vector.shape_cast %get3A_1057 : vector<1x16xf32> to vector<16xf32>
        %mul3A_1059 = arith.mulf %get3A_1058, %gather3A_1002 : vector<16xf32>
        %swap3A_1060 = arith.index_cast %add3A_1004 : i32 to index
        %swap3A_1061 = arith.constant 80 : index
        %swap3A_1062 = tpu.vector_load %arg10[%swap3A_1060, %swap3A_1061] {strides = array<i32>} : memref<80x128xf32, #tpu.memory_space<vmem>>, vector<1x16xf32>,
        %swap3A_1063 = vector.shape_cast %swap3A_1062 : vector<1x16xf32> to vector<16xf32>
        %swap3A_1064 = vector.shape_cast %mul3A_1059 : vector<16xf32> to vector<1x16xf32>
        tpu.vector_store %arg10[%swap3A_1060, %swap3A_1061], %swap3A_1064 {strides = array<i32>} : memref<80x128xf32, #tpu.memory_space<vmem>>, vector<1x16xf32>,
        %get3A_1065 = arith.index_cast %add3A_1004 : i32 to index
        %get3A_1066 = arith.constant 96 : index
        %get3A_1067 = tpu.vector_load %arg10[%get3A_1065, %get3A_1066] {strides = array<i32>} : memref<80x128xf32, #tpu.memory_space<vmem>>, vector<1x16xf32>,
        %get3A_1068 = vector.shape_cast %get3A_1067 : vector<1x16xf32> to vector<16xf32>
        %mul3A_1069 = arith.mulf %get3A_1068, %gather3A_1002 : vector<16xf32>
        %swap3A_1070 = arith.index_cast %add3A_1004 : i32 to index
        %swap3A_1071 = arith.constant 96 : index
        %swap3A_1072 = tpu.vector_load %arg10[%swap3A_1070, %swap3A_1071] {strides = array<i32>} : memref<80x128xf32, #tpu.memory_space<vmem>>, vector<1x16xf32>,
        %swap3A_1073 = vector.shape_cast %swap3A_1072 : vector<1x16xf32> to vector<16xf32>
        %swap3A_1074 = vector.shape_cast %mul3A_1069 : vector<16xf32> to vector<1x16xf32>
        tpu.vector_store %arg10[%swap3A_1070, %swap3A_1071], %swap3A_1074 {strides = array<i32>} : memref<80x128xf32, #tpu.memory_space<vmem>>, vector<1x16xf32>,
        %get3A_1075 = arith.index_cast %add3A_1004 : i32 to index
        %get3A_1076 = arith.constant 112 : index
        %get3A_1077 = tpu.vector_load %arg10[%get3A_1075, %get3A_1076] {strides = array<i32>} : memref<80x128xf32, #tpu.memory_space<vmem>>, vector<1x16xf32>,
        %get3A_1078 = vector.shape_cast %get3A_1077 : vector<1x16xf32> to vector<16xf32>
        %mul3A_1079 = arith.mulf %get3A_1078, %gather3A_1002 : vector<16xf32>
        %swap3A_1080 = arith.index_cast %add3A_1004 : i32 to index
        %swap3A_1081 = arith.constant 112 : index
        %swap3A_1082 = tpu.vector_load %arg10[%swap3A_1080, %swap3A_1081] {strides = array<i32>} : memref<80x128xf32, #tpu.memory_space<vmem>>, vector<1x16xf32>,
        %swap3A_1083 = vector.shape_cast %swap3A_1082 : vector<1x16xf32> to vector<16xf32>
        %swap3A_1084 = vector.shape_cast %mul3A_1079 : vector<16xf32> to vector<1x16xf32>
        tpu.vector_store %arg10[%swap3A_1080, %swap3A_1081], %swap3A_1084 {strides = array<i32>} : memref<80x128xf32, #tpu.memory_space<vmem>>, vector<1x16xf32>,
        %broadcast_in_dim3A_1085 = arith.constant 12 : i32
        %broadcast_in_dim3A_1086 = vector.broadcast %broadcast_in_dim3A_1085 : i32 to vector<16x1xi32>
        %gather3A_1087 = vector.shape_cast %broadcast_in_dim3A_1086 : vector<16x1xi32> to vector<16xi32>
        %gather3A_1088 = tpu.dynamic_gather %get3A_55[%gather3A_1087] in [0] : vector<16xf32>, vector<16xi32> -> vector<16xf32>
        %add3A_1089 = arith.constant 12 : i32
        %add3A_1090 = arith.addi %mul3A_53, %add3A_1089 : i32
        %get3A_1091 = arith.index_cast %add3A_1090 : i32 to index
        %get3A_1092 = arith.constant 0 : index
        %get3A_1093 = tpu.vector_load %arg10[%get3A_1091, %get3A_1092] {strides = array<i32>} : memref<80x128xf32, #tpu.memory_space<vmem>>, vector<1x16xf32>,
        %get3A_1094 = vector.shape_cast %get3A_1093 : vector<1x16xf32> to vector<16xf32>
        %mul3A_1095 = arith.mulf %get3A_1094, %gather3A_1088 : vector<16xf32>
        %swap3A_1096 = arith.index_cast %add3A_1090 : i32 to index
        %swap3A_1097 = arith.constant 0 : index
        %swap3A_1098 = tpu.vector_load %arg10[%swap3A_1096, %swap3A_1097] {strides = array<i32>} : memref<80x128xf32, #tpu.memory_space<vmem>>, vector<1x16xf32>,
        %swap3A_1099 = vector.shape_cast %swap3A_1098 : vector<1x16xf32> to vector<16xf32>
        %swap3A_1100 = vector.shape_cast %mul3A_1095 : vector<16xf32> to vector<1x16xf32>
        tpu.vector_store %arg10[%swap3A_1096, %swap3A_1097], %swap3A_1100 {strides = array<i32>} : memref<80x128xf32, #tpu.memory_space<vmem>>, vector<1x16xf32>,
        %get3A_1101 = arith.index_cast %add3A_1090 : i32 to index
        %get3A_1102 = arith.constant 16 : index
        %get3A_1103 = tpu.vector_load %arg10[%get3A_1101, %get3A_1102] {strides = array<i32>} : memref<80x128xf32, #tpu.memory_space<vmem>>, vector<1x16xf32>,
        %get3A_1104 = vector.shape_cast %get3A_1103 : vector<1x16xf32> to vector<16xf32>
        %mul3A_1105 = arith.mulf %get3A_1104, %gather3A_1088 : vector<16xf32>
        %swap3A_1106 = arith.index_cast %add3A_1090 : i32 to index
        %swap3A_1107 = arith.constant 16 : index
        %swap3A_1108 = tpu.vector_load %arg10[%swap3A_1106, %swap3A_1107] {strides = array<i32>} : memref<80x128xf32, #tpu.memory_space<vmem>>, vector<1x16xf32>,
        %swap3A_1109 = vector.shape_cast %swap3A_1108 : vector<1x16xf32> to vector<16xf32>
        %swap3A_1110 = vector.shape_cast %mul3A_1105 : vector<16xf32> to vector<1x16xf32>
        tpu.vector_store %arg10[%swap3A_1106, %swap3A_1107], %swap3A_1110 {strides = array<i32>} : memref<80x128xf32, #tpu.memory_space<vmem>>, vector<1x16xf32>,
        %get3A_1111 = arith.index_cast %add3A_1090 : i32 to index
        %get3A_1112 = arith.constant 32 : index
        %get3A_1113 = tpu.vector_load %arg10[%get3A_1111, %get3A_1112] {strides = array<i32>} : memref<80x128xf32, #tpu.memory_space<vmem>>, vector<1x16xf32>,
        %get3A_1114 = vector.shape_cast %get3A_1113 : vector<1x16xf32> to vector<16xf32>
        %mul3A_1115 = arith.mulf %get3A_1114, %gather3A_1088 : vector<16xf32>
        %swap3A_1116 = arith.index_cast %add3A_1090 : i32 to index
        %swap3A_1117 = arith.constant 32 : index
        %swap3A_1118 = tpu.vector_load %arg10[%swap3A_1116, %swap3A_1117] {strides = array<i32>} : memref<80x128xf32, #tpu.memory_space<vmem>>, vector<1x16xf32>,
        %swap3A_1119 = vector.shape_cast %swap3A_1118 : vector<1x16xf32> to vector<16xf32>
        %swap3A_1120 = vector.shape_cast %mul3A_1115 : vector<16xf32> to vector<1x16xf32>
        tpu.vector_store %arg10[%swap3A_1116, %swap3A_1117], %swap3A_1120 {strides = array<i32>} : memref<80x128xf32, #tpu.memory_space<vmem>>, vector<1x16xf32>,
        %get3A_1121 = arith.index_cast %add3A_1090 : i32 to index
        %get3A_1122 = arith.constant 48 : index
        %get3A_1123 = tpu.vector_load %arg10[%get3A_1121, %get3A_1122] {strides = array<i32>} : memref<80x128xf32, #tpu.memory_space<vmem>>, vector<1x16xf32>,
        %get3A_1124 = vector.shape_cast %get3A_1123 : vector<1x16xf32> to vector<16xf32>
        %mul3A_1125 = arith.mulf %get3A_1124, %gather3A_1088 : vector<16xf32>
        %swap3A_1126 = arith.index_cast %add3A_1090 : i32 to index
        %swap3A_1127 = arith.constant 48 : index
        %swap3A_1128 = tpu.vector_load %arg10[%swap3A_1126, %swap3A_1127] {strides = array<i32>} : memref<80x128xf32, #tpu.memory_space<vmem>>, vector<1x16xf32>,
        %swap3A_1129 = vector.shape_cast %swap3A_1128 : vector<1x16xf32> to vector<16xf32>
        %swap3A_1130 = vector.shape_cast %mul3A_1125 : vector<16xf32> to vector<1x16xf32>
        tpu.vector_store %arg10[%swap3A_1126, %swap3A_1127], %swap3A_1130 {strides = array<i32>} : memref<80x128xf32, #tpu.memory_space<vmem>>, vector<1x16xf32>,
        %get3A_1131 = arith.index_cast %add3A_1090 : i32 to index
        %get3A_1132 = arith.constant 64 : index
        %get3A_1133 = tpu.vector_load %arg10[%get3A_1131, %get3A_1132] {strides = array<i32>} : memref<80x128xf32, #tpu.memory_space<vmem>>, vector<1x16xf32>,
        %get3A_1134 = vector.shape_cast %get3A_1133 : vector<1x16xf32> to vector<16xf32>
        %mul3A_1135 = arith.mulf %get3A_1134, %gather3A_1088 : vector<16xf32>
        %swap3A_1136 = arith.index_cast %add3A_1090 : i32 to index
        %swap3A_1137 = arith.constant 64 : index
        %swap3A_1138 = tpu.vector_load %arg10[%swap3A_1136, %swap3A_1137] {strides = array<i32>} : memref<80x128xf32, #tpu.memory_space<vmem>>, vector<1x16xf32>,
        %swap3A_1139 = vector.shape_cast %swap3A_1138 : vector<1x16xf32> to vector<16xf32>
        %swap3A_1140 = vector.shape_cast %mul3A_1135 : vector<16xf32> to vector<1x16xf32>
        tpu.vector_store %arg10[%swap3A_1136, %swap3A_1137], %swap3A_1140 {strides = array<i32>} : memref<80x128xf32, #tpu.memory_space<vmem>>, vector<1x16xf32>,
        %get3A_1141 = arith.index_cast %add3A_1090 : i32 to index
        %get3A_1142 = arith.constant 80 : index
        %get3A_1143 = tpu.vector_load %arg10[%get3A_1141, %get3A_1142] {strides = array<i32>} : memref<80x128xf32, #tpu.memory_space<vmem>>, vector<1x16xf32>,
        %get3A_1144 = vector.shape_cast %get3A_1143 : vector<1x16xf32> to vector<16xf32>
        %mul3A_1145 = arith.mulf %get3A_1144, %gather3A_1088 : vector<16xf32>
        %swap3A_1146 = arith.index_cast %add3A_1090 : i32 to index
        %swap3A_1147 = arith.constant 80 : index
        %swap3A_1148 = tpu.vector_load %arg10[%swap3A_1146, %swap3A_1147] {strides = array<i32>} : memref<80x128xf32, #tpu.memory_space<vmem>>, vector<1x16xf32>,
        %swap3A_1149 = vector.shape_cast %swap3A_1148 : vector<1x16xf32> to vector<16xf32>
        %swap3A_1150 = vector.shape_cast %mul3A_1145 : vector<16xf32> to vector<1x16xf32>
        tpu.vector_store %arg10[%swap3A_1146, %swap3A_1147], %swap3A_1150 {strides = array<i32>} : memref<80x128xf32, #tpu.memory_space<vmem>>, vector<1x16xf32>,
        %get3A_1151 = arith.index_cast %add3A_1090 : i32 to index
        %get3A_1152 = arith.constant 96 : index
        %get3A_1153 = tpu.vector_load %arg10[%get3A_1151, %get3A_1152] {strides = array<i32>} : memref<80x128xf32, #tpu.memory_space<vmem>>, vector<1x16xf32>,
        %get3A_1154 = vector.shape_cast %get3A_1153 : vector<1x16xf32> to vector<16xf32>
        %mul3A_1155 = arith.mulf %get3A_1154, %gather3A_1088 : vector<16xf32>
        %swap3A_1156 = arith.index_cast %add3A_1090 : i32 to index
        %swap3A_1157 = arith.constant 96 : index
        %swap3A_1158 = tpu.vector_load %arg10[%swap3A_1156, %swap3A_1157] {strides = array<i32>} : memref<80x128xf32, #tpu.memory_space<vmem>>, vector<1x16xf32>,
        %swap3A_1159 = vector.shape_cast %swap3A_1158 : vector<1x16xf32> to vector<16xf32>
        %swap3A_1160 = vector.shape_cast %mul3A_1155 : vector<16xf32> to vector<1x16xf32>
        tpu.vector_store %arg10[%swap3A_1156, %swap3A_1157], %swap3A_1160 {strides = array<i32>} : memref<80x128xf32, #tpu.memory_space<vmem>>, vector<1x16xf32>,
        %get3A_1161 = arith.index_cast %add3A_1090 : i32 to index
        %get3A_1162 = arith.constant 112 : index
        %get3A_1163 = tpu.vector_load %arg10[%get3A_1161, %get3A_1162] {strides = array<i32>} : memref<80x128xf32, #tpu.memory_space<vmem>>, vector<1x16xf32>,
        %get3A_1164 = vector.shape_cast %get3A_1163 : vector<1x16xf32> to vector<16xf32>
        %mul3A_1165 = arith.mulf %get3A_1164, %gather3A_1088 : vector<16xf32>
        %swap3A_1166 = arith.index_cast %add3A_1090 : i32 to index
        %swap3A_1167 = arith.constant 112 : index
        %swap3A_1168 = tpu.vector_load %arg10[%swap3A_1166, %swap3A_1167] {strides = array<i32>} : memref<80x128xf32, #tpu.memory_space<vmem>>, vector<1x16xf32>,
        %swap3A_1169 = vector.shape_cast %swap3A_1168 : vector<1x16xf32> to vector<16xf32>
        %swap3A_1170 = vector.shape_cast %mul3A_1165 : vector<16xf32> to vector<1x16xf32>
        tpu.vector_store %arg10[%swap3A_1166, %swap3A_1167], %swap3A_1170 {strides = array<i32>} : memref<80x128xf32, #tpu.memory_space<vmem>>, vector<1x16xf32>,
        %broadcast_in_dim3A_1171 = arith.constant 13 : i32
        %broadcast_in_dim3A_1172 = vector.broadcast %broadcast_in_dim3A_1171 : i32 to vector<16x1xi32>
        %gather3A_1173 = vector.shape_cast %broadcast_in_dim3A_1172 : vector<16x1xi32> to vector<16xi32>
        %gather3A_1174 = tpu.dynamic_gather %get3A_55[%gather3A_1173] in [0] : vector<16xf32>, vector<16xi32> -> vector<16xf32>
        %add3A_1175 = arith.constant 13 : i32
        %add3A_1176 = arith.addi %mul3A_53, %add3A_1175 : i32
        %get3A_1177 = arith.index_cast %add3A_1176 : i32 to index
        %get3A_1178 = arith.constant 0 : index
        %get3A_1179 = tpu.vector_load %arg10[%get3A_1177, %get3A_1178] {strides = array<i32>} : memref<80x128xf32, #tpu.memory_space<vmem>>, vector<1x16xf32>,
        %get3A_1180 = vector.shape_cast %get3A_1179 : vector<1x16xf32> to vector<16xf32>
        %mul3A_1181 = arith.mulf %get3A_1180, %gather3A_1174 : vector<16xf32>
        %swap3A_1182 = arith.index_cast %add3A_1176 : i32 to index
        %swap3A_1183 = arith.constant 0 : index
        %swap3A_1184 = tpu.vector_load %arg10[%swap3A_1182, %swap3A_1183] {strides = array<i32>} : memref<80x128xf32, #tpu.memory_space<vmem>>, vector<1x16xf32>,
        %swap3A_1185 = vector.shape_cast %swap3A_1184 : vector<1x16xf32> to vector<16xf32>
        %swap3A_1186 = vector.shape_cast %mul3A_1181 : vector<16xf32> to vector<1x16xf32>
        tpu.vector_store %arg10[%swap3A_1182, %swap3A_1183], %swap3A_1186 {strides = array<i32>} : memref<80x128xf32, #tpu.memory_space<vmem>>, vector<1x16xf32>,
        %get3A_1187 = arith.index_cast %add3A_1176 : i32 to index
        %get3A_1188 = arith.constant 16 : index
        %get3A_1189 = tpu.vector_load %arg10[%get3A_1187, %get3A_1188] {strides = array<i32>} : memref<80x128xf32, #tpu.memory_space<vmem>>, vector<1x16xf32>,
        %get3A_1190 = vector.shape_cast %get3A_1189 : vector<1x16xf32> to vector<16xf32>
        %mul3A_1191 = arith.mulf %get3A_1190, %gather3A_1174 : vector<16xf32>
        %swap3A_1192 = arith.index_cast %add3A_1176 : i32 to index
        %swap3A_1193 = arith.constant 16 : index
        %swap3A_1194 = tpu.vector_load %arg10[%swap3A_1192, %swap3A_1193] {strides = array<i32>} : memref<80x128xf32, #tpu.memory_space<vmem>>, vector<1x16xf32>,
        %swap3A_1195 = vector.shape_cast %swap3A_1194 : vector<1x16xf32> to vector<16xf32>
        %swap3A_1196 = vector.shape_cast %mul3A_1191 : vector<16xf32> to vector<1x16xf32>
        tpu.vector_store %arg10[%swap3A_1192, %swap3A_1193], %swap3A_1196 {strides = array<i32>} : memref<80x128xf32, #tpu.memory_space<vmem>>, vector<1x16xf32>,
        %get3A_1197 = arith.index_cast %add3A_1176 : i32 to index
        %get3A_1198 = arith.constant 32 : index
        %get3A_1199 = tpu.vector_load %arg10[%get3A_1197, %get3A_1198] {strides = array<i32>} : memref<80x128xf32, #tpu.memory_space<vmem>>, vector<1x16xf32>,
        %get3A_1200 = vector.shape_cast %get3A_1199 : vector<1x16xf32> to vector<16xf32>
        %mul3A_1201 = arith.mulf %get3A_1200, %gather3A_1174 : vector<16xf32>
        %swap3A_1202 = arith.index_cast %add3A_1176 : i32 to index
        %swap3A_1203 = arith.constant 32 : index
        %swap3A_1204 = tpu.vector_load %arg10[%swap3A_1202, %swap3A_1203] {strides = array<i32>} : memref<80x128xf32, #tpu.memory_space<vmem>>, vector<1x16xf32>,
        %swap3A_1205 = vector.shape_cast %swap3A_1204 : vector<1x16xf32> to vector<16xf32>
        %swap3A_1206 = vector.shape_cast %mul3A_1201 : vector<16xf32> to vector<1x16xf32>
        tpu.vector_store %arg10[%swap3A_1202, %swap3A_1203], %swap3A_1206 {strides = array<i32>} : memref<80x128xf32, #tpu.memory_space<vmem>>, vector<1x16xf32>,
        %get3A_1207 = arith.index_cast %add3A_1176 : i32 to index
        %get3A_1208 = arith.constant 48 : index
        %get3A_1209 = tpu.vector_load %arg10[%get3A_1207, %get3A_1208] {strides = array<i32>} : memref<80x128xf32, #tpu.memory_space<vmem>>, vector<1x16xf32>,
        %get3A_1210 = vector.shape_cast %get3A_1209 : vector<1x16xf32> to vector<16xf32>
        %mul3A_1211 = arith.mulf %get3A_1210, %gather3A_1174 : vector<16xf32>
        %swap3A_1212 = arith.index_cast %add3A_1176 : i32 to index
        %swap3A_1213 = arith.constant 48 : index
        %swap3A_1214 = tpu.vector_load %arg10[%swap3A_1212, %swap3A_1213] {strides = array<i32>} : memref<80x128xf32, #tpu.memory_space<vmem>>, vector<1x16xf32>,
        %swap3A_1215 = vector.shape_cast %swap3A_1214 : vector<1x16xf32> to vector<16xf32>
        %swap3A_1216 = vector.shape_cast %mul3A_1211 : vector<16xf32> to vector<1x16xf32>
        tpu.vector_store %arg10[%swap3A_1212, %swap3A_1213], %swap3A_1216 {strides = array<i32>} : memref<80x128xf32, #tpu.memory_space<vmem>>, vector<1x16xf32>,
        %get3A_1217 = arith.index_cast %add3A_1176 : i32 to index
        %get3A_1218 = arith.constant 64 : index
        %get3A_1219 = tpu.vector_load %arg10[%get3A_1217, %get3A_1218] {strides = array<i32>} : memref<80x128xf32, #tpu.memory_space<vmem>>, vector<1x16xf32>,
        %get3A_1220 = vector.shape_cast %get3A_1219 : vector<1x16xf32> to vector<16xf32>
        %mul3A_1221 = arith.mulf %get3A_1220, %gather3A_1174 : vector<16xf32>
        %swap3A_1222 = arith.index_cast %add3A_1176 : i32 to index
        %swap3A_1223 = arith.constant 64 : index
        %swap3A_1224 = tpu.vector_load %arg10[%swap3A_1222, %swap3A_1223] {strides = array<i32>} : memref<80x128xf32, #tpu.memory_space<vmem>>, vector<1x16xf32>,
        %swap3A_1225 = vector.shape_cast %swap3A_1224 : vector<1x16xf32> to vector<16xf32>
        %swap3A_1226 = vector.shape_cast %mul3A_1221 : vector<16xf32> to vector<1x16xf32>
        tpu.vector_store %arg10[%swap3A_1222, %swap3A_1223], %swap3A_1226 {strides = array<i32>} : memref<80x128xf32, #tpu.memory_space<vmem>>, vector<1x16xf32>,
        %get3A_1227 = arith.index_cast %add3A_1176 : i32 to index
        %get3A_1228 = arith.constant 80 : index
        %get3A_1229 = tpu.vector_load %arg10[%get3A_1227, %get3A_1228] {strides = array<i32>} : memref<80x128xf32, #tpu.memory_space<vmem>>, vector<1x16xf32>,
        %get3A_1230 = vector.shape_cast %get3A_1229 : vector<1x16xf32> to vector<16xf32>
        %mul3A_1231 = arith.mulf %get3A_1230, %gather3A_1174 : vector<16xf32>
        %swap3A_1232 = arith.index_cast %add3A_1176 : i32 to index
        %swap3A_1233 = arith.constant 80 : index
        %swap3A_1234 = tpu.vector_load %arg10[%swap3A_1232, %swap3A_1233] {strides = array<i32>} : memref<80x128xf32, #tpu.memory_space<vmem>>, vector<1x16xf32>,
        %swap3A_1235 = vector.shape_cast %swap3A_1234 : vector<1x16xf32> to vector<16xf32>
        %swap3A_1236 = vector.shape_cast %mul3A_1231 : vector<16xf32> to vector<1x16xf32>
        tpu.vector_store %arg10[%swap3A_1232, %swap3A_1233], %swap3A_1236 {strides = array<i32>} : memref<80x128xf32, #tpu.memory_space<vmem>>, vector<1x16xf32>,
        %get3A_1237 = arith.index_cast %add3A_1176 : i32 to index
        %get3A_1238 = arith.constant 96 : index
        %get3A_1239 = tpu.vector_load %arg10[%get3A_1237, %get3A_1238] {strides = array<i32>} : memref<80x128xf32, #tpu.memory_space<vmem>>, vector<1x16xf32>,
        %get3A_1240 = vector.shape_cast %get3A_1239 : vector<1x16xf32> to vector<16xf32>
        %mul3A_1241 = arith.mulf %get3A_1240, %gather3A_1174 : vector<16xf32>
        %swap3A_1242 = arith.index_cast %add3A_1176 : i32 to index
        %swap3A_1243 = arith.constant 96 : index
        %swap3A_1244 = tpu.vector_load %arg10[%swap3A_1242, %swap3A_1243] {strides = array<i32>} : memref<80x128xf32, #tpu.memory_space<vmem>>, vector<1x16xf32>,
        %swap3A_1245 = vector.shape_cast %swap3A_1244 : vector<1x16xf32> to vector<16xf32>
        %swap3A_1246 = vector.shape_cast %mul3A_1241 : vector<16xf32> to vector<1x16xf32>
        tpu.vector_store %arg10[%swap3A_1242, %swap3A_1243], %swap3A_1246 {strides = array<i32>} : memref<80x128xf32, #tpu.memory_space<vmem>>, vector<1x16xf32>,
        %get3A_1247 = arith.index_cast %add3A_1176 : i32 to index
        %get3A_1248 = arith.constant 112 : index
        %get3A_1249 = tpu.vector_load %arg10[%get3A_1247, %get3A_1248] {strides = array<i32>} : memref<80x128xf32, #tpu.memory_space<vmem>>, vector<1x16xf32>,
        %get3A_1250 = vector.shape_cast %get3A_1249 : vector<1x16xf32> to vector<16xf32>
        %mul3A_1251 = arith.mulf %get3A_1250, %gather3A_1174 : vector<16xf32>
        %swap3A_1252 = arith.index_cast %add3A_1176 : i32 to index
        %swap3A_1253 = arith.constant 112 : index
        %swap3A_1254 = tpu.vector_load %arg10[%swap3A_1252, %swap3A_1253] {strides = array<i32>} : memref<80x128xf32, #tpu.memory_space<vmem>>, vector<1x16xf32>,
        %swap3A_1255 = vector.shape_cast %swap3A_1254 : vector<1x16xf32> to vector<16xf32>
        %swap3A_1256 = vector.shape_cast %mul3A_1251 : vector<16xf32> to vector<1x16xf32>
        tpu.vector_store %arg10[%swap3A_1252, %swap3A_1253], %swap3A_1256 {strides = array<i32>} : memref<80x128xf32, #tpu.memory_space<vmem>>, vector<1x16xf32>,
        %broadcast_in_dim3A_1257 = arith.constant 14 : i32
        %broadcast_in_dim3A_1258 = vector.broadcast %broadcast_in_dim3A_1257 : i32 to vector<16x1xi32>
        %gather3A_1259 = vector.shape_cast %broadcast_in_dim3A_1258 : vector<16x1xi32> to vector<16xi32>
        %gather3A_1260 = tpu.dynamic_gather %get3A_55[%gather3A_1259] in [0] : vector<16xf32>, vector<16xi32> -> vector<16xf32>
        %add3A_1261 = arith.constant 14 : i32
        %add3A_1262 = arith.addi %mul3A_53, %add3A_1261 : i32
        %get3A_1263 = arith.index_cast %add3A_1262 : i32 to index
        %get3A_1264 = arith.constant 0 : index
        %get3A_1265 = tpu.vector_load %arg10[%get3A_1263, %get3A_1264] {strides = array<i32>} : memref<80x128xf32, #tpu.memory_space<vmem>>, vector<1x16xf32>,
        %get3A_1266 = vector.shape_cast %get3A_1265 : vector<1x16xf32> to vector<16xf32>
        %mul3A_1267 = arith.mulf %get3A_1266, %gather3A_1260 : vector<16xf32>
        %swap3A_1268 = arith.index_cast %add3A_1262 : i32 to index
        %swap3A_1269 = arith.constant 0 : index
        %swap3A_1270 = tpu.vector_load %arg10[%swap3A_1268, %swap3A_1269] {strides = array<i32>} : memref<80x128xf32, #tpu.memory_space<vmem>>, vector<1x16xf32>,
        %swap3A_1271 = vector.shape_cast %swap3A_1270 : vector<1x16xf32> to vector<16xf32>
        %swap3A_1272 = vector.shape_cast %mul3A_1267 : vector<16xf32> to vector<1x16xf32>
        tpu.vector_store %arg10[%swap3A_1268, %swap3A_1269], %swap3A_1272 {strides = array<i32>} : memref<80x128xf32, #tpu.memory_space<vmem>>, vector<1x16xf32>,
        %get3A_1273 = arith.index_cast %add3A_1262 : i32 to index
        %get3A_1274 = arith.constant 16 : index
        %get3A_1275 = tpu.vector_load %arg10[%get3A_1273, %get3A_1274] {strides = array<i32>} : memref<80x128xf32, #tpu.memory_space<vmem>>, vector<1x16xf32>,
        %get3A_1276 = vector.shape_cast %get3A_1275 : vector<1x16xf32> to vector<16xf32>
        %mul3A_1277 = arith.mulf %get3A_1276, %gather3A_1260 : vector<16xf32>
        %swap3A_1278 = arith.index_cast %add3A_1262 : i32 to index
        %swap3A_1279 = arith.constant 16 : index
        %swap3A_1280 = tpu.vector_load %arg10[%swap3A_1278, %swap3A_1279] {strides = array<i32>} : memref<80x128xf32, #tpu.memory_space<vmem>>, vector<1x16xf32>,
        %swap3A_1281 = vector.shape_cast %swap3A_1280 : vector<1x16xf32> to vector<16xf32>
        %swap3A_1282 = vector.shape_cast %mul3A_1277 : vector<16xf32> to vector<1x16xf32>
        tpu.vector_store %arg10[%swap3A_1278, %swap3A_1279], %swap3A_1282 {strides = array<i32>} : memref<80x128xf32, #tpu.memory_space<vmem>>, vector<1x16xf32>,
        %get3A_1283 = arith.index_cast %add3A_1262 : i32 to index
        %get3A_1284 = arith.constant 32 : index
        %get3A_1285 = tpu.vector_load %arg10[%get3A_1283, %get3A_1284] {strides = array<i32>} : memref<80x128xf32, #tpu.memory_space<vmem>>, vector<1x16xf32>,
        %get3A_1286 = vector.shape_cast %get3A_1285 : vector<1x16xf32> to vector<16xf32>
        %mul3A_1287 = arith.mulf %get3A_1286, %gather3A_1260 : vector<16xf32>
        %swap3A_1288 = arith.index_cast %add3A_1262 : i32 to index
        %swap3A_1289 = arith.constant 32 : index
        %swap3A_1290 = tpu.vector_load %arg10[%swap3A_1288, %swap3A_1289] {strides = array<i32>} : memref<80x128xf32, #tpu.memory_space<vmem>>, vector<1x16xf32>,
        %swap3A_1291 = vector.shape_cast %swap3A_1290 : vector<1x16xf32> to vector<16xf32>
        %swap3A_1292 = vector.shape_cast %mul3A_1287 : vector<16xf32> to vector<1x16xf32>
        tpu.vector_store %arg10[%swap3A_1288, %swap3A_1289], %swap3A_1292 {strides = array<i32>} : memref<80x128xf32, #tpu.memory_space<vmem>>, vector<1x16xf32>,
        %get3A_1293 = arith.index_cast %add3A_1262 : i32 to index
        %get3A_1294 = arith.constant 48 : index
        %get3A_1295 = tpu.vector_load %arg10[%get3A_1293, %get3A_1294] {strides = array<i32>} : memref<80x128xf32, #tpu.memory_space<vmem>>, vector<1x16xf32>,
        %get3A_1296 = vector.shape_cast %get3A_1295 : vector<1x16xf32> to vector<16xf32>
        %mul3A_1297 = arith.mulf %get3A_1296, %gather3A_1260 : vector<16xf32>
        %swap3A_1298 = arith.index_cast %add3A_1262 : i32 to index
        %swap3A_1299 = arith.constant 48 : index
        %swap3A_1300 = tpu.vector_load %arg10[%swap3A_1298, %swap3A_1299] {strides = array<i32>} : memref<80x128xf32, #tpu.memory_space<vmem>>, vector<1x16xf32>,
        %swap3A_1301 = vector.shape_cast %swap3A_1300 : vector<1x16xf32> to vector<16xf32>
        %swap3A_1302 = vector.shape_cast %mul3A_1297 : vector<16xf32> to vector<1x16xf32>
        tpu.vector_store %arg10[%swap3A_1298, %swap3A_1299], %swap3A_1302 {strides = array<i32>} : memref<80x128xf32, #tpu.memory_space<vmem>>, vector<1x16xf32>,
        %get3A_1303 = arith.index_cast %add3A_1262 : i32 to index
        %get3A_1304 = arith.constant 64 : index
        %get3A_1305 = tpu.vector_load %arg10[%get3A_1303, %get3A_1304] {strides = array<i32>} : memref<80x128xf32, #tpu.memory_space<vmem>>, vector<1x16xf32>,
        %get3A_1306 = vector.shape_cast %get3A_1305 : vector<1x16xf32> to vector<16xf32>
        %mul3A_1307 = arith.mulf %get3A_1306, %gather3A_1260 : vector<16xf32>
        %swap3A_1308 = arith.index_cast %add3A_1262 : i32 to index
        %swap3A_1309 = arith.constant 64 : index
        %swap3A_1310 = tpu.vector_load %arg10[%swap3A_1308, %swap3A_1309] {strides = array<i32>} : memref<80x128xf32, #tpu.memory_space<vmem>>, vector<1x16xf32>,
        %swap3A_1311 = vector.shape_cast %swap3A_1310 : vector<1x16xf32> to vector<16xf32>
        %swap3A_1312 = vector.shape_cast %mul3A_1307 : vector<16xf32> to vector<1x16xf32>
        tpu.vector_store %arg10[%swap3A_1308, %swap3A_1309], %swap3A_1312 {strides = array<i32>} : memref<80x128xf32, #tpu.memory_space<vmem>>, vector<1x16xf32>,
        %get3A_1313 = arith.index_cast %add3A_1262 : i32 to index
        %get3A_1314 = arith.constant 80 : index
        %get3A_1315 = tpu.vector_load %arg10[%get3A_1313, %get3A_1314] {strides = array<i32>} : memref<80x128xf32, #tpu.memory_space<vmem>>, vector<1x16xf32>,
        %get3A_1316 = vector.shape_cast %get3A_1315 : vector<1x16xf32> to vector<16xf32>
        %mul3A_1317 = arith.mulf %get3A_1316, %gather3A_1260 : vector<16xf32>
        %swap3A_1318 = arith.index_cast %add3A_1262 : i32 to index
        %swap3A_1319 = arith.constant 80 : index
        %swap3A_1320 = tpu.vector_load %arg10[%swap3A_1318, %swap3A_1319] {strides = array<i32>} : memref<80x128xf32, #tpu.memory_space<vmem>>, vector<1x16xf32>,
        %swap3A_1321 = vector.shape_cast %swap3A_1320 : vector<1x16xf32> to vector<16xf32>
        %swap3A_1322 = vector.shape_cast %mul3A_1317 : vector<16xf32> to vector<1x16xf32>
        tpu.vector_store %arg10[%swap3A_1318, %swap3A_1319], %swap3A_1322 {strides = array<i32>} : memref<80x128xf32, #tpu.memory_space<vmem>>, vector<1x16xf32>,
        %get3A_1323 = arith.index_cast %add3A_1262 : i32 to index
        %get3A_1324 = arith.constant 96 : index
        %get3A_1325 = tpu.vector_load %arg10[%get3A_1323, %get3A_1324] {strides = array<i32>} : memref<80x128xf32, #tpu.memory_space<vmem>>, vector<1x16xf32>,
        %get3A_1326 = vector.shape_cast %get3A_1325 : vector<1x16xf32> to vector<16xf32>
        %mul3A_1327 = arith.mulf %get3A_1326, %gather3A_1260 : vector<16xf32>
        %swap3A_1328 = arith.index_cast %add3A_1262 : i32 to index
        %swap3A_1329 = arith.constant 96 : index
        %swap3A_1330 = tpu.vector_load %arg10[%swap3A_1328, %swap3A_1329] {strides = array<i32>} : memref<80x128xf32, #tpu.memory_space<vmem>>, vector<1x16xf32>,
        %swap3A_1331 = vector.shape_cast %swap3A_1330 : vector<1x16xf32> to vector<16xf32>
        %swap3A_1332 = vector.shape_cast %mul3A_1327 : vector<16xf32> to vector<1x16xf32>
        tpu.vector_store %arg10[%swap3A_1328, %swap3A_1329], %swap3A_1332 {strides = array<i32>} : memref<80x128xf32, #tpu.memory_space<vmem>>, vector<1x16xf32>,
        %get3A_1333 = arith.index_cast %add3A_1262 : i32 to index
        %get3A_1334 = arith.constant 112 : index
        %get3A_1335 = tpu.vector_load %arg10[%get3A_1333, %get3A_1334] {strides = array<i32>} : memref<80x128xf32, #tpu.memory_space<vmem>>, vector<1x16xf32>,
        %get3A_1336 = vector.shape_cast %get3A_1335 : vector<1x16xf32> to vector<16xf32>
        %mul3A_1337 = arith.mulf %get3A_1336, %gather3A_1260 : vector<16xf32>
        %swap3A_1338 = arith.index_cast %add3A_1262 : i32 to index
        %swap3A_1339 = arith.constant 112 : index
        %swap3A_1340 = tpu.vector_load %arg10[%swap3A_1338, %swap3A_1339] {strides = array<i32>} : memref<80x128xf32, #tpu.memory_space<vmem>>, vector<1x16xf32>,
        %swap3A_1341 = vector.shape_cast %swap3A_1340 : vector<1x16xf32> to vector<16xf32>
        %swap3A_1342 = vector.shape_cast %mul3A_1337 : vector<16xf32> to vector<1x16xf32>
        tpu.vector_store %arg10[%swap3A_1338, %swap3A_1339], %swap3A_1342 {strides = array<i32>} : memref<80x128xf32, #tpu.memory_space<vmem>>, vector<1x16xf32>,
        %broadcast_in_dim3A_1343 = arith.constant 15 : i32
        %broadcast_in_dim3A_1344 = vector.broadcast %broadcast_in_dim3A_1343 : i32 to vector<16x1xi32>
        %gather3A_1345 = vector.shape_cast %broadcast_in_dim3A_1344 : vector<16x1xi32> to vector<16xi32>
        %gather3A_1346 = tpu.dynamic_gather %get3A_55[%gather3A_1345] in [0] : vector<16xf32>, vector<16xi32> -> vector<16xf32>
        %add3A_1347 = arith.constant 15 : i32
        %add3A_1348 = arith.addi %mul3A_53, %add3A_1347 : i32
        %get3A_1349 = arith.index_cast %add3A_1348 : i32 to index
        %get3A_1350 = arith.constant 0 : index
        %get3A_1351 = tpu.vector_load %arg10[%get3A_1349, %get3A_1350] {strides = array<i32>} : memref<80x128xf32, #tpu.memory_space<vmem>>, vector<1x16xf32>,
        %get3A_1352 = vector.shape_cast %get3A_1351 : vector<1x16xf32> to vector<16xf32>
        %mul3A_1353 = arith.mulf %get3A_1352, %gather3A_1346 : vector<16xf32>
        %swap3A_1354 = arith.index_cast %add3A_1348 : i32 to index
        %swap3A_1355 = arith.constant 0 : index
        %swap3A_1356 = tpu.vector_load %arg10[%swap3A_1354, %swap3A_1355] {strides = array<i32>} : memref<80x128xf32, #tpu.memory_space<vmem>>, vector<1x16xf32>,
        %swap3A_1357 = vector.shape_cast %swap3A_1356 : vector<1x16xf32> to vector<16xf32>
        %swap3A_1358 = vector.shape_cast %mul3A_1353 : vector<16xf32> to vector<1x16xf32>
        tpu.vector_store %arg10[%swap3A_1354, %swap3A_1355], %swap3A_1358 {strides = array<i32>} : memref<80x128xf32, #tpu.memory_space<vmem>>, vector<1x16xf32>,
        %get3A_1359 = arith.index_cast %add3A_1348 : i32 to index
        %get3A_1360 = arith.constant 16 : index
        %get3A_1361 = tpu.vector_load %arg10[%get3A_1359, %get3A_1360] {strides = array<i32>} : memref<80x128xf32, #tpu.memory_space<vmem>>, vector<1x16xf32>,
        %get3A_1362 = vector.shape_cast %get3A_1361 : vector<1x16xf32> to vector<16xf32>
        %mul3A_1363 = arith.mulf %get3A_1362, %gather3A_1346 : vector<16xf32>
        %swap3A_1364 = arith.index_cast %add3A_1348 : i32 to index
        %swap3A_1365 = arith.constant 16 : index
        %swap3A_1366 = tpu.vector_load %arg10[%swap3A_1364, %swap3A_1365] {strides = array<i32>} : memref<80x128xf32, #tpu.memory_space<vmem>>, vector<1x16xf32>,
        %swap3A_1367 = vector.shape_cast %swap3A_1366 : vector<1x16xf32> to vector<16xf32>
        %swap3A_1368 = vector.shape_cast %mul3A_1363 : vector<16xf32> to vector<1x16xf32>
        tpu.vector_store %arg10[%swap3A_1364, %swap3A_1365], %swap3A_1368 {strides = array<i32>} : memref<80x128xf32, #tpu.memory_space<vmem>>, vector<1x16xf32>,
        %get3A_1369 = arith.index_cast %add3A_1348 : i32 to index
        %get3A_1370 = arith.constant 32 : index
        %get3A_1371 = tpu.vector_load %arg10[%get3A_1369, %get3A_1370] {strides = array<i32>} : memref<80x128xf32, #tpu.memory_space<vmem>>, vector<1x16xf32>,
        %get3A_1372 = vector.shape_cast %get3A_1371 : vector<1x16xf32> to vector<16xf32>
        %mul3A_1373 = arith.mulf %get3A_1372, %gather3A_1346 : vector<16xf32>
        %swap3A_1374 = arith.index_cast %add3A_1348 : i32 to index
        %swap3A_1375 = arith.constant 32 : index
        %swap3A_1376 = tpu.vector_load %arg10[%swap3A_1374, %swap3A_1375] {strides = array<i32>} : memref<80x128xf32, #tpu.memory_space<vmem>>, vector<1x16xf32>,
        %swap3A_1377 = vector.shape_cast %swap3A_1376 : vector<1x16xf32> to vector<16xf32>
        %swap3A_1378 = vector.shape_cast %mul3A_1373 : vector<16xf32> to vector<1x16xf32>
        tpu.vector_store %arg10[%swap3A_1374, %swap3A_1375], %swap3A_1378 {strides = array<i32>} : memref<80x128xf32, #tpu.memory_space<vmem>>, vector<1x16xf32>,
        %get3A_1379 = arith.index_cast %add3A_1348 : i32 to index
        %get3A_1380 = arith.constant 48 : index
        %get3A_1381 = tpu.vector_load %arg10[%get3A_1379, %get3A_1380] {strides = array<i32>} : memref<80x128xf32, #tpu.memory_space<vmem>>, vector<1x16xf32>,
        %get3A_1382 = vector.shape_cast %get3A_1381 : vector<1x16xf32> to vector<16xf32>
        %mul3A_1383 = arith.mulf %get3A_1382, %gather3A_1346 : vector<16xf32>
        %swap3A_1384 = arith.index_cast %add3A_1348 : i32 to index
        %swap3A_1385 = arith.constant 48 : index
        %swap3A_1386 = tpu.vector_load %arg10[%swap3A_1384, %swap3A_1385] {strides = array<i32>} : memref<80x128xf32, #tpu.memory_space<vmem>>, vector<1x16xf32>,
        %swap3A_1387 = vector.shape_cast %swap3A_1386 : vector<1x16xf32> to vector<16xf32>
        %swap3A_1388 = vector.shape_cast %mul3A_1383 : vector<16xf32> to vector<1x16xf32>
        tpu.vector_store %arg10[%swap3A_1384, %swap3A_1385], %swap3A_1388 {strides = array<i32>} : memref<80x128xf32, #tpu.memory_space<vmem>>, vector<1x16xf32>,
        %get3A_1389 = arith.index_cast %add3A_1348 : i32 to index
        %get3A_1390 = arith.constant 64 : index
        %get3A_1391 = tpu.vector_load %arg10[%get3A_1389, %get3A_1390] {strides = array<i32>} : memref<80x128xf32, #tpu.memory_space<vmem>>, vector<1x16xf32>,
        %get3A_1392 = vector.shape_cast %get3A_1391 : vector<1x16xf32> to vector<16xf32>
        %mul3A_1393 = arith.mulf %get3A_1392, %gather3A_1346 : vector<16xf32>
        %swap3A_1394 = arith.index_cast %add3A_1348 : i32 to index
        %swap3A_1395 = arith.constant 64 : index
        %swap3A_1396 = tpu.vector_load %arg10[%swap3A_1394, %swap3A_1395] {strides = array<i32>} : memref<80x128xf32, #tpu.memory_space<vmem>>, vector<1x16xf32>,
        %swap3A_1397 = vector.shape_cast %swap3A_1396 : vector<1x16xf32> to vector<16xf32>
        %swap3A_1398 = vector.shape_cast %mul3A_1393 : vector<16xf32> to vector<1x16xf32>
        tpu.vector_store %arg10[%swap3A_1394, %swap3A_1395], %swap3A_1398 {strides = array<i32>} : memref<80x128xf32, #tpu.memory_space<vmem>>, vector<1x16xf32>,
        %get3A_1399 = arith.index_cast %add3A_1348 : i32 to index
        %get3A_1400 = arith.constant 80 : index
        %get3A_1401 = tpu.vector_load %arg10[%get3A_1399, %get3A_1400] {strides = array<i32>} : memref<80x128xf32, #tpu.memory_space<vmem>>, vector<1x16xf32>,
        %get3A_1402 = vector.shape_cast %get3A_1401 : vector<1x16xf32> to vector<16xf32>
        %mul3A_1403 = arith.mulf %get3A_1402, %gather3A_1346 : vector<16xf32>
        %swap3A_1404 = arith.index_cast %add3A_1348 : i32 to index
        %swap3A_1405 = arith.constant 80 : index
        %swap3A_1406 = tpu.vector_load %arg10[%swap3A_1404, %swap3A_1405] {strides = array<i32>} : memref<80x128xf32, #tpu.memory_space<vmem>>, vector<1x16xf32>,
        %swap3A_1407 = vector.shape_cast %swap3A_1406 : vector<1x16xf32> to vector<16xf32>
        %swap3A_1408 = vector.shape_cast %mul3A_1403 : vector<16xf32> to vector<1x16xf32>
        tpu.vector_store %arg10[%swap3A_1404, %swap3A_1405], %swap3A_1408 {strides = array<i32>} : memref<80x128xf32, #tpu.memory_space<vmem>>, vector<1x16xf32>,
        %get3A_1409 = arith.index_cast %add3A_1348 : i32 to index
        %get3A_1410 = arith.constant 96 : index
        %get3A_1411 = tpu.vector_load %arg10[%get3A_1409, %get3A_1410] {strides = array<i32>} : memref<80x128xf32, #tpu.memory_space<vmem>>, vector<1x16xf32>,
        %get3A_1412 = vector.shape_cast %get3A_1411 : vector<1x16xf32> to vector<16xf32>
        %mul3A_1413 = arith.mulf %get3A_1412, %gather3A_1346 : vector<16xf32>
        %swap3A_1414 = arith.index_cast %add3A_1348 : i32 to index
        %swap3A_1415 = arith.constant 96 : index
        %swap3A_1416 = tpu.vector_load %arg10[%swap3A_1414, %swap3A_1415] {strides = array<i32>} : memref<80x128xf32, #tpu.memory_space<vmem>>, vector<1x16xf32>,
        %swap3A_1417 = vector.shape_cast %swap3A_1416 : vector<1x16xf32> to vector<16xf32>
        %swap3A_1418 = vector.shape_cast %mul3A_1413 : vector<16xf32> to vector<1x16xf32>
        tpu.vector_store %arg10[%swap3A_1414, %swap3A_1415], %swap3A_1418 {strides = array<i32>} : memref<80x128xf32, #tpu.memory_space<vmem>>, vector<1x16xf32>,
        %get3A_1419 = arith.index_cast %add3A_1348 : i32 to index
        %get3A_1420 = arith.constant 112 : index
        %get3A_1421 = tpu.vector_load %arg10[%get3A_1419, %get3A_1420] {strides = array<i32>} : memref<80x128xf32, #tpu.memory_space<vmem>>, vector<1x16xf32>,
        %get3A_1422 = vector.shape_cast %get3A_1421 : vector<1x16xf32> to vector<16xf32>
        %mul3A_1423 = arith.mulf %get3A_1422, %gather3A_1346 : vector<16xf32>
        %swap3A_1424 = arith.index_cast %add3A_1348 : i32 to index
        %swap3A_1425 = arith.constant 112 : index
        %swap3A_1426 = tpu.vector_load %arg10[%swap3A_1424, %swap3A_1425] {strides = array<i32>} : memref<80x128xf32, #tpu.memory_space<vmem>>, vector<1x16xf32>,
        %swap3A_1427 = vector.shape_cast %swap3A_1426 : vector<1x16xf32> to vector<16xf32>
        %swap3A_1428 = vector.shape_cast %mul3A_1423 : vector<16xf32> to vector<1x16xf32>
        tpu.vector_store %arg10[%swap3A_1424, %swap3A_1425], %swap3A_1428 {strides = array<i32>} : memref<80x128xf32, #tpu.memory_space<vmem>>, vector<1x16xf32>,
      }
      %scan3A_50 = arith.constant 5 : i32
      "tpu.region"() ({
        %run_scoped3A = tpu.sem_alloc : memref<!tpu.dma_semaphore, #tpu.memory_space<semaphore_mem>>
        %dma_start3A_51 = arith.constant 0 : i32
        %dma_start3A_52 = arith.constant 0 : i32
        %dma_start3A_53 = tpu.memref_slice %arg12[%dma_start3A_51, %dma_start3A_52] : memref<10240x128xf32, #tpu.memory_space<vmem_shared>> -> memref<10240x128xf32, #tpu.memory_space<vmem_shared>>
        tpu.enqueue_indirect_dma source(%arg10 : memref<80x128xf32, #tpu.memory_space<vmem>>) target(%dma_start3A_53 : memref<10240x128xf32, #tpu.memory_space<vmem_shared>>) offsets(%arg8 : memref<80xi32, #tpu.memory_space<vmem>>) semaphore(%run_scoped3A : memref<!tpu.dma_semaphore, #tpu.memory_space<semaphore_mem>>) {add = true}
        %dma_wait3A_54 = arith.constant 0 : i32
        %dma_wait3A_55 = arith.constant 0 : i32
        %dma_wait3A_56 = tpu.memref_slice %arg12[%dma_wait3A_54, %dma_wait3A_55] : memref<10240x128xf32, #tpu.memory_space<vmem_shared>> -> memref<10240x128xf32, #tpu.memory_space<vmem_shared>>
        tpu.wait_indirect_dma semaphore(%run_scoped3A : memref<!tpu.dma_semaphore, #tpu.memory_space<semaphore_mem>>) src(%arg10 : memref<80x128xf32, #tpu.memory_space<vmem>>) dst(%dma_wait3A_56 : memref<10240x128xf32, #tpu.memory_space<vmem_shared>>)
        tpu.yield
      }) : () -> ()
    }
    %scan3A_23 = arith.constant 125 : i32
    %barrier3A_24 = arith.constant 0 : index
    tpu.barrier barrier_id(%barrier3A_24)
    %add3A_25 = arith.constant 0 : i32
    %add3A_26 = arith.addi %mul3A_7, %add3A_25 : i32
    "tpu.region"() ({
      %run_scoped3A = tpu.sem_alloc : memref<!tpu.dma_semaphore, #tpu.memory_space<semaphore_mem>>
      %dma_start3A = arith.constant 0 : i32
      %dma_start3A_35 = tpu.memref_slice %arg6[%arg0, %add3A_26, %dma_start3A] : memref<2x10240x128xf32, #tpu.memory_space<hbm>> -> memref<1x128x128xf32, #tpu.memory_space<hbm>>
      %dma_start3A_36 = tpu.memref_squeeze %dma_start3A_35 : memref<1x128x128xf32, #tpu.memory_space<hbm>> -> memref<128x128xf32, #tpu.memory_space<hbm>>
      %dma_start3A_37 = arith.constant 0 : i32
      %dma_start3A_38 = tpu.memref_slice %arg12[%add3A_26, %dma_start3A_37] : memref<10240x128xf32, #tpu.memory_space<vmem_shared>> -> memref<128x128xf32, #tpu.memory_space<vmem_shared>>
      tpu.enqueue_dma source(%dma_start3A_38 : memref<128x128xf32, #tpu.memory_space<vmem_shared>>) target(%dma_start3A_36 : memref<128x128xf32, #tpu.memory_space<hbm>>) target_semaphore(%run_scoped3A : memref<!tpu.dma_semaphore, #tpu.memory_space<semaphore_mem>>)
      %dma_wait3A = arith.constant 0 : i32
      %dma_wait3A_39 = tpu.memref_slice %arg6[%arg0, %add3A_26, %dma_wait3A] : memref<2x10240x128xf32, #tpu.memory_space<hbm>> -> memref<1x128x128xf32, #tpu.memory_space<hbm>>
      %dma_wait3A_40 = tpu.memref_squeeze %dma_wait3A_39 : memref<1x128x128xf32, #tpu.memory_space<hbm>> -> memref<128x128xf32, #tpu.memory_space<hbm>>
      %dma_wait3A_41 = arith.constant 0 : i32
      %dma_wait3A_42 = tpu.memref_slice %arg12[%add3A_26, %dma_wait3A_41] : memref<10240x128xf32, #tpu.memory_space<vmem_shared>> -> memref<128x128xf32, #tpu.memory_space<vmem_shared>>
      tpu.wait_dma2 semaphore(%run_scoped3A : memref<!tpu.dma_semaphore, #tpu.memory_space<semaphore_mem>>) src(%dma_wait3A_42 : memref<128x128xf32, #tpu.memory_space<vmem_shared>>) dst(%dma_wait3A_40 : memref<128x128xf32, #tpu.memory_space<hbm>>)
      tpu.yield
    }) : () -> ()
    %add3A_27 = arith.constant 128 : i32
    %add3A_28 = arith.addi %mul3A_7, %add3A_27 : i32
    "tpu.region"() ({
      %run_scoped3A = tpu.sem_alloc : memref<!tpu.dma_semaphore, #tpu.memory_space<semaphore_mem>>
      %dma_start3A = arith.constant 0 : i32
      %dma_start3A_35 = tpu.memref_slice %arg6[%arg0, %add3A_28, %dma_start3A] : memref<2x10240x128xf32, #tpu.memory_space<hbm>> -> memref<1x128x128xf32, #tpu.memory_space<hbm>>
      %dma_start3A_36 = tpu.memref_squeeze %dma_start3A_35 : memref<1x128x128xf32, #tpu.memory_space<hbm>> -> memref<128x128xf32, #tpu.memory_space<hbm>>
      %dma_start3A_37 = arith.constant 0 : i32
      %dma_start3A_38 = tpu.memref_slice %arg12[%add3A_28, %dma_start3A_37] : memref<10240x128xf32, #tpu.memory_space<vmem_shared>> -> memref<128x128xf32, #tpu.memory_space<vmem_shared>>
      tpu.enqueue_dma source(%dma_start3A_38 : memref<128x128xf32, #tpu.memory_space<vmem_shared>>) target(%dma_start3A_36 : memref<128x128xf32, #tpu.memory_space<hbm>>) target_semaphore(%run_scoped3A : memref<!tpu.dma_semaphore, #tpu.memory_space<semaphore_mem>>)
      %dma_wait3A = arith.constant 0 : i32
      %dma_wait3A_39 = tpu.memref_slice %arg6[%arg0, %add3A_28, %dma_wait3A] : memref<2x10240x128xf32, #tpu.memory_space<hbm>> -> memref<1x128x128xf32, #tpu.memory_space<hbm>>
      %dma_wait3A_40 = tpu.memref_squeeze %dma_wait3A_39 : memref<1x128x128xf32, #tpu.memory_space<hbm>> -> memref<128x128xf32, #tpu.memory_space<hbm>>
      %dma_wait3A_41 = arith.constant 0 : i32
      %dma_wait3A_42 = tpu.memref_slice %arg12[%add3A_28, %dma_wait3A_41] : memref<10240x128xf32, #tpu.memory_space<vmem_shared>> -> memref<128x128xf32, #tpu.memory_space<vmem_shared>>
      tpu.wait_dma2 semaphore(%run_scoped3A : memref<!tpu.dma_semaphore, #tpu.memory_space<semaphore_mem>>) src(%dma_wait3A_42 : memref<128x128xf32, #tpu.memory_space<vmem_shared>>) dst(%dma_wait3A_40 : memref<128x128xf32, #tpu.memory_space<hbm>>)
      tpu.yield
    }) : () -> ()
    %add3A_29 = arith.constant 256 : i32
    %add3A_30 = arith.addi %mul3A_7, %add3A_29 : i32
    "tpu.region"() ({
      %run_scoped3A = tpu.sem_alloc : memref<!tpu.dma_semaphore, #tpu.memory_space<semaphore_mem>>
      %dma_start3A = arith.constant 0 : i32
      %dma_start3A_35 = tpu.memref_slice %arg6[%arg0, %add3A_30, %dma_start3A] : memref<2x10240x128xf32, #tpu.memory_space<hbm>> -> memref<1x128x128xf32, #tpu.memory_space<hbm>>
      %dma_start3A_36 = tpu.memref_squeeze %dma_start3A_35 : memref<1x128x128xf32, #tpu.memory_space<hbm>> -> memref<128x128xf32, #tpu.memory_space<hbm>>
      %dma_start3A_37 = arith.constant 0 : i32
      %dma_start3A_38 = tpu.memref_slice %arg12[%add3A_30, %dma_start3A_37] : memref<10240x128xf32, #tpu.memory_space<vmem_shared>> -> memref<128x128xf32, #tpu.memory_space<vmem_shared>>
      tpu.enqueue_dma source(%dma_start3A_38 : memref<128x128xf32, #tpu.memory_space<vmem_shared>>) target(%dma_start3A_36 : memref<128x128xf32, #tpu.memory_space<hbm>>) target_semaphore(%run_scoped3A : memref<!tpu.dma_semaphore, #tpu.memory_space<semaphore_mem>>)
      %dma_wait3A = arith.constant 0 : i32
      %dma_wait3A_39 = tpu.memref_slice %arg6[%arg0, %add3A_30, %dma_wait3A] : memref<2x10240x128xf32, #tpu.memory_space<hbm>> -> memref<1x128x128xf32, #tpu.memory_space<hbm>>
      %dma_wait3A_40 = tpu.memref_squeeze %dma_wait3A_39 : memref<1x128x128xf32, #tpu.memory_space<hbm>> -> memref<128x128xf32, #tpu.memory_space<hbm>>
      %dma_wait3A_41 = arith.constant 0 : i32
      %dma_wait3A_42 = tpu.memref_slice %arg12[%add3A_30, %dma_wait3A_41] : memref<10240x128xf32, #tpu.memory_space<vmem_shared>> -> memref<128x128xf32, #tpu.memory_space<vmem_shared>>
      tpu.wait_dma2 semaphore(%run_scoped3A : memref<!tpu.dma_semaphore, #tpu.memory_space<semaphore_mem>>) src(%dma_wait3A_42 : memref<128x128xf32, #tpu.memory_space<vmem_shared>>) dst(%dma_wait3A_40 : memref<128x128xf32, #tpu.memory_space<hbm>>)
      tpu.yield
    }) : () -> ()
    %add3A_31 = arith.constant 384 : i32
    %add3A_32 = arith.addi %mul3A_7, %add3A_31 : i32
    "tpu.region"() ({
      %run_scoped3A = tpu.sem_alloc : memref<!tpu.dma_semaphore, #tpu.memory_space<semaphore_mem>>
      %dma_start3A = arith.constant 0 : i32
      %dma_start3A_35 = tpu.memref_slice %arg6[%arg0, %add3A_32, %dma_start3A] : memref<2x10240x128xf32, #tpu.memory_space<hbm>> -> memref<1x128x128xf32, #tpu.memory_space<hbm>>
      %dma_start3A_36 = tpu.memref_squeeze %dma_start3A_35 : memref<1x128x128xf32, #tpu.memory_space<hbm>> -> memref<128x128xf32, #tpu.memory_space<hbm>>
      %dma_start3A_37 = arith.constant 0 : i32
      %dma_start3A_38 = tpu.memref_slice %arg12[%add3A_32, %dma_start3A_37] : memref<10240x128xf32, #tpu.memory_space<vmem_shared>> -> memref<128x128xf32, #tpu.memory_space<vmem_shared>>
      tpu.enqueue_dma source(%dma_start3A_38 : memref<128x128xf32, #tpu.memory_space<vmem_shared>>) target(%dma_start3A_36 : memref<128x128xf32, #tpu.memory_space<hbm>>) target_semaphore(%run_scoped3A : memref<!tpu.dma_semaphore, #tpu.memory_space<semaphore_mem>>)
      %dma_wait3A = arith.constant 0 : i32
      %dma_wait3A_39 = tpu.memref_slice %arg6[%arg0, %add3A_32, %dma_wait3A] : memref<2x10240x128xf32, #tpu.memory_space<hbm>> -> memref<1x128x128xf32, #tpu.memory_space<hbm>>
      %dma_wait3A_40 = tpu.memref_squeeze %dma_wait3A_39 : memref<1x128x128xf32, #tpu.memory_space<hbm>> -> memref<128x128xf32, #tpu.memory_space<hbm>>
      %dma_wait3A_41 = arith.constant 0 : i32
      %dma_wait3A_42 = tpu.memref_slice %arg12[%add3A_32, %dma_wait3A_41] : memref<10240x128xf32, #tpu.memory_space<vmem_shared>> -> memref<128x128xf32, #tpu.memory_space<vmem_shared>>
      tpu.wait_dma2 semaphore(%run_scoped3A : memref<!tpu.dma_semaphore, #tpu.memory_space<semaphore_mem>>) src(%dma_wait3A_42 : memref<128x128xf32, #tpu.memory_space<vmem_shared>>) dst(%dma_wait3A_40 : memref<128x128xf32, #tpu.memory_space<hbm>>)
      tpu.yield
    }) : () -> ()
    %add3A_33 = arith.constant 512 : i32
    %add3A_34 = arith.addi %mul3A_7, %add3A_33 : i32
    "tpu.region"() ({
      %run_scoped3A = tpu.sem_alloc : memref<!tpu.dma_semaphore, #tpu.memory_space<semaphore_mem>>
      %dma_start3A = arith.constant 0 : i32
      %dma_start3A_35 = tpu.memref_slice %arg6[%arg0, %add3A_34, %dma_start3A] : memref<2x10240x128xf32, #tpu.memory_space<hbm>> -> memref<1x128x128xf32, #tpu.memory_space<hbm>>
      %dma_start3A_36 = tpu.memref_squeeze %dma_start3A_35 : memref<1x128x128xf32, #tpu.memory_space<hbm>> -> memref<128x128xf32, #tpu.memory_space<hbm>>
      %dma_start3A_37 = arith.constant 0 : i32
      %dma_start3A_38 = tpu.memref_slice %arg12[%add3A_34, %dma_start3A_37] : memref<10240x128xf32, #tpu.memory_space<vmem_shared>> -> memref<128x128xf32, #tpu.memory_space<vmem_shared>>
      tpu.enqueue_dma source(%dma_start3A_38 : memref<128x128xf32, #tpu.memory_space<vmem_shared>>) target(%dma_start3A_36 : memref<128x128xf32, #tpu.memory_space<hbm>>) target_semaphore(%run_scoped3A : memref<!tpu.dma_semaphore, #tpu.memory_space<semaphore_mem>>)
      %dma_wait3A = arith.constant 0 : i32
      %dma_wait3A_39 = tpu.memref_slice %arg6[%arg0, %add3A_34, %dma_wait3A] : memref<2x10240x128xf32, #tpu.memory_space<hbm>> -> memref<1x128x128xf32, #tpu.memory_space<hbm>>
      %dma_wait3A_40 = tpu.memref_squeeze %dma_wait3A_39 : memref<1x128x128xf32, #tpu.memory_space<hbm>> -> memref<128x128xf32, #tpu.memory_space<hbm>>
      %dma_wait3A_41 = arith.constant 0 : i32
      %dma_wait3A_42 = tpu.memref_slice %arg12[%add3A_34, %dma_wait3A_41] : memref<10240x128xf32, #tpu.memory_space<vmem_shared>> -> memref<128x128xf32, #tpu.memory_space<vmem_shared>>
      tpu.wait_dma2 semaphore(%run_scoped3A : memref<!tpu.dma_semaphore, #tpu.memory_space<semaphore_mem>>) src(%dma_wait3A_42 : memref<128x128xf32, #tpu.memory_space<vmem_shared>>) dst(%dma_wait3A_40 : memref<128x128xf32, #tpu.memory_space<hbm>>)
      tpu.yield
    }) : () -> ()
    return
  }
}

module attributes {stable_mosaic.version = 14 : i64} {
  func.func @_mm_body(%arg0: i32, %arg1: memref<1000x128xf32, #tpu.memory_space<vmem>>, %arg2: memref<128x128xf32, #tpu.memory_space<vmem>>, %arg3: memref<1000x128xf32, #tpu.memory_space<vmem>>) attributes {dimension_semantics = [#tpu.dimension_semantics<arbitrary>], iteration_bounds = array<i64: 10>, scalar_prefetch = 0 : i64, scratch_operands = 0 : i64, tpu.core_type = #tpu.core_type<tc>, window_params = [{transform_indices = @transform_0, window_bounds = array<i64: 1000, 128>}, {pipeline_mode = #tpu.pipeline_mode<synchronous>, transform_indices = @transform_1, window_bounds = array<i64: 128, 128>}, {transform_indices = @transform_2, window_bounds = array<i64: 1000, 128>}]} {
    %get3A = arith.constant 0 : index
    %get3A_0 = arith.constant 0 : index
    %get3A_1 = vector.load %arg1[%get3A, %get3A_0] : memref<1000x128xf32, #tpu.memory_space<vmem>>, vector<1000x128xf32>
    %get3A_2 = arith.constant 0 : index
    %get3A_3 = arith.constant 0 : index
    %get3A_4 = vector.load %arg2[%get3A_2, %get3A_3] : memref<128x128xf32, #tpu.memory_space<vmem>>, vector<128x128xf32>
    %dot_general3A = arith.constant dense<0.000000e+00> : vector<1000x128xf32>
    %dot_general3A_5 = tpu.matmul %get3A_1, %get3A_4, %dot_general3A {dimension_numbers = #tpu.dot_dimension_numbers<[1], [0], [0], [1], [0, 0, 1, 1], [], []>, transpose_lhs_hint = false} : vector<1000x128xf32>, vector<128x128xf32>, vector<1000x128xf32> -> vector<1000x128xf32>
    %swap3A = arith.constant 0 : index
    %swap3A_6 = arith.constant 0 : index
    %swap3A_7 = vector.load %arg3[%swap3A, %swap3A_6] : memref<1000x128xf32, #tpu.memory_space<vmem>>, vector<1000x128xf32>
    tpu.vector_store %arg3[%swap3A, %swap3A_6], %dot_general3A_5 {strides = array<i32>} : memref<1000x128xf32, #tpu.memory_space<vmem>>, vector<1000x128xf32>,
    return
  }
  func.func @transform_0(%arg0: i32) -> (i32, i32) {
    %c0_i32 = arith.constant 0 : i32
    %c0_i32_0 = arith.constant 0 : i32
    return %arg0, %c0_i32 : i32, i32
  }
  func.func @transform_1(%arg0: i32) -> (i32, i32) {
    %c0_i32 = arith.constant 0 : i32
    %c0_i32_0 = arith.constant 0 : i32
    %c0_i32_1 = arith.constant 0 : i32
    return %c0_i32, %c0_i32_0 : i32, i32
  }
  func.func @transform_2(%arg0: i32) -> (i32, i32) {
    %c0_i32 = arith.constant 0 : i32
    %c0_i32_0 = arith.constant 0 : i32
    return %arg0, %c0_i32 : i32, i32
  }
}

module attributes {stable_mosaic.version = 14 : i64} {
  func.func @_fin_body(%arg0: i32, %arg1: memref<1x1000x128xf32, #tpu.memory_space<vmem>>, %arg2: memref<1x1000x128xf32, #tpu.memory_space<vmem>>, %arg3: memref<1000x128xf32, #tpu.memory_space<vmem>>) attributes {dimension_semantics = [#tpu.dimension_semantics<arbitrary>], iteration_bounds = array<i64: 10>, scalar_prefetch = 0 : i64, scratch_operands = 0 : i64, tpu.core_type = #tpu.core_type<tc>, window_params = [{transform_indices = @transform_0, window_bounds = array<i64: 1, 1000, 128>}, {transform_indices = @transform_1, window_bounds = array<i64: 1, 1000, 128>}, {transform_indices = @transform_2, window_bounds = array<i64: 1000, 128>}]} {
    %get3A = arith.constant 0 : index
    %get3A_0 = arith.constant 0 : index
    %get3A_1 = arith.constant 0 : index
    %get3A_2 = vector.load %arg1[%get3A, %get3A_0, %get3A_1] : memref<1x1000x128xf32, #tpu.memory_space<vmem>>, vector<1x1000x128xf32>
    %get3A_3 = vector.shape_cast %get3A_2 : vector<1x1000x128xf32> to vector<1000x128xf32>
    %get3A_4 = arith.constant 0 : index
    %get3A_5 = arith.constant 0 : index
    %get3A_6 = arith.constant 0 : index
    %get3A_7 = vector.load %arg2[%get3A_4, %get3A_5, %get3A_6] : memref<1x1000x128xf32, #tpu.memory_space<vmem>>, vector<1x1000x128xf32>
    %get3A_8 = vector.shape_cast %get3A_7 : vector<1x1000x128xf32> to vector<1000x128xf32>
    %add3A = arith.addf %get3A_3, %get3A_8 : vector<1000x128xf32>
    %max3A = arith.constant 0.000000e+00 : f32
    %max3A_9 = vector.broadcast %max3A : f32 to vector<1000x128xf32>
    %max3A_10 = arith.maximumf %add3A, %max3A_9 : vector<1000x128xf32>
    %swap3A = arith.constant 0 : index
    %swap3A_11 = arith.constant 0 : index
    %swap3A_12 = vector.load %arg3[%swap3A, %swap3A_11] : memref<1000x128xf32, #tpu.memory_space<vmem>>, vector<1000x128xf32>
    tpu.vector_store %arg3[%swap3A, %swap3A_11], %max3A_10 {strides = array<i32>} : memref<1000x128xf32, #tpu.memory_space<vmem>>, vector<1000x128xf32>,
    return
  }
  func.func @transform_0(%arg0: i32) -> (i32, i32, i32) {
    %c0_i32 = arith.constant 0 : i32
    %c0_i32_0 = arith.constant 0 : i32
    %c0_i32_1 = arith.constant 0 : i32
    return %c0_i32, %arg0, %c0_i32_0 : i32, i32, i32
  }
  func.func @transform_1(%arg0: i32) -> (i32, i32, i32) {
    %c1_i32 = arith.constant 1 : i32
    %c0_i32 = arith.constant 0 : i32
    %c0_i32_0 = arith.constant 0 : i32
    return %c1_i32, %arg0, %c0_i32 : i32, i32, i32
  }
  func.func @transform_2(%arg0: i32) -> (i32, i32) {
    %c0_i32 = arith.constant 0 : i32
    %c0_i32_0 = arith.constant 0 : i32
    return %arg0, %c0_i32 : i32, i32
  }
}

</mosaic_0001>

<sc_bundles>
// kernel: kernel.5.cloned.1.call-start
scs
__scs_entry_jumppad:
0x0: {  	(pc) =	sbr.rel $0x88, $3  }
0x1: {  	(tag) =	ssettag $0x0;
	lr =	simm.s32 $0x1  }
0x2: {  	[smem:$0x3F9D] =	sst lr;
	_ =	strace $0xD0000000  }
0x3: {  	_ = 	snop  }
0x4: {  	_ = 	snop  }
0x5: {  	_ = 	snop  }
0x6: {  	_ = 	snop  }
0x7: {  	_ = 	snop  }
__scs_overlays_trampoline_lowered:
0x8: {  	[smem:$0x3FAC] =	sst s0  }
0x9: {  	[smem:$0x3FAD] =	sst s1  }
0xa: {  	[smem:$0x3FAE] =	sst s2  }
0xb: {  	[smem:$0x3FAF] =	sst s3  }
0xc: {  	[smem:$0x3FB0] =	sst s4  }
0xd: {  	[smem:$0x3FB1] =	sst s5  }
0xe: {  	[smem:$0x3FB2] =	sst s6  }
0xf: {  	[smem:$0x3FB3] =	sst s7  }
0x10: {  	[smem:$0x3FB4] =	sst s8  }
0x11: {  	[smem:$0x3FB5] =	sst s9;
	s0 =	simm.s32 @!p0 $0x0  }
0x12: {  	s1 =	sld [smem:$0x3F9B];
	s0 =	simm.s32 @p0 $0x1  }
0x13: {  	[smem:$0x3FB6] =	sst s0;
	s0 =	simm.s32 @!p1 $0x0  }
0x14: {  	s2 =	sld [smem:$0x3F9A];
	s0 =	simm.s32 @p1 $0x1  }
0x15: {  	[smem:$0x3FB7] =	sst s0;
	s0 =	simm.s32 @!p2 $0x0  }
0x16: {  	s3 =	sld [smem:$0x3FDB];
	s0 =	simm.s32 @p2 $0x1  }
0x17: {  	s4 =	simm.s32 $0x1BF5;
	[smem:$0x3FB9] =	sst s0  }
0x18: {  	s0 =	sld [smem:$0x3F9C];
	_ =	swait.ge [sflag:s4], $0x0  }
0x19: {  	s7 =	sld [smem:$0x3F9D]  }
0x1a: {  	s8 =	sadd.s32 $0xFFFFE003, lr  }
0x1b: {  	s9 =	sadd.s32 $0xFFFFFEF7, lr;
	s5 =	simm.s32 $0xFFFFFFFF;
	p2 =	slt.u32 s8, $0xFFFFF086  }
0x1c: {  	p1 =	slt.u32 s9, $0xF7A;
	s5 =	simm.s32 @!p2 $0x0  }
0x1d: {  	s5 =	simm.s32 @p1 $0x1;
	p0 =	seq.s32 s7, s2  }
0x1e: {  	s7 =	smul.u32 @!p0 $0xF7A, s2;
	p2 =	seq.s32 @!p0 s5, $0x0  }
0x1f: {  	s9 =	smul.u32 $0xF7A, s1;
	s8 =	simm.s32 @!p0 $0x1BF5;
	p2 =	por !p2, p0  }
0x20: {  	[sflag:s8] =	ssyncset.s32 @!p0 $0xFFFFF086;
	s6 =	sadd.s32 @!p0 s3, s7;
	s7 =	simm.s32 @!p0 $0x108  }
0x21: {  	s3 =	sadd.s32 s3, s9;
	s6 =	sadd.s32 @!p0 $0x88, s6;
	s7 =	simm.s32 @p2 $0x1082  }
0x22: {  	[simem:s7], [sflag:s8] =	dma.local @!p0 [hbm:s6], $0xF7A  }
0x23: {  	s9 =	sor.u32 $0xD0000000, s2;
	s6 =	simm.s32 $0x108;
	_ =	swait.ge @!p0 [sflag:s8], $0x0  }
0x24: {  	s3 =	sadd.s32 $0x88, s3;
	s6 =	simm.s32 @!p1 $0x1082;
	[sflag:s4] =	ssyncset.s32 $0xFFFFF086  }
0x25: {  	[simem:s6], [sflag:s4] =	dma.local [hbm:s3], $0xF7A  }
0x26: {  	[smem:$0x3F9D] =	sst s1;
	(tag) =	ssettag s2;
	_ =	strace s9  }
0x27: {  	s1 =	sld [smem:$0x3FAD]  }
0x28: {  	s2 =	sld [smem:$0x3FAE]  }
0x29: {  	s4 =	sld [smem:$0x3FB0]  }
0x2a: {  	p0 =	seq.s32 s5, $0x0;
	s5 =	sld [smem:$0x3FB1]  }
0x2b: {  	s6 =	sld [smem:$0x3FB2]  }
0x2c: {  	s7 =	sld [smem:$0x3FB3]  }
0x2d: {  	s3 =	simm.s32 $0x108;
	s8 =	sld [smem:$0x3FB4]  }
0x2e: {  	s3 =	simm.s32 @!p0 $0x1082;
	s9 =	sld [smem:$0x3FB5]  }
0x2f: {  	lr =	sadd.s32 s0, s3;
	s0 =	sld [smem:$0x3FAC]  }
0x30: {  	s3 =	sld [smem:$0x3FAF]  }
0x31: {  	[smem:$0x3FB8] =	sst s10  }
0x32: {  	s10 =	sld [smem:$0x3FB6];
	_ =	sdelay $0x3  }
0x33: {  	p0 =	seq.s32 s10, $0x1;
	s10 =	sld [smem:$0x3FB8];
	_ =	sdelay $0x3  }
0x34: {  	[smem:$0x3FB8] =	sst s10  }
0x35: {  	s10 =	sld [smem:$0x3FB7];
	_ =	sdelay $0x3  }
0x36: {  	p1 =	seq.s32 s10, $0x1;
	s10 =	sld [smem:$0x3FB8];
	_ =	sdelay $0x3  }
0x37: {  	[smem:$0x3FB8] =	sst s10  }
0x38: {  	s10 =	sld [smem:$0x3FB9]  }
0x39: {  	_ = 	snop;
	(pc) =	sbr.ind lr, $3  }
0x3a: {  	_ = 	snop  }
0x3b: {  	_ = 	snop  }
0x3c: {  	p2 =	seq.s32 s10, $0x1;
	s10 =	sld [smem:$0x3FB8]  }
0x3d: {  	_ =	shalt  }
0x3e: {  	_ =	shalt  }
0x3f: {  	_ =	shalt  }
0x40: {  	_ =	shalt  }
0x41: {  	_ =	shalt  }
0x42: {  	_ =	shalt  }
0x43: {  	_ =	shalt  }
0x44: {  	_ =	shalt  }
0x45: {  	_ =	shalt  }
0x46: {  	_ =	shalt  }
0x47: {  	_ =	shalt  }
0x48: {  	_ =	shalt  }
0x49: {  	_ =	shalt  }
0x4a: {  	_ =	shalt  }
0x4b: {  	_ =	shalt  }
0x4c: {  	_ =	shalt  }
0x4d: {  	_ =	shalt  }
0x4e: {  	_ =	shalt  }
0x4f: {  	_ =	shalt  }
0x50: {  	_ =	shalt  }
0x51: {  	_ =	shalt  }
0x52: {  	_ =	shalt  }
0x53: {  	_ =	shalt  }
0x54: {  	_ =	shalt  }
0x55: {  	_ =	shalt  }
0x56: {  	_ =	shalt  }
0x57: {  	_ =	shalt  }
0x58: {  	_ =	shalt  }
0x59: {  	_ =	shalt  }
0x5a: {  	_ =	shalt  }
0x5b: {  	_ =	shalt  }
0x5c: {  	_ =	shalt  }
0x5d: {  	_ =	shalt  }
0x5e: {  	_ =	shalt  }
0x5f: {  	_ =	shalt  }
0x60: {  	_ =	shalt  }
0x61: {  	_ =	shalt  }
0x62: {  	_ =	shalt  }
0x63: {  	_ =	shalt  }
0x64: {  	_ =	shalt  }
0x65: {  	_ =	shalt  }
0x66: {  	_ =	shalt  }
0x67: {  	_ =	shalt  }
0x68: {  	_ =	shalt  }
0x69: {  	_ =	shalt  }
0x6a: {  	_ =	shalt  }
0x6b: {  	_ =	shalt  }
0x6c: {  	_ =	shalt  }
0x6d: {  	_ =	shalt  }
0x6e: {  	_ =	shalt  }
0x6f: {  	_ =	shalt  }
0x70: {  	_ =	shalt  }
0x71: {  	_ =	shalt  }
0x72: {  	_ =	shalt  }
0x73: {  	_ =	shalt  }
0x74: {  	_ =	shalt  }
0x75: {  	_ =	shalt  }
0x76: {  	_ =	shalt  }
0x77: {  	_ =	shalt  }
0x78: {  	_ =	shalt  }
0x79: {  	_ =	shalt  }
0x7a: {  	_ =	shalt  }
0x7b: {  	_ =	shalt  }
0x7c: {  	_ =	shalt  }
0x7d: {  	_ =	shalt  }
0x7e: {  	_ =	shalt  }
0x7f: {  	_ =	shalt  }
0x80: {  	_ =	shalt  }
0x81: {  	_ =	shalt  }
0x82: {  	_ =	shalt  }
0x83: {  	_ =	shalt  }
0x84: {  	_ =	shalt  }
0x85: {  	_ =	shalt  }
0x86: {  	_ =	shalt  }
0x87: {  	_ =	shalt  }
.Lfunc_end0:
.L_simem_size_0:
called_computation_lowered:
.L_overlay_start_0:
0x88: {  	s2 =	sld [smem:$0x3FD9]  }
0x89: {  	s3 =	sld [smem:$0x3FFE];
	_ =	sdelay $0x1  }
0x8a: {  	s1 =	srdreg.scid  }
0x8b: {  	s0 =	sand.u32 $0x1, s1  }
0x8c: {  	s17 =	sshll.u32 s0, $0xA;
	s2 =	sadd.s32 s3, s2  }
0x8d: {  	s2 =	sadd.s32 s2, s17  }
0x8e: {  	[smem:$0x3FC4] =	sst s2  }
0x8f: {  	_ = 	snop  }
0x90: {  	s2 =	sld [smem:$0x3FC7]  }
0x91: {  	s18 =	sld [smem:$0x3FD0];
	(tm) =	ssettm $0x1  }
0x92: {  	s4 =	sld [smem:$0x3FFB];
	_ =	sdelay $0x3  }
0x93: {  	_ =	strace s4  }
0x94: {  	s4 =	sld [smem:$0x3FFC];
	_ =	sdelay $0x3  }
0x95: {  	_ =	strace s4  }
0x96: {  	s4 =	sld [smem:$0x3FFD];
	_ =	sdelay $0x3  }
0x97: {  	_ =	strace s4  }
0x98: {  	_ =	strace $0x8FFFFFFF  }
0x99: {  	s19 =	sld [smem:$0x3FDB];
	_ =	sdelay $0x1  }
0x9a: {  	s5 =	simm.s32 $_scs_section_size  }
0x9b: {  	s6 =	simm.s32 $_size__tile_overlayer_lowered;
	s7 =	simm.s32 $_tile_overlayer_lowered  }
0x9c: {  	s22 =	simm.s32 $0x1BFF;
	s21 =	sshll.u32 s7, $0x1;
	s4 =	sadd.s32 s5, s19  }
0x9d: {  	s8 =	simm.s32 $0x0;
	s20 =	sshll.u32 s6, $0x1;
	s6 =	sadd.s32 s21, s4  }
0x9e: {  	[timem:s8], [sflag:s22] =	dma.local [hbm:s6], s20  }
0x9f: {  	_ =	swait.ge [sflag:s22], s20  }
0xa0: {  	s5 =	ssub.s32 $0x0, s20;
	[sflag:s22] =	ssyncset.done $0x0  }
0xa1: {  	[sflag:s22] =	ssyncadd.s32 s5;
	_ =	sdelay $0x1  }
0xa2: {  	s23 =	simm.s32 $0x1B8B  }
0xa3: {  	_ =	swait.ge [sflag:s23], $0x1  }
0xa4: {  	[sflag:s23] =	ssyncset.done $0x0  }
0xa5: {  	s25 =	simm.s32 $0x1B8E;
	s24 =	sld [smem:$0x3FFE];
	[sflag:s23] =	ssyncadd.s32 $0xFFFFFFFF  }
0xa6: {  	s26 =	simm.s32 $execute0_lowered;
	[smem:$0x3FD2] =	sst s25  }
0xa7: {  	s6 =	sshll.u32 s26, $0x1;
	_ =	strace $0x80000046;
	[dreg:$0x1] =	wrdreg $0xFFFFFFFF  }
0xa8: {  	s28 =	simm.s32 $_size_execute0_lowered;
	s4 =	sadd.s32 s4, s6;
	[dreg:$0x0] =	wrdreg $0x0  }
0xa9: {  	s6 =	sshll.u32 s28, $0x1;
	[dreg:$0x2] =	wrdreg s4  }
0xaa: {  	[dreg:$0x3] =	wrdreg s6  }
0xab: {  	[dreg:$0x4] =	wrdreg $0xC0  }
0xac: {  	_ =	task [dreg:s8], $0x5FFFF  }
0xad: {  	[dreg:$0x1] =	wrdreg $0xFFFFFFFF  }
0xae: {  	[dreg:$0x0] =	wrdreg $0x60  }
0xaf: {  	[dreg:$0x2] =	wrdreg s18  }
0xb0: {  	[dreg:$0x3] =	wrdreg s24  }
0xb1: {  	[dreg:$0x4] =	wrdreg s2  }
0xb2: {  	[dreg:$0x5] =	wrdreg $0x69800  }
0xb3: {  	[dreg:$0x6] =	wrdreg $0x9  }
0xb4: {  	_ =	task.clear_ibuf [dreg:s8], $0x7FFFF;
	_ =	strace $0x90000046  }
0xb5: {  	s29 =	simm.s32 $0x9;
	_ =	strace $0x80000048  }
0xb6: {  	_ =	swait.ge [sflag:s29], $0x1  }
0xb7: {  	[sflag:s29] =	ssyncadd.s32 $0xFFFFFFFF  }
0xb8: {  	_ =	strace $0x90000048  }
0xb9: {  	_ =	sfence  }
0xba: {  	s30 =	sld [smem:$0x0];
	_ =	sdelay $0x2  }
0xbb: {  	s31 =	sshll.u32 s1, $0xD;
	s1 =	sshrl.u32 s1, $0x2  }
0xbc: {  	s3 =	sand.u32 $0x4000, s31;
	s1 =	sadd.s32 s1, s30  }
0xbd: {  	s0 =	sor.u32 s3, s0;
	s1 =	sshll.u32 s1, $0x11  }
0xbe: {  	s0 =	sor.u32 s1, s0  }
0xbf: {  	s0 =	sadd.s32 $0x8F2B, s0  }
0xc0: {  	[sflag:s0] =	ssyncadd.remote.s32 $0x1  }
0xc1: {  	_ =	sfence.sel $0xFFFF  }
0xc2: {  	[dreg:$0x0] =	wrdreg $0xFFFFFFFF;
	(pc) =	sbr.abs _section_cstart, $3  }
0xc3: {  	[dreg:$0x1] =	wrdreg $0xFFFFFFFF  }
0xc4: {  	_ =	task.clear_ibuf [dreg:s8], $0x2FFFF;
	_ =	strace $0x9FFFFFFF  }
0xc5: {  	(tm) =	ssettm $0x7FFFFFFF  }
tec
execute0_lowered:
.L_overlay_start_1:
0x0: {  	(tag) =	ssettag $0x1  }
0x1: {  	s1 =	rddreg [dreg:$0x0]  }
0x2: {  	s8 =	rddreg [dreg:$0x1]  }
0x3: {  	s2 =	rddreg [dreg:$0x2]  }
0x4: {  	s3 =	rddreg [dreg:$0x3]  }
0x5: {  	s0 =	rddreg [dreg:$0x4]  }
0x6: {  	s5 =	simm.s32 $0x0;
	s6 =	srdreg.scid;
	s4 =	stileid.u32  }
0x7: {  	s23 =	simm.s32 $0x100;
	s24 =	simm.s32 $0x50;
	s25 =	simm.s32 $0x180  }
0x8: {  	s26 =	simm.s32 $0x1;
	[smem:$0x7FF] =	sst s5;
	s9 =	sand.u32 $0x1, s6  }
0x9: {  	s6 =	sadd.s32 $0xA200, s8;
	s11 =	smul.u32 $0x50000, s4;
	s7 =	sadd.s32 $0x400, s8  }
0xa: {  	s18 =	sadd.s32 $0x14000, s8;
	s12 =	sshll.u32 s4, $0x1;
	s13 =	smul.u32 $0x14000, s4  }
0xb: {  	_ =	strace $0x80000047;
	s10 =	ssub.s32 $0x2, s9;
	s14 =	sor.u32 s9, s12  }
0xc: {  	s17 =	smul.u32 $0x140000, s9;
	s30 =	sshrl.u32 s10, $0x1;
	s11 =	sshrl.u32 s11, $0x2  }
0xd: {  	s15 =	sadd.s32 $0x4000, s13;
	s16 =	sadd.s32 $0x8000, s13;
	s20 =	sadd.s32 $0xC000, s13  }
0xe: {  	s21 =	sadd.s32 $0x10000, s13;
	s19 =	ssub.s32 s10, s30;
	s8 =	sadd.s32 s11, s3  }
0xf: {  	s9 =	sadd.s32 s15, s3;
	s10 =	sadd.s32 s16, s3;
	s11 =	sadd.s32 s20, s3  }
0x10: {  	s13 =	sadd.s32 s13, s17;
	s12 =	sadd.s32 s21, s3;
	s15 =	sadd.s32 s17, s15  }
0x11: {  	v0 =	vimm.f32 $0.0e+00;
	v1 =	vimm.s32 $0x0;
	s16 =	sadd.s32 s17, s16;
	s20 =	sadd.s32 s17, s20;
	s21 =	sadd.s32 s17, s21  }
0x12: {  	v2 =	vimm.s32 $0x1;
	v3 =	vimm.s32 $0x2;
	v4 =	vimm.s32 $0x3;
	s22 =	sshrl.u32 s13, $0x3;
	s13 =	smul.u32 $0x2710, s14;
	s15 =	sshrl.u32 s15, $0x3  }
0x13: {  	v5 =	vimm.s32 $0x4;
	v6 =	vimm.s32 $0x5;
	v7 =	vimm.s32 $0x6;
	s16 =	sshrl.u32 s16, $0x3;
	s20 =	sshrl.u32 s20, $0x3;
	s31 =	sshrl.u32 s21, $0x3  }
0x14: {  	v8 =	vimm.s32 $0x7;
	v9 =	vimm.s32 $0x8;
	v10 =	vimm.s32 $0x9;
	s19 =	smax.u32 s19, $0x1;
	s21 =	simm.s32 $0x2;
	s14 =	sadd.s32 s18, s22  }
0x15: {  	v11 =	vimm.s32 $0xA;
	v12 =	vimm.s32 $0xB;
	v13 =	vimm.s32 $0xC;
	s15 =	sadd.s32 s18, s15;
	s16 =	sadd.s32 s18, s16;
	s17 =	sadd.s32 s18, s20  }
0x16: {  	v14 =	vimm.s32 $0xD;
	v15 =	vimm.s32 $0xE;
	v16 =	vimm.s32 $0xF;
	s18 =	sadd.s32 s18, s31;
	s20 =	simm.s32 $0x2980;
	s22 =	simm.s32 $0x80  }
.LBB2_1:
0x17: {  	s28 =	simm.s32 $0x0;
	s29 =	simm.s32 $0x200  }
.LBB2_2:
0x18: {  	p0 =	sne.s32 s29, $0xFE00;
	[tilespmem:s28+$0x29F0] =	vst v0  }
0x19: {  	[tilespmem:s28+$0x2980] =	vst v0  }
0x1a: {  	[tilespmem:s28+$0x2990] =	vst v0  }
.Ltmp0:
0x1b: {  	[tilespmem:s28+$0x29A0] =	vst v0;
	(pc) =	sbr.rel @p0 .LBB2_2-.Ltmp0, $4  }
0x1c: {  	[tilespmem:s28+$0x29B0] =	vst v0  }
0x1d: {  	[tilespmem:s28+$0x29C0] =	vst v0  }
0x1e: {  	[tilespmem:s28+$0x29D0] =	vst v0  }
0x1f: {  	[tilespmem:s28+$0x29E0] =	vst v0;
	s28 =	sshra.s32 s29, $0x2;
	s29 =	sadd.s32 $0x200, s29  }
0x20: {  	[tilespmem:s28+$0x29F0] =	vst v0  }
0x21: {  	[tilespmem:s28+$0x2980] =	vst v0  }
0x22: {  	[tilespmem:s28+$0x2990] =	vst v0  }
0x23: {  	[tilespmem:s28+$0x29A0] =	vst v0  }
0x24: {  	[tilespmem:s28+$0x29B0] =	vst v0  }
0x25: {  	[tilespmem:s28+$0x29C0] =	vst v0  }
0x26: {  	[tilespmem:s28+$0x29D0] =	vst v0  }
0x27: {  	[tilespmem:s28+$0x29E0] =	vst v0  }
0x28: {  	[spmem:s8] =	stream.linear.scatter [tilespmem:s20], [sflag:$0x2], $0x4000, $0x38;
	[tilespmem:$0x1A980] =	vst v63  }
0x29: {  	_ =	swait.ge [sflag:s21], $0x4000  }
0x2a: {  	[sflag:s21] =	ssyncset.done $0x0  }
0x2b: {  	[sflag:s21] =	ssyncadd.s32 $0xFFFFC000  }
0x2c: {  	[spmem:s9] =	stream.linear.scatter [tilespmem:s20], [sflag:$0x2], $0x4000, $0x38;
	[tilespmem:$0x1A980] =	vst v63  }
0x2d: {  	_ =	swait.ge [sflag:s21], $0x4000  }
0x2e: {  	[sflag:s21] =	ssyncset.done $0x0  }
0x2f: {  	[sflag:s21] =	ssyncadd.s32 $0xFFFFC000  }
0x30: {  	[spmem:s10] =	stream.linear.scatter [tilespmem:s20], [sflag:$0x2], $0x4000, $0x38;
	[tilespmem:$0x1A980] =	vst v63  }
0x31: {  	_ =	swait.ge [sflag:s21], $0x4000  }
0x32: {  	[sflag:s21] =	ssyncset.done $0x0  }
0x33: {  	[sflag:s21] =	ssyncadd.s32 $0xFFFFC000  }
0x34: {  	[spmem:s11] =	stream.linear.scatter [tilespmem:s20], [sflag:$0x2], $0x4000, $0x38;
	[tilespmem:$0x1A980] =	vst v63  }
0x35: {  	_ =	swait.ge [sflag:s21], $0x4000  }
0x36: {  	[sflag:s21] =	ssyncset.done $0x0  }
0x37: {  	[sflag:s21] =	ssyncadd.s32 $0xFFFFC000  }
0x38: {  	[spmem:s12] =	stream.linear.scatter [tilespmem:s20], [sflag:$0x2], $0x4000, $0x38;
	[tilespmem:$0x1A980] =	vst v63  }
0x39: {  	_ =	swait.ge [sflag:s21], $0x4000  }
0x3a: {  	[sflag:s21] =	ssyncset.done $0x0  }
0x3b: {  	[sflag:s21] =	ssyncadd.s32 $0xFFFFC000  }
0x3c: {  	s28 =	simm.s32 $0x0;
	s29 =	simm.s32 $0x0;
	[bflag:$0x0] =	sbarrier.arrive $0xFFFF  }
.LBB2_4:
0x3d: {  	s30 =	smul.u32 $0x50, s29;
	_ =	sdelay $0x1  }
0x3e: {  	s30 =	sadd.s32 s13, s30  }
0x3f: {  	s30 =	sshrl.u32 s30, $0x3  }
0x40: {  	s31 =	sadd.s32 s6, s30  }
0x41: {  	[tilespmem:s28], [sflag:$0x2] =	stream.linear.gather [hbm4b:s31+s28], $0x50, $0x38;
	[tilespmem:$0x1A980] =	vst v63  }
0x42: {  	_ =	swait.ge [sflag:s21], $0x50  }
0x43: {  	[sflag:s21] =	ssyncset.done $0x0  }
0x44: {  	s31 =	sadd.s32 s7, s30;
	[sflag:s21] =	ssyncadd.s32 $0xFFFFFFB0  }
0x45: {  	[tilespmem:s22], [sflag:$0x2] =	stream.linear.gather [hbm4b:s31+s28], $0x50, $0x38;
	[tilespmem:$0x1A980] =	vst v63  }
0x46: {  	_ =	swait.ge [sflag:s21], $0x50  }
0x47: {  	[sflag:s21] =	ssyncset.done $0x0  }
0x48: {  	s30 =	sadd.s32 s2, s30;
	[sflag:s21] =	ssyncadd.s32 $0xFFFFFFB0  }
0x49: {  	[tilespmem:s23], [sflag:$0x2] =	stream.linear.gather [hbm4b:s30+s28], $0x50, $0x38;
	[tilespmem:$0x1A980] =	vst v63  }
0x4a: {  	_ =	swait.ge [sflag:s21], $0x50  }
0x4b: {  	[sflag:s21] =	ssyncset.done $0x0  }
0x4c: {  	[sflag:s21] =	ssyncadd.s32 $0xFFFFFFB0  }
0x4d: {  	[tilespmem:s25], [sflag:$0x1] =	stream.indirect.gather [hbm4b:s1+s24], $0x80, s28, s24, $0xb8;
	[tilespmem:$0x1A980] =	vst v63  }
0x4e: {  	_ =	swait.ge [sflag:s26], $0x2800  }
0x4f: {  	[sflag:s26] =	ssyncset.done $0x0  }
0x50: {  	s30 =	simm.s32 $0x0;
	[sflag:s26] =	ssyncadd.s32 $0xFFFFD800  }
.LBB2_5:
0x51: {  	s31 =	sshll.u32 s30, $0x4  }
0x52: {  	s31 =	sand.u32 $0x3FFFFFF0, s31  }
0x53: {  	v17 =	vld [tilespmem:s31+$0x100];
	s31 =	sshll.u32 s30, $0xB  }
0x54: {  	s31 =	sand.u32 $0x3FFFF800, s31  }
0x55: {  	v18 =	vld [tilespmem:s31+$0x180]  }
0x56: {  	v19 =	vld [tilespmem:s31+$0x190]  }
0x57: {  	v20 =	vld [tilespmem:s31+$0x1A0]  }
0x58: {  	v22 =	vld [tilespmem:s31+$0x1B0];
	v21 =	vperm.xlane v17, v1  }
0x59: {  	v23 =	vld [tilespmem:s31+$0x1C0]  }
0x5a: {  	v24 =	vld [tilespmem:s31+$0x1D0];
	v18 =	vmul.f32 v18, v21  }
0x5b: {  	v25 =	vld [tilespmem:s31+$0x1E0];
	v19 =	vmul.f32 v19, v21  }
0x5c: {  	v38 =	vld [tilespmem:s31+$0x1F0];
	[tilespmem:s31+$0x180] =	vst v18;
	v18 =	vmul.f32 v20, v21  }
0x5d: {  	v39 =	vld [tilespmem:s31+$0x200];
	[tilespmem:s31+$0x190] =	vst v19;
	v19 =	vmul.f32 v22, v21  }
0x5e: {  	v40 =	vld [tilespmem:s31+$0x210];
	[tilespmem:s31+$0x1A0] =	vst v18;
	v18 =	vmul.f32 v23, v21  }
0x5f: {  	v41 =	vld [tilespmem:s31+$0x220];
	[tilespmem:s31+$0x1B0] =	vst v19;
	v19 =	vmul.f32 v24, v21  }
0x60: {  	v26 =	vld [tilespmem:s31+$0x230];
	v42 =	vperm.xlane v17, v2;
	[tilespmem:s31+$0x1C0] =	vst v18;
	v18 =	vmul.f32 v25, v21  }
0x61: {  	v43 =	vld [tilespmem:s31+$0x240];
	[tilespmem:s31+$0x1D0] =	vst v19;
	v19 =	vmul.f32 v38, v21  }
0x62: {  	v44 =	vld [tilespmem:s31+$0x250];
	[tilespmem:s31+$0x1E0] =	vst v18;
	v18 =	vmul.f32 v39, v42  }
0x63: {  	v45 =	vld [tilespmem:s31+$0x260];
	[tilespmem:s31+$0x1F0] =	vst v19;
	v19 =	vmul.f32 v40, v42  }
0x64: {  	v46 =	vld [tilespmem:s31+$0x270];
	[tilespmem:s31+$0x200] =	vst v18;
	v18 =	vmul.f32 v41, v42  }
0x65: {  	v47 =	vld [tilespmem:s31+$0x280];
	[tilespmem:s31+$0x210] =	vst v19;
	v19 =	vmul.f32 v26, v42  }
0x66: {  	v48 =	vld [tilespmem:s31+$0x290];
	[tilespmem:s31+$0x220] =	vst v18;
	v18 =	vmul.f32 v43, v42  }
0x67: {  	v49 =	vld [tilespmem:s31+$0x2A0];
	[tilespmem:s31+$0x230] =	vst v19;
	v19 =	vmul.f32 v44, v42  }
0x68: {  	v51 =	vld [tilespmem:s31+$0x2B0];
	v50 =	vperm.xlane v17, v3;
	[tilespmem:s31+$0x240] =	vst v18;
	v18 =	vmul.f32 v45, v42  }
0x69: {  	v52 =	vld [tilespmem:s31+$0x2C0];
	[tilespmem:s31+$0x250] =	vst v19;
	v19 =	vmul.f32 v46, v42  }
0x6a: {  	v53 =	vld [tilespmem:s31+$0x2D0];
	[tilespmem:s31+$0x260] =	vst v18;
	v18 =	vmul.f32 v47, v50  }
0x6b: {  	v54 =	vld [tilespmem:s31+$0x2E0];
	[tilespmem:s31+$0x270] =	vst v19;
	v19 =	vmul.f32 v48, v50  }
0x6c: {  	v55 =	vld [tilespmem:s31+$0x2F0];
	[tilespmem:s31+$0x280] =	vst v18;
	v18 =	vmul.f32 v49, v50  }
0x6d: {  	v56 =	vld [tilespmem:s31+$0x300];
	[tilespmem:s31+$0x290] =	vst v19;
	v19 =	vmul.f32 v51, v50  }
0x6e: {  	v57 =	vld [tilespmem:s31+$0x310];
	[tilespmem:s31+$0x2A0] =	vst v18;
	v18 =	vmul.f32 v52, v50  }
0x6f: {  	v58 =	vld [tilespmem:s31+$0x320];
	[tilespmem:s31+$0x2B0] =	vst v19;
	v19 =	vmul.f32 v53, v50  }
0x70: {  	v60 =	vld [tilespmem:s31+$0x330];
	v59 =	vperm.xlane v17, v4;
	[tilespmem:s31+$0x2C0] =	vst v18;
	v18 =	vmul.f32 v54, v50  }
0x71: {  	v61 =	vld [tilespmem:s31+$0x340];
	[tilespmem:s31+$0x2D0] =	vst v19;
	v19 =	vmul.f32 v55, v50  }
0x72: {  	v62 =	vld [tilespmem:s31+$0x350];
	[tilespmem:s31+$0x2E0] =	vst v18;
	v18 =	vmul.f32 v56, v59  }
0x73: {  	v63 =	vld [tilespmem:s31+$0x360];
	[tilespmem:s31+$0x2F0] =	vst v19;
	v19 =	vmul.f32 v57, v59  }
0x74: {  	v28 =	vld [tilespmem:s31+$0x370];
	[tilespmem:s31+$0x300] =	vst v18;
	v18 =	vmul.f32 v58, v59  }
0x75: {  	v29 =	vld [tilespmem:s31+$0x380];
	[tilespmem:s31+$0x310] =	vst v19;
	v19 =	vmul.f32 v60, v59  }
0x76: {  	v30 =	vld [tilespmem:s31+$0x390];
	[tilespmem:s31+$0x320] =	vst v18;
	v18 =	vmul.f32 v61, v59  }
0x77: {  	v31 =	vld [tilespmem:s31+$0x3A0];
	[tilespmem:s31+$0x330] =	vst v19;
	v19 =	vmul.f32 v62, v59  }
0x78: {  	v33 =	vld [tilespmem:s31+$0x3B0];
	v32 =	vperm.xlane v17, v5;
	[tilespmem:s31+$0x340] =	vst v18;
	v18 =	vmul.f32 v63, v59  }
0x79: {  	v34 =	vld [tilespmem:s31+$0x3C0];
	[tilespmem:s31+$0x350] =	vst v19;
	v19 =	vmul.f32 v28, v59  }
0x7a: {  	v35 =	vld [tilespmem:s31+$0x3D0];
	[tilespmem:s31+$0x360] =	vst v18;
	v18 =	vmul.f32 v29, v32  }
0x7b: {  	v36 =	vld [tilespmem:s31+$0x3E0];
	[tilespmem:s31+$0x370] =	vst v19;
	v19 =	vmul.f32 v30, v32  }
0x7c: {  	v37 =	vld [tilespmem:s31+$0x3F0];
	[tilespmem:s31+$0x380] =	vst v18;
	v18 =	vmul.f32 v31, v32  }
0x7d: {  	v38 =	vld [tilespmem:s31+$0x400];
	[tilespmem:s31+$0x390] =	vst v19;
	v19 =	vmul.f32 v33, v32  }
0x7e: {  	v39 =	vld [tilespmem:s31+$0x410];
	[tilespmem:s31+$0x3A0] =	vst v18;
	v18 =	vmul.f32 v34, v32  }
0x7f: {  	v40 =	vld [tilespmem:s31+$0x420];
	[tilespmem:s31+$0x3B0] =	vst v19;
	v19 =	vmul.f32 v35, v32  }
0x80: {  	v41 =	vperm.xlane v17, v6;
	v42 =	vld [tilespmem:s31+$0x430];
	[tilespmem:s31+$0x3C0] =	vst v18;
	v18 =	vmul.f32 v36, v32  }
0x81: {  	v43 =	vld [tilespmem:s31+$0x440];
	[tilespmem:s31+$0x3D0] =	vst v19;
	v19 =	vmul.f32 v37, v32  }
0x82: {  	v44 =	vld [tilespmem:s31+$0x450];
	[tilespmem:s31+$0x3E0] =	vst v18;
	v18 =	vmul.f32 v38, v41  }
0x83: {  	v45 =	vld [tilespmem:s31+$0x460];
	[tilespmem:s31+$0x3F0] =	vst v19;
	v19 =	vmul.f32 v39, v41  }
0x84: {  	v46 =	vld [tilespmem:s31+$0x470];
	[tilespmem:s31+$0x400] =	vst v18;
	v18 =	vmul.f32 v40, v41  }
0x85: {  	v47 =	vld [tilespmem:s31+$0x480];
	[tilespmem:s31+$0x410] =	vst v19;
	v19 =	vmul.f32 v42, v41  }
0x86: {  	v48 =	vld [tilespmem:s31+$0x490];
	[tilespmem:s31+$0x420] =	vst v18;
	v18 =	vmul.f32 v43, v41  }
0x87: {  	v49 =	vld [tilespmem:s31+$0x4A0];
	[tilespmem:s31+$0x430] =	vst v19;
	v19 =	vmul.f32 v44, v41  }
0x88: {  	v51 =	vld [tilespmem:s31+$0x4B0];
	v50 =	vperm.xlane v17, v7;
	[tilespmem:s31+$0x440] =	vst v18;
	v18 =	vmul.f32 v45, v41  }
0x89: {  	v52 =	vld [tilespmem:s31+$0x4C0];
	[tilespmem:s31+$0x450] =	vst v19;
	v19 =	vmul.f32 v46, v41  }
0x8a: {  	v53 =	vld [tilespmem:s31+$0x4D0];
	[tilespmem:s31+$0x460] =	vst v18;
	v18 =	vmul.f32 v47, v50  }
0x8b: {  	v54 =	vld [tilespmem:s31+$0x4E0];
	[tilespmem:s31+$0x470] =	vst v19;
	v19 =	vmul.f32 v48, v50  }
0x8c: {  	v55 =	vld [tilespmem:s31+$0x4F0];
	[tilespmem:s31+$0x480] =	vst v18;
	v18 =	vmul.f32 v49, v50  }
0x8d: {  	v56 =	vld [tilespmem:s31+$0x500];
	[tilespmem:s31+$0x490] =	vst v19;
	v19 =	vmul.f32 v51, v50  }
0x8e: {  	v57 =	vld [tilespmem:s31+$0x510];
	[tilespmem:s31+$0x4A0] =	vst v18;
	v18 =	vmul.f32 v52, v50  }
0x8f: {  	v58 =	vld [tilespmem:s31+$0x520];
	[tilespmem:s31+$0x4B0] =	vst v19;
	v19 =	vmul.f32 v53, v50  }
0x90: {  	v60 =	vld [tilespmem:s31+$0x530];
	v59 =	vperm.xlane v17, v8;
	[tilespmem:s31+$0x4C0] =	vst v18;
	v18 =	vmul.f32 v54, v50  }
0x91: {  	v61 =	vld [tilespmem:s31+$0x540];
	[tilespmem:s31+$0x4D0] =	vst v19;
	v19 =	vmul.f32 v55, v50  }
0x92: {  	v62 =	vld [tilespmem:s31+$0x550];
	[tilespmem:s31+$0x4E0] =	vst v18;
	v18 =	vmul.f32 v56, v59  }
0x93: {  	v63 =	vld [tilespmem:s31+$0x560];
	[tilespmem:s31+$0x4F0] =	vst v19;
	v19 =	vmul.f32 v57, v59  }
0x94: {  	v28 =	vld [tilespmem:s31+$0x570];
	[tilespmem:s31+$0x500] =	vst v18;
	v18 =	vmul.f32 v58, v59  }
0x95: {  	v29 =	vld [tilespmem:s31+$0x580];
	[tilespmem:s31+$0x510] =	vst v19;
	v19 =	vmul.f32 v60, v59  }
0x96: {  	v30 =	vld [tilespmem:s31+$0x590];
	[tilespmem:s31+$0x520] =	vst v18;
	v18 =	vmul.f32 v61, v59  }
0x97: {  	v31 =	vld [tilespmem:s31+$0x5A0];
	[tilespmem:s31+$0x530] =	vst v19;
	v19 =	vmul.f32 v62, v59  }
0x98: {  	v33 =	vld [tilespmem:s31+$0x5B0];
	v32 =	vperm.xlane v17, v9;
	[tilespmem:s31+$0x540] =	vst v18;
	v18 =	vmul.f32 v63, v59  }
0x99: {  	v34 =	vld [tilespmem:s31+$0x5C0];
	[tilespmem:s31+$0x550] =	vst v19;
	v19 =	vmul.f32 v28, v59  }
0x9a: {  	v35 =	vld [tilespmem:s31+$0x5D0];
	[tilespmem:s31+$0x560] =	vst v18;
	v18 =	vmul.f32 v29, v32  }
0x9b: {  	v36 =	vld [tilespmem:s31+$0x5E0];
	[tilespmem:s31+$0x570] =	vst v19;
	v19 =	vmul.f32 v30, v32  }
0x9c: {  	v37 =	vld [tilespmem:s31+$0x5F0];
	[tilespmem:s31+$0x580] =	vst v18;
	v18 =	vmul.f32 v31, v32  }
0x9d: {  	v38 =	vld [tilespmem:s31+$0x600];
	[tilespmem:s31+$0x590] =	vst v19;
	v19 =	vmul.f32 v33, v32  }
0x9e: {  	v39 =	vld [tilespmem:s31+$0x610];
	[tilespmem:s31+$0x5A0] =	vst v18;
	v18 =	vmul.f32 v34, v32  }
0x9f: {  	v40 =	vld [tilespmem:s31+$0x620];
	[tilespmem:s31+$0x5B0] =	vst v19;
	v19 =	vmul.f32 v35, v32  }
0xa0: {  	v42 =	vld [tilespmem:s31+$0x630];
	v41 =	vperm.xlane v17, v10;
	[tilespmem:s31+$0x5C0] =	vst v18;
	v18 =	vmul.f32 v36, v32  }
0xa1: {  	v43 =	vld [tilespmem:s31+$0x640];
	[tilespmem:s31+$0x5D0] =	vst v19;
	v19 =	vmul.f32 v37, v32  }
0xa2: {  	v44 =	vld [tilespmem:s31+$0x650];
	[tilespmem:s31+$0x5E0] =	vst v18;
	v18 =	vmul.f32 v38, v41  }
0xa3: {  	v45 =	vld [tilespmem:s31+$0x660];
	[tilespmem:s31+$0x5F0] =	vst v19;
	v19 =	vmul.f32 v39, v41  }
0xa4: {  	v46 =	vld [tilespmem:s31+$0x670];
	[tilespmem:s31+$0x600] =	vst v18;
	v18 =	vmul.f32 v40, v41  }
0xa5: {  	v47 =	vld [tilespmem:s31+$0x680];
	[tilespmem:s31+$0x610] =	vst v19;
	v19 =	vmul.f32 v42, v41  }
0xa6: {  	v48 =	vld [tilespmem:s31+$0x690];
	[tilespmem:s31+$0x620] =	vst v18;
	v18 =	vmul.f32 v43, v41  }
0xa7: {  	v49 =	vld [tilespmem:s31+$0x6A0];
	[tilespmem:s31+$0x630] =	vst v19;
	v19 =	vmul.f32 v44, v41  }
0xa8: {  	v51 =	vld [tilespmem:s31+$0x6B0];
	v50 =	vperm.xlane v17, v11;
	[tilespmem:s31+$0x640] =	vst v18;
	v18 =	vmul.f32 v45, v41  }
0xa9: {  	v52 =	vld [tilespmem:s31+$0x6C0];
	[tilespmem:s31+$0x650] =	vst v19;
	v19 =	vmul.f32 v46, v41  }
0xaa: {  	v53 =	vld [tilespmem:s31+$0x6D0];
	[tilespmem:s31+$0x660] =	vst v18;
	v18 =	vmul.f32 v47, v50  }
0xab: {  	v54 =	vld [tilespmem:s31+$0x6E0];
	[tilespmem:s31+$0x670] =	vst v19;
	v19 =	vmul.f32 v48, v50  }
0xac: {  	v55 =	vld [tilespmem:s31+$0x6F0];
	[tilespmem:s31+$0x680] =	vst v18;
	v18 =	vmul.f32 v49, v50  }
0xad: {  	v56 =	vld [tilespmem:s31+$0x700];
	[tilespmem:s31+$0x690] =	vst v19;
	v19 =	vmul.f32 v51, v50  }
0xae: {  	v57 =	vld [tilespmem:s31+$0x710];
	[tilespmem:s31+$0x6A0] =	vst v18;
	v18 =	vmul.f32 v52, v50  }
0xaf: {  	v58 =	vld [tilespmem:s31+$0x720];
	[tilespmem:s31+$0x6B0] =	vst v19;
	v19 =	vmul.f32 v53, v50  }
0xb0: {  	v60 =	vld [tilespmem:s31+$0x730];
	v59 =	vperm.xlane v17, v12;
	[tilespmem:s31+$0x6C0] =	vst v18;
	v18 =	vmul.f32 v54, v50  }
0xb1: {  	v61 =	vld [tilespmem:s31+$0x740];
	[tilespmem:s31+$0x6D0] =	vst v19;
	v19 =	vmul.f32 v55, v50  }
0xb2: {  	v62 =	vld [tilespmem:s31+$0x750];
	[tilespmem:s31+$0x6E0] =	vst v18;
	v18 =	vmul.f32 v56, v59  }
0xb3: {  	v63 =	vld [tilespmem:s31+$0x760];
	[tilespmem:s31+$0x6F0] =	vst v19;
	v19 =	vmul.f32 v57, v59  }
0xb4: {  	v28 =	vld [tilespmem:s31+$0x770];
	[tilespmem:s31+$0x700] =	vst v18;
	v18 =	vmul.f32 v58, v59  }
0xb5: {  	v29 =	vld [tilespmem:s31+$0x780];
	[tilespmem:s31+$0x710] =	vst v19;
	v19 =	vmul.f32 v60, v59  }
0xb6: {  	v30 =	vld [tilespmem:s31+$0x790];
	[tilespmem:s31+$0x720] =	vst v18;
	v18 =	vmul.f32 v61, v59  }
0xb7: {  	v31 =	vld [tilespmem:s31+$0x7A0];
	[tilespmem:s31+$0x730] =	vst v19;
	v19 =	vmul.f32 v62, v59  }
0xb8: {  	v33 =	vld [tilespmem:s31+$0x7B0];
	v32 =	vperm.xlane v17, v13;
	[tilespmem:s31+$0x740] =	vst v18;
	v18 =	vmul.f32 v63, v59  }
0xb9: {  	v34 =	vld [tilespmem:s31+$0x7C0];
	[tilespmem:s31+$0x750] =	vst v19;
	v19 =	vmul.f32 v28, v59  }
0xba: {  	v35 =	vld [tilespmem:s31+$0x7D0];
	[tilespmem:s31+$0x760] =	vst v18;
	v18 =	vmul.f32 v29, v32  }
0xbb: {  	v36 =	vld [tilespmem:s31+$0x7E0];
	[tilespmem:s31+$0x770] =	vst v19;
	v19 =	vmul.f32 v30, v32  }
0xbc: {  	v37 =	vld [tilespmem:s31+$0x7F0];
	[tilespmem:s31+$0x780] =	vst v18;
	v18 =	vmul.f32 v31, v32  }
0xbd: {  	v38 =	vld [tilespmem:s31+$0x800];
	[tilespmem:s31+$0x790] =	vst v19;
	v19 =	vmul.f32 v33, v32  }
0xbe: {  	v39 =	vld [tilespmem:s31+$0x810];
	[tilespmem:s31+$0x7A0] =	vst v18;
	v18 =	vmul.f32 v34, v32  }
0xbf: {  	v40 =	vld [tilespmem:s31+$0x820];
	[tilespmem:s31+$0x7B0] =	vst v19;
	v19 =	vmul.f32 v35, v32  }
0xc0: {  	v42 =	vld [tilespmem:s31+$0x830];
	v41 =	vperm.xlane v17, v14;
	[tilespmem:s31+$0x7C0] =	vst v18;
	v18 =	vmul.f32 v36, v32  }
0xc1: {  	v43 =	vld [tilespmem:s31+$0x840];
	[tilespmem:s31+$0x7D0] =	vst v19;
	v19 =	vmul.f32 v37, v32  }
0xc2: {  	v44 =	vld [tilespmem:s31+$0x850];
	[tilespmem:s31+$0x7E0] =	vst v18;
	v18 =	vmul.f32 v38, v41  }
0xc3: {  	v45 =	vld [tilespmem:s31+$0x860];
	[tilespmem:s31+$0x7F0] =	vst v19;
	v19 =	vmul.f32 v39, v41  }
0xc4: {  	v46 =	vld [tilespmem:s31+$0x870];
	[tilespmem:s31+$0x800] =	vst v18;
	v18 =	vmul.f32 v40, v41  }
0xc5: {  	v47 =	vld [tilespmem:s31+$0x880];
	[tilespmem:s31+$0x810] =	vst v19;
	v19 =	vmul.f32 v42, v41  }
0xc6: {  	v48 =	vld [tilespmem:s31+$0x890];
	[tilespmem:s31+$0x820] =	vst v18;
	v18 =	vmul.f32 v43, v41  }
0xc7: {  	v49 =	vld [tilespmem:s31+$0x8A0];
	[tilespmem:s31+$0x830] =	vst v19;
	v19 =	vmul.f32 v44, v41  }
0xc8: {  	v51 =	vld [tilespmem:s31+$0x8B0];
	v50 =	vperm.xlane v17, v15;
	[tilespmem:s31+$0x840] =	vst v18;
	v18 =	vmul.f32 v45, v41  }
0xc9: {  	v52 =	vld [tilespmem:s31+$0x8C0];
	[tilespmem:s31+$0x850] =	vst v19;
	v19 =	vmul.f32 v46, v41  }
0xca: {  	v53 =	vld [tilespmem:s31+$0x8D0];
	[tilespmem:s31+$0x860] =	vst v18;
	v18 =	vmul.f32 v47, v50  }
0xcb: {  	v54 =	vld [tilespmem:s31+$0x8E0];
	[tilespmem:s31+$0x870] =	vst v19;
	v19 =	vmul.f32 v48, v50  }
0xcc: {  	v55 =	vld [tilespmem:s31+$0x8F0];
	[tilespmem:s31+$0x880] =	vst v18;
	v18 =	vmul.f32 v49, v50  }
0xcd: {  	v56 =	vld [tilespmem:s31+$0x900];
	[tilespmem:s31+$0x890] =	vst v19;
	v19 =	vmul.f32 v51, v50  }
0xce: {  	v57 =	vld [tilespmem:s31+$0x910];
	[tilespmem:s31+$0x8A0] =	vst v18;
	v18 =	vmul.f32 v52, v50  }
0xcf: {  	v58 =	vld [tilespmem:s31+$0x920];
	[tilespmem:s31+$0x8B0] =	vst v19;
	v19 =	vmul.f32 v53, v50  }
0xd0: {  	v17 =	vperm.xlane v17, v16;
	v59 =	vld [tilespmem:s31+$0x930];
	[tilespmem:s31+$0x8C0] =	vst v18;
	v18 =	vmul.f32 v54, v50  }
0xd1: {  	v60 =	vld [tilespmem:s31+$0x940];
	[tilespmem:s31+$0x8D0] =	vst v19;
	v19 =	vmul.f32 v55, v50  }
0xd2: {  	v61 =	vld [tilespmem:s31+$0x950];
	[tilespmem:s31+$0x8E0] =	vst v18;
	v18 =	vmul.f32 v56, v17  }
0xd3: {  	v62 =	vld [tilespmem:s31+$0x960];
	[tilespmem:s31+$0x8F0] =	vst v19;
	v19 =	vmul.f32 v57, v17  }
0xd4: {  	v63 =	vld [tilespmem:s31+$0x970];
	[tilespmem:s31+$0x900] =	vst v18;
	v18 =	vmul.f32 v58, v17  }
0xd5: {  	[tilespmem:s31+$0x910] =	vst v19;
	v19 =	vmul.f32 v59, v17  }
0xd6: {  	p0 =	sne.s32 s30, $0x4;
	[tilespmem:s31+$0x920] =	vst v18;
	v18 =	vmul.f32 v60, v17  }
.Ltmp1:
0xd7: {  	[tilespmem:s31+$0x930] =	vst v19;
	v19 =	vmul.f32 v61, v17;
	(pc) =	sbr.rel @p0 .LBB2_5-.Ltmp1, $4  }
0xd8: {  	[tilespmem:s31+$0x940] =	vst v18;
	v18 =	vmul.f32 v62, v17  }
0xd9: {  	[tilespmem:s31+$0x950] =	vst v19;
	v17 =	vmul.f32 v63, v17  }
0xda: {  	[tilespmem:s31+$0x960] =	vst v18  }
0xdb: {  	s30 =	sadd.s32 $0x1, s30;
	[tilespmem:s31+$0x970] =	vst v17  }
0xdc: {  	s29 =	sadd.s32 $0x1, s29  }
0xdd: {  	p0 =	sne.s32 s29, $0x7D  }
.Ltmp2:
0xde: {  	_ = 	snop;
	(pc) =	sbr.rel @p0 .LBB2_4-.Ltmp2, $4  }
0xdf: {  	[spmem:s3] =	stream.indirect.scatter.add.f32 [tilespmem:s25], [sflag:$0x2], $0x80, s22, s24, $0xb8;
	[tilespmem:$0x1A980] =	vst v63  }
0xe0: {  	_ =	swait.ge [sflag:s21], $0x2800  }
0xe1: {  	[sflag:s21] =	ssyncset.done $0x0  }
0xe2: {  	[sflag:s21] =	ssyncadd.s32 $0xFFFFD800  }
0xe3: {  	s28 =	sshll.u32 s4, $0x6  }
0xe4: {  	[bflag:$0x0] =	sbarrier.arrive $0xFFFF;
	s29 =	sshrl.u32 s8, $0x3;
	s28 =	sor.u32 $0x1C02, s28  }
0xe5: {  	[hbm:s14], [sflag:s28] =	dma.local [spmem:s29], $0x800  }
0xe6: {  	_ =	swait.ge [sflag:s21], $0x800  }
0xe7: {  	[sflag:s21] =	ssyncset.done $0x0  }
0xe8: {  	s30 =	sshrl.u32 s9, $0x3;
	[sflag:s21] =	ssyncadd.s32 $0xFFFFF800  }
0xe9: {  	[hbm:s15], [sflag:s28] =	dma.local [spmem:s30], $0x800  }
0xea: {  	_ =	swait.ge [sflag:s21], $0x800  }
0xeb: {  	[sflag:s21] =	ssyncset.done $0x0  }
0xec: {  	s31 =	sshrl.u32 s10, $0x3;
	[sflag:s21] =	ssyncadd.s32 $0xFFFFF800  }
0xed: {  	[hbm:s16], [sflag:s28] =	dma.local [spmem:s31], $0x800  }
0xee: {  	_ =	swait.ge [sflag:s21], $0x800  }
0xef: {  	[sflag:s21] =	ssyncset.done $0x0  }
0xf0: {  	s30 =	sshrl.u32 s11, $0x3;
	[sflag:s21] =	ssyncadd.s32 $0xFFFFF800  }
0xf1: {  	[hbm:s17], [sflag:s28] =	dma.local [spmem:s30], $0x800  }
0xf2: {  	s5 =	sadd.s32 $0x1, s5;
	_ =	swait.ge [sflag:s21], $0x800  }
0xf3: {  	p0 =	sne.s32 s5, s19;
	[sflag:s21] =	ssyncset.done $0x0  }
.Ltmp3:
0xf4: {  	s31 =	sshrl.u32 s12, $0x3;
	[sflag:s21] =	ssyncadd.s32 $0xFFFFF800;
	(pc) =	sbr.rel @p0 .LBB2_1-.Ltmp3, $4  }
0xf5: {  	[hbm:s18], [sflag:s28] =	dma.local [spmem:s31], $0x800  }
0xf6: {  	_ =	swait.ge [sflag:s21], $0x800  }
0xf7: {  	[sflag:s21] =	ssyncset.done $0x0  }
0xf8: {  	[sflag:s21] =	ssyncadd.s32 $0xFFFFF800  }
0xf9: {  	_ =	sfence.sel $0x180000  }
0xfa: {  	[bflag:$0x0] =	sbarrier.arrive $0xFFFF  }
0xfb: {  	p0 =	sne.s32 s4, $0x0;
	_ =	strace $0x90000047  }
0xfc: {  	s0 =	sadd.s32 @!p0 $0x100000, s0;
	[bflag:$0x2] =	sbarrier.arrive $0xFFFF  }
0xfd: {  	[sflag:s0] =	ssyncadd.tile.s32 @!p0 $0x1;
	_ =	shalt  }
.Lfunc_end2:
_tile_overlayer_lowered:
.L_overlay_start_2:
0xfe: {  	(tag) =	ssettag $0x2  }
0xff: {  	s0 =	rddreg [dreg:$0x0];
	s2 =	stileid.u32  }
0x100: {  	s1 =	rddreg [dreg:$0x1];
	p0 =	sne.s32 s2, $0x0  }
0x101: {  	s3 =	rddreg [dreg:$0x2];
	[bflag:$0x3] =	sbarrier.arrive $0xFFFF;
	s2 =	simm.s32 @!p0 $0x1C02  }
0x102: {  	[timem:s3], [sflag:s2] =	dma.local @!p0 [hbm:s0], s1  }
0x103: {  	s0 =	simm.s32 @!p0 $0x2  }
0x104: {  	_ =	swait.ge @!p0 [sflag:s0], s1  }
0x105: {  	s1 =	ssub.s32 @!p0 $0x0, s1;
	[sflag:s0] =	ssyncset.done @!p0 $0x0  }
0x106: {  	[sflag:s0] =	ssyncadd.s32 @!p0 s1  }
0x107: {  	[bflag:$0x3] =	sbarrier.arrive $0xFFFF  }
0x108: {  	_ =	shalt  }

</sc_bundles>
